<compile_context>
chip_gen: v7x
topology: tpu7x:2x2x1
jax: 0.10.2.dev20260603
libtpu: 0.0.44.dev20260713+nightly
codegen_flags: <defaults>
</compile_context>

<pallas_src>
import jax
import jax.numpy as jnp
from jax import lax
from jax.experimental import pallas as pl
from jax.experimental.pallas import tpu as pltpu
from jax.experimental.pallas import tpu_sc as plsc

D = 128
DH = D // 2
NC, NS = 2, 16
NPAD = 10240
ZSTR = NPAD // NS
CH = 128
NB = 4

_mesh = plsc.VectorSubcoreMesh(
    core_axis_name="c", subcore_axis_name="s", num_cores=NC, num_subcores=NS
)
_params = pltpu.CompilerParams(
    needs_layout_passes=False, use_tc_tiling_on_sc=False
)


def _worker():
    return lax.axis_index("c"), lax.axis_index("s")


def _fill_1d(ref, n, val):
    v16 = jnp.full((16,), val, jnp.float32)

    @pl.loop(0, n // 16)
    def _(i):
        ref[pl.ds(i * 16, 16)] = v16


def _make_scatter_kernel(nchunk, gcol, with_counts):
    ngroups = nchunk // NB
    base_g = ngroups // NS
    rem_c = nchunk - base_g * NS * NB
    outs = [
        jax.ShapeDtypeStruct((NPAD, DH), jnp.float32),
        jax.ShapeDtypeStruct((NPAD, DH), jnp.float32),
    ]
    if with_counts:
        outs += [
            jax.ShapeDtypeStruct((NPAD,), jnp.float32),
        ]
    scratch = (
        [pltpu.VMEM_SHARED((NPAD, DH), jnp.float32)]
        + [pltpu.VMEM_SHARED((NPAD, DH), jnp.float32)]
        + [pltpu.VMEM((2, NB, CH), jnp.int32)]
        + [pltpu.VMEM((CH, DH), jnp.float32) for _ in range(NB)]
        + [pltpu.SemaphoreType.DMA]
        + [pltpu.SemaphoreType.DMA for _ in range(NB)]
        + [pltpu.SemaphoreType.DMA for _ in range(NB)]
    )
    if with_counts:
        scratch += [
            pltpu.VMEM_SHARED((NPAD,), jnp.float32),
            pltpu.VMEM_SHARED((NPAD,), jnp.float32),
            pltpu.VMEM((CH,), jnp.float32),
            pltpu.VMEM((ZSTR,), jnp.float32),
            pltpu.SemaphoreType.DMA,
            pltpu.SemaphoreType.DMA,
        ]

    def body(src0_hbm, src1_hbm, eidx_hbm, *rest):
        if with_counts:
            (half0, half1, dinv_out, acc, xsp, pix, *rest2) = rest
            rows = rest2[:NB]
            isem = rest2[NB]
            gsems = rest2[NB + 1:2 * NB + 1]
            ssems = rest2[2 * NB + 1:3 * NB + 1]
            cnt_d, cnt_b, ones, zcnt, dsem, bsem = rest2[3 * NB + 1:]
        else:
            (half0, half1, acc, xsp, pix, *rest2) = rest
            rows = rest2[:NB]
            isem = rest2[NB]
            gsems = rest2[NB + 1:2 * NB + 1]
            ssems = rest2[2 * NB + 1:3 * NB + 1]
        c, s = _worker()
        z16 = jnp.zeros((16,), jnp.float32)

        @pl.loop(0, CH * (DH // 16))
        def _(t):
            rows[0][t // (DH // 16), pl.ds((t % (DH // 16)) * 16, 16)] = z16

        @pl.loop(0, ZSTR // CH)
        def _(q):
            pltpu.sync_copy(rows[0], acc.at[pl.ds(s * ZSTR + q * CH, CH)])

        if with_counts:
            _fill_1d(ones, CH, 1.0)
            _fill_1d(zcnt, ZSTR, 0.0)
            pltpu.sync_copy(zcnt, cnt_d.at[pl.ds(s * ZSTR, ZSTR)])
            pltpu.sync_copy(zcnt, cnt_b.at[pl.ds(s * ZSTR, ZSTR)])

        stl = pl.ds(s * ZSTR, ZSTR)

        @pl.when(c == 0)
        def _():
            pltpu.sync_copy(src0_hbm.at[stl], xsp.at[stl])

        @pl.when(c == 1)
        def _():
            pltpu.sync_copy(src1_hbm.at[stl], xsp.at[stl])

        plsc.subcore_barrier()

        def do_group(cb, nb):
            d0 = pltpu.async_copy(eidx_hbm.at[0, pl.ds(cb, nb)],
                                  pix.at[0, pl.ds(0, nb)], isem)
            d1 = pltpu.async_copy(eidx_hbm.at[1, pl.ds(cb, nb)],
                                  pix.at[1, pl.ds(0, nb)], isem)
            d0.wait()
            d1.wait()
            dgs = []
            for b in range(nb):
                if b % 2 == 0:
                    dgs.append(
                        pltpu.async_copy(xsp.at[pix.at[gcol, b]], rows[b],
                                         gsems[b])
                    )
                else:
                    @pl.when(c == 0)
                    def _(b=b):
                        pltpu.async_copy(src0_hbm.at[pix.at[gcol, b]],
                                         rows[b], gsems[b])

                    @pl.when(c == 1)
                    def _(b=b):
                        pltpu.async_copy(src1_hbm.at[pix.at[gcol, b]],
                                         rows[b], gsems[b])
                    dgs.append(
                        pltpu.make_async_copy(src0_hbm.at[pix.at[gcol, b]],
                                              rows[b], gsems[b])
                    )
            dcs = []
            if with_counts:
                for b in range(nb):
                    dcs.append(
                        pltpu.async_copy(ones, cnt_d.at[pix.at[0, b]],
                                         dsem, add=True)
                    )
                    dcs.append(
                        pltpu.async_copy(ones, cnt_b.at[pix.at[1, b]],
                                         bsem, add=True)
                    )
            dss = []
            for b in range(nb):
                dgs[b].wait()
                dss.append(
                    pltpu.async_copy(
                        rows[b], acc.at[pix.at[1 - gcol, b]], ssems[b],
                        add=True,
                    )
                )
            for d in dss:
                d.wait()
            for d in dcs:
                d.wait()

        @pl.loop(0, base_g)
        def _(gq):
            do_group(NB * (gq * NS + s), NB)

        if rem_c:
            @pl.when(s < rem_c)
            def _():
                do_group(NB * base_g * NS + s, 1)

        plsc.subcore_barrier()

        sl = pl.ds(s * ZSTR, ZSTR)
        if with_counts:

            def _recip_inplace():
                @pl.loop(0, ZSTR // 16)
                def _(i):
                    slv = pl.ds(i * 16, 16)
                    v = zcnt[slv]
                    zcnt[slv] = jnp.where(v > 0.0, 1.0 / v, 0.0)

            @pl.when(c == 0)
            def _():
                pltpu.sync_copy(cnt_d.at[sl], zcnt)
                _recip_inplace()
                pltpu.sync_copy(zcnt, dinv_out.at[sl])

            pltpu.sync_copy(cnt_b.at[sl], zcnt)
            _recip_inplace()
            zi = jnp.zeros((16,), jnp.int32)

            @pl.loop(0, ZSTR // CH)
            def _(q):
                rsl = pl.ds(s * ZSTR + q * CH, CH)
                pltpu.sync_copy(acc.at[rsl], rows[0])

                @pl.loop(0, CH)
                def _(i):
                    bs = plsc.load_gather(zcnt, [zi + (q * CH + i)])
                    for k in range(DH // 16):
                        ksl = pl.ds(k * 16, 16)
                        rows[0][i, ksl] = rows[0][i, ksl] * bs

                @pl.when(c == 0)
                def _():
                    pltpu.sync_copy(rows[0], half0.at[rsl])

                @pl.when(c == 1)
                def _():
                    pltpu.sync_copy(rows[0], half1.at[rsl])
        else:

            @pl.when(c == 0)
            def _():
                pltpu.sync_copy(acc.at[sl], half0.at[sl])

            @pl.when(c == 1)
            def _():
                pltpu.sync_copy(acc.at[sl], half1.at[sl])

    return pl.kernel(
        body,
        out_type=tuple(outs) if with_counts else tuple(outs),
        mesh=_mesh,
        scratch_types=scratch,
        compiler_params=_params,
    )


def _mm_body(x_ref, w0_ref, w1_ref, o0_ref, o1_ref):
    xp = x_ref[...]
    o0_ref[...] = jnp.dot(xp, w0_ref[...], preferred_element_type=jnp.float32)
    o1_ref[...] = jnp.dot(xp, w1_ref[...], preferred_element_type=jnp.float32)


def _out_body(q0_ref, q1_ref, dinv_ref, b_ref, o_ref):
    r = jnp.concatenate([q0_ref[...], q1_ref[...]], axis=1)
    r = r * dinv_ref[...] + b_ref[...]
    m = jnp.max(r, axis=1, keepdims=True)
    e = jnp.exp(r - m)
    o_ref[...] = e / jnp.sum(e, axis=1, keepdims=True)


def kernel(X, edge_index, W, bias):
    n, d_in = X.shape
    d_out = W.shape[1]
    e = edge_index.shape[1]
    nchunk = e // CH

    Xp2 = jnp.concatenate(
        [X, jnp.zeros((NPAD - n, d_in), jnp.float32)], axis=0
    ).reshape(NPAD // 2, 2 * d_in)
    z = jnp.zeros((d_in, DH), jnp.float32)
    wp0 = jnp.concatenate(
        [jnp.concatenate([W[:, :DH], z], axis=1),
         jnp.concatenate([z, W[:, :DH]], axis=1)], axis=0)
    wp1 = jnp.concatenate(
        [jnp.concatenate([W[:, DH:], z], axis=1),
         jnp.concatenate([z, W[:, DH:]], axis=1)], axis=0)

    rb = 1024
    x0p, x1p = pl.pallas_call(
        _mm_body,
        grid=(NPAD // rb,),
        in_specs=[
            pl.BlockSpec((rb // 2, 2 * d_in), lambda i: (i, 0)),
            pl.BlockSpec((2 * d_in, d_out), lambda i: (0, 0)),
            pl.BlockSpec((2 * d_in, d_out), lambda i: (0, 0)),
        ],
        out_specs=[
            pl.BlockSpec((rb // 2, D), lambda i: (i, 0)),
            pl.BlockSpec((rb // 2, D), lambda i: (i, 0)),
        ],
        out_shape=[
            jax.ShapeDtypeStruct((NPAD // 2, D), jnp.float32),
            jax.ShapeDtypeStruct((NPAD // 2, D), jnp.float32),
        ],
    )(Xp2, wp0, wp1)
    x0 = x0p.reshape(NPAD, DH)
    x1 = x1p.reshape(NPAD, DH)

    ei3 = edge_index.reshape(2, nchunk, CH)

    ef0, ef1, dinv = _make_scatter_kernel(nchunk, 0, True)(x0, x1, ei3)

    oh0, oh1 = _make_scatter_kernel(nchunk, 1, False)(ef0, ef1, ei3)

    ob = 1000
    dinv_col = dinv.reshape(NPAD, 1)
    bias2 = bias.reshape(1, d_out)
    out = pl.pallas_call(
        _out_body,
        grid=(n // ob,),
        in_specs=[
            pl.BlockSpec((ob, DH), lambda i: (i, 0)),
            pl.BlockSpec((ob, DH), lambda i: (i, 0)),
            pl.BlockSpec((ob, 1), lambda i: (i, 0)),
            pl.BlockSpec((1, d_out), lambda i: (0, 0)),
        ],
        out_specs=pl.BlockSpec((ob, d_out), lambda i: (i, 0)),
        out_shape=jax.ShapeDtypeStruct((n, d_out), jnp.float32),
    )(oh0, oh1, dinv_col, bias2)
    return out

# --- scband reference (transcript-rebuilt; emitter-appended) ---
"""Pipeline reference for scband-model-15436112462638 (READ-ONLY COPY).

The authoritative reference and input builder live on the scoring server;
editing this copy changes nothing except your own understanding.
"""

import jax, jax.numpy as jnp
import numpy as np

N_NODES = 10000
N_EDGE_INCIDENCES = 320000
D_IN = 128
D_OUT = 128


def setup_inputs(seed: int = 0) -> dict:
    key = jax.random.key(seed)
    k1, k2, k3 = jax.random.split(key, 3)
    X = jax.random.normal(k1, (N_NODES, D_IN), dtype=jnp.float32)
    edge_index = jax.random.randint(k2, (2, N_EDGE_INCIDENCES), 0, N_NODES, dtype=jnp.int32)
    # HypergraphConv params: lin (no bias) + output bias (PyG convention)
    W = jax.random.normal(k3, (D_IN, D_OUT), dtype=jnp.float32) * (1.0 / np.sqrt(D_IN))
    bias = jnp.zeros((D_OUT,), dtype=jnp.float32)
    return {"X": X, "edge_index": edge_index, "W": W, "bias": bias}


def reference(X, edge_index, W, bias):
    # PyG HypergraphConv (use_attention=False, heads=1):
    #   out = D^{-1} H B^{-1} H^T (X W) + bias
    N = X.shape[0]
    node_idx = edge_index[0]
    hedge_idx = edge_index[1]
    num_edges = X.shape[0]
    x = X @ W
    ones_e = jnp.ones((node_idx.shape[0],), dtype=x.dtype)
    D = jax.ops.segment_sum(ones_e, node_idx, num_segments=N)
    Dinv = jnp.where(D > 0, 1.0 / D, 0.0)
    B = jax.ops.segment_sum(ones_e, hedge_idx, num_segments=num_edges)
    Binv = jnp.where(B > 0, 1.0 / B, 0.0)
    # node -> hyperedge: gather x by source node, scatter-add into hyperedges, scale by B^{-1}
    edge_feat = Binv[:, None] * jax.ops.segment_sum(jnp.take(x, node_idx, axis=0), hedge_idx, num_segments=num_edges)
    # hyperedge -> node: gather edge features, scatter-add into nodes, scale by D^{-1}
    out = Dinv[:, None] * jax.ops.segment_sum(jnp.take(edge_feat, hedge_idx, axis=0), node_idx, num_segments=N)
    out = out + bias
    return jax.nn.softmax(out, axis=1)

if __name__ == "__main__":
    import jax
    _d = setup_inputs()
    print(jax.jit(kernel)(*tuple(_d.values())))

</pallas_src>

<mosaic_0001>
#map = affine_map<(d0, d1) -> (0, 0)>
#map1 = affine_map<(d0, d1) -> (0, 0, 0)>
module attributes {stable_mosaic.version = 14 : i64} {
  func.func @body(%arg0: i32, %arg1: i32, %arg2: memref<10240x64xf32, #tpu.memory_space<hbm>>, %arg3: memref<10240x64xf32, #tpu.memory_space<hbm>>, %arg4: memref<2x2500x128xi32, #tpu.memory_space<hbm>>, %arg5: memref<10240x64xf32, #tpu.memory_space<hbm>>, %arg6: memref<10240x64xf32, #tpu.memory_space<hbm>>, %arg7: memref<10240x64xf32, #tpu.memory_space<vmem_shared>>, %arg8: memref<10240x64xf32, #tpu.memory_space<vmem_shared>>, %arg9: memref<2x4x128xi32, #tpu.memory_space<vmem>>, %arg10: memref<128x64xf32, #tpu.memory_space<vmem>>, %arg11: memref<128x64xf32, #tpu.memory_space<vmem>>, %arg12: memref<128x64xf32, #tpu.memory_space<vmem>>, %arg13: memref<128x64xf32, #tpu.memory_space<vmem>>, %arg14: memref<!tpu.dma_semaphore, #tpu.memory_space<semaphore_mem>>, %arg15: memref<!tpu.dma_semaphore, #tpu.memory_space<semaphore_mem>>, %arg16: memref<!tpu.dma_semaphore, #tpu.memory_space<semaphore_mem>>, %arg17: memref<!tpu.dma_semaphore, #tpu.memory_space<semaphore_mem>>, %arg18: memref<!tpu.dma_semaphore, #tpu.memory_space<semaphore_mem>>, %arg19: memref<!tpu.dma_semaphore, #tpu.memory_space<semaphore_mem>>, %arg20: memref<!tpu.dma_semaphore, #tpu.memory_space<semaphore_mem>>, %arg21: memref<!tpu.dma_semaphore, #tpu.memory_space<semaphore_mem>>, %arg22: memref<!tpu.dma_semaphore, #tpu.memory_space<semaphore_mem>>) attributes {dimension_semantics = [#tpu.dimension_semantics<core_parallel>, #tpu.dimension_semantics<subcore_parallel>], iteration_bounds = array<i64: 2, 16>, scalar_prefetch = 0 : i64, scratch_operands = 16 : i64, tpu.core_type = #tpu.core_type<sc_vector_subcore>, window_params = [{transform_indices = #map}, {transform_indices = #map}, {transform_indices = #map1}, {transform_indices = #map}, {transform_indices = #map}]} {
    %broadcast_in_dim3A = arith.constant 0.000000e+00 : f32
    %broadcast_in_dim3A_0 = vector.broadcast %broadcast_in_dim3A : f32 to vector<16xf32>
    %scan3A = arith.constant 0 : i32
    %scan3A_1 = arith.constant 512 : i32
    %scan3A_2 = arith.addi %scan3A, %scan3A_1 : i32
    %scan3A_3 = arith.constant 1 : i32
    scf.for %scan3A_40 = %scan3A to %scan3A_2 step %scan3A_3  : i32 {
      %mul3A_41 = arith.constant 1 : i32
      %mul3A_42 = arith.muli %scan3A_40, %mul3A_41 : i32
      %add3A = arith.constant 0 : i32
      %add3A_43 = arith.addi %add3A, %mul3A_42 : i32
      %jit3A = arith.constant 4 : i32
      %div3A = arith.divsi %add3A_43, %jit3A : i32
      %sign3A = arith.constant 0 : i32
      %sign3A_44 = arith.cmpi sgt, %add3A_43, %sign3A : i32
      %sign3A_45 = arith.extui %sign3A_44 : i1 to i32
      %sign3A_46 = arith.constant 0 : i32
      %sign3A_47 = arith.cmpi slt, %add3A_43, %sign3A_46 : i32
      %sign3A_48 = arith.extui %sign3A_47 : i1 to i32
      %sign3A_49 = arith.subi %sign3A_45, %sign3A_48 : i32
      %sign3A_50 = arith.constant 0 : i32
      %sign3A_51 = arith.cmpi sgt, %jit3A, %sign3A_50 : i32
      %sign3A_52 = arith.extui %sign3A_51 : i1 to i32
      %sign3A_53 = arith.constant 0 : i32
      %sign3A_54 = arith.cmpi slt, %jit3A, %sign3A_53 : i32
      %sign3A_55 = arith.extui %sign3A_54 : i1 to i32
      %sign3A_56 = arith.subi %sign3A_52, %sign3A_55 : i32
      %ne3A = arith.cmpi ne, %sign3A_49, %sign3A_56 : i32
      %rem3A = arith.remsi %add3A_43, %jit3A : i32
      %ne3A_57 = arith.constant 0 : i32
      %ne3A_58 = arith.cmpi ne, %rem3A, %ne3A_57 : i32
      %and3A = arith.andi %ne3A, %ne3A_58 : i1
      %sub3A = arith.constant 1 : i32
      %sub3A_59 = arith.subi %div3A, %sub3A : i32
      %select_n3A = arith.select %and3A, %sub3A_59, %div3A : i32
      %jit3A_60 = arith.constant 4 : i32
      %eq3A_61 = arith.constant 0 : i32
      %eq3A_62 = arith.cmpi eq, %jit3A_60, %eq3A_61 : i32
      %jit3A_63 = arith.constant 1 : i32
      %select_n3A_64 = arith.select %eq3A_62, %jit3A_63, %jit3A_60 : i32
      %rem3A_65 = arith.remsi %add3A_43, %select_n3A_64 : i32
      %ne3A_66 = arith.constant 0 : i32
      %ne3A_67 = arith.cmpi ne, %rem3A_65, %ne3A_66 : i32
      %lt3A_68 = arith.constant 0 : i32
      %lt3A_69 = arith.cmpi slt, %rem3A_65, %lt3A_68 : i32
      %lt3A_70 = arith.constant 0 : i32
      %lt3A_71 = arith.cmpi slt, %select_n3A_64, %lt3A_70 : i32
      %ne3A_72 = arith.xori %lt3A_69, %lt3A_71 : i1
      %and3A_73 = arith.andi %ne3A_72, %ne3A_67 : i1
      %add3A_74 = arith.addi %rem3A_65, %select_n3A_64 : i32
      %select_n3A_75 = arith.select %and3A_73, %add3A_74, %rem3A_65 : i32
      %mul3A_76 = arith.constant 16 : i32
      %mul3A_77 = arith.muli %select_n3A_75, %mul3A_76 : i32
      %swap3A = arith.index_cast %select_n3A : i32 to index
      %swap3A_78 = arith.index_cast %mul3A_77 : i32 to index
      %swap3A_79 = tpu.vector_load %arg10[%swap3A, %swap3A_78] {strides = array<i32>} : memref<128x64xf32, #tpu.memory_space<vmem>>, vector<16xf32>,
      tpu.vector_store %arg10[%swap3A, %swap3A_78], %broadcast_in_dim3A_0 {strides = array<i32>} : memref<128x64xf32, #tpu.memory_space<vmem>>, vector<16xf32>,
    }
    %scan3A_4 = arith.constant 512 : i32
    %scan3A_5 = arith.constant 0 : i32
    %scan3A_6 = arith.constant 5 : i32
    %scan3A_7 = arith.addi %scan3A_5, %scan3A_6 : i32
    %scan3A_8 = arith.constant 1 : i32
    scf.for %scan3A_40 = %scan3A_5 to %scan3A_7 step %scan3A_8  : i32 {
      %mul3A_41 = arith.constant 1 : i32
      %mul3A_42 = arith.muli %scan3A_40, %mul3A_41 : i32
      %add3A = arith.constant 0 : i32
      %add3A_43 = arith.addi %add3A, %mul3A_42 : i32
      %mul3A_44 = arith.constant 640 : i32
      %mul3A_45 = arith.muli %arg1, %mul3A_44 : i32
      %mul3A_46 = arith.constant 128 : i32
      %mul3A_47 = arith.muli %add3A_43, %mul3A_46 : i32
      %add3A_48 = arith.addi %mul3A_45, %mul3A_47 : i32
      "tpu.region"() ({
        %run_scoped3A = tpu.sem_alloc : memref<!tpu.dma_semaphore, #tpu.memory_space<semaphore_mem>>
        %dma_start3A = arith.constant 0 : i32
        %dma_start3A_49 = tpu.memref_slice %arg7[%add3A_48, %dma_start3A] : memref<10240x64xf32, #tpu.memory_space<vmem_shared>> -> memref<128x64xf32, #tpu.memory_space<vmem_shared>>
        %dma_start3A_50 = arith.constant 0 : i32
        %dma_start3A_51 = tpu.memref_slice %arg7[%add3A_48, %dma_start3A_50] : memref<10240x64xf32, #tpu.memory_space<vmem_shared>> -> memref<128x64xf32, #tpu.memory_space<vmem_shared>>
        tpu.enqueue_dma source(%arg10 : memref<128x64xf32, #tpu.memory_space<vmem>>) target(%dma_start3A_51 : memref<128x64xf32, #tpu.memory_space<vmem_shared>>) target_semaphore(%run_scoped3A : memref<!tpu.dma_semaphore, #tpu.memory_space<semaphore_mem>>)
        %dma_wait3A = arith.constant 0 : i32
        %dma_wait3A_52 = tpu.memref_slice %arg7[%add3A_48, %dma_wait3A] : memref<10240x64xf32, #tpu.memory_space<vmem_shared>> -> memref<128x64xf32, #tpu.memory_space<vmem_shared>>
        %dma_wait3A_53 = arith.constant 0 : i32
        %dma_wait3A_54 = tpu.memref_slice %arg7[%add3A_48, %dma_wait3A_53] : memref<10240x64xf32, #tpu.memory_space<vmem_shared>> -> memref<128x64xf32, #tpu.memory_space<vmem_shared>>
        tpu.wait_dma2 semaphore(%run_scoped3A : memref<!tpu.dma_semaphore, #tpu.memory_space<semaphore_mem>>) src(%arg10 : memref<128x64xf32, #tpu.memory_space<vmem>>) dst(%dma_wait3A_54 : memref<128x64xf32, #tpu.memory_space<vmem_shared>>)
        tpu.yield
      }) : () -> ()
    }
    %scan3A_9 = arith.constant 5 : i32
    %mul3A = arith.constant 640 : i32
    %mul3A_10 = arith.muli %arg1, %mul3A : i32
    %eq3A = arith.constant 0 : i32
    %eq3A_11 = arith.cmpi eq, %arg0, %eq3A : i32
    %convert_element_type3A = arith.extui %eq3A_11 : i1 to i32
    %cond3A = arith.constant 0 : i32
    %cond3A_12 = arith.cmpi ne, %convert_element_type3A, %cond3A : i32
    scf.if %cond3A_12 {
      "tpu.region"() ({
        %run_scoped3A = tpu.sem_alloc : memref<!tpu.dma_semaphore, #tpu.memory_space<semaphore_mem>>
        %dma_start3A = arith.constant 0 : i32
        %dma_start3A_40 = tpu.memref_slice %arg8[%mul3A_10, %dma_start3A] : memref<10240x64xf32, #tpu.memory_space<vmem_shared>> -> memref<640x64xf32, #tpu.memory_space<vmem_shared>>
        %dma_start3A_41 = arith.constant 0 : i32
        %dma_start3A_42 = tpu.memref_slice %arg2[%mul3A_10, %dma_start3A_41] : memref<10240x64xf32, #tpu.memory_space<hbm>> -> memref<640x64xf32, #tpu.memory_space<hbm>>
        tpu.enqueue_dma source(%dma_start3A_42 : memref<640x64xf32, #tpu.memory_space<hbm>>) target(%dma_start3A_40 : memref<640x64xf32, #tpu.memory_space<vmem_shared>>) target_semaphore(%run_scoped3A : memref<!tpu.dma_semaphore, #tpu.memory_space<semaphore_mem>>)
        %dma_wait3A = arith.constant 0 : i32
        %dma_wait3A_43 = tpu.memref_slice %arg8[%mul3A_10, %dma_wait3A] : memref<10240x64xf32, #tpu.memory_space<vmem_shared>> -> memref<640x64xf32, #tpu.memory_space<vmem_shared>>
        %dma_wait3A_44 = arith.constant 0 : i32
        %dma_wait3A_45 = tpu.memref_slice %arg2[%mul3A_10, %dma_wait3A_44] : memref<10240x64xf32, #tpu.memory_space<hbm>> -> memref<640x64xf32, #tpu.memory_space<hbm>>
        tpu.wait_dma2 semaphore(%run_scoped3A : memref<!tpu.dma_semaphore, #tpu.memory_space<semaphore_mem>>) src(%dma_wait3A_45 : memref<640x64xf32, #tpu.memory_space<hbm>>) dst(%dma_wait3A_43 : memref<640x64xf32, #tpu.memory_space<vmem_shared>>)
        tpu.yield
      }) : () -> ()
    } else {
    }
    %eq3A_13 = arith.constant 1 : i32
    %eq3A_14 = arith.cmpi eq, %arg0, %eq3A_13 : i32
    %convert_element_type3A_15 = arith.extui %eq3A_14 : i1 to i32
    %cond3A_16 = arith.constant 0 : i32
    %cond3A_17 = arith.cmpi ne, %convert_element_type3A_15, %cond3A_16 : i32
    scf.if %cond3A_17 {
      "tpu.region"() ({
        %run_scoped3A = tpu.sem_alloc : memref<!tpu.dma_semaphore, #tpu.memory_space<semaphore_mem>>
        %dma_start3A = arith.constant 0 : i32
        %dma_start3A_40 = tpu.memref_slice %arg8[%mul3A_10, %dma_start3A] : memref<10240x64xf32, #tpu.memory_space<vmem_shared>> -> memref<640x64xf32, #tpu.memory_space<vmem_shared>>
        %dma_start3A_41 = arith.constant 0 : i32
        %dma_start3A_42 = tpu.memref_slice %arg3[%mul3A_10, %dma_start3A_41] : memref<10240x64xf32, #tpu.memory_space<hbm>> -> memref<640x64xf32, #tpu.memory_space<hbm>>
        tpu.enqueue_dma source(%dma_start3A_42 : memref<640x64xf32, #tpu.memory_space<hbm>>) target(%dma_start3A_40 : memref<640x64xf32, #tpu.memory_space<vmem_shared>>) target_semaphore(%run_scoped3A : memref<!tpu.dma_semaphore, #tpu.memory_space<semaphore_mem>>)
        %dma_wait3A = arith.constant 0 : i32
        %dma_wait3A_43 = tpu.memref_slice %arg8[%mul3A_10, %dma_wait3A] : memref<10240x64xf32, #tpu.memory_space<vmem_shared>> -> memref<640x64xf32, #tpu.memory_space<vmem_shared>>
        %dma_wait3A_44 = arith.constant 0 : i32
        %dma_wait3A_45 = tpu.memref_slice %arg3[%mul3A_10, %dma_wait3A_44] : memref<10240x64xf32, #tpu.memory_space<hbm>> -> memref<640x64xf32, #tpu.memory_space<hbm>>
        tpu.wait_dma2 semaphore(%run_scoped3A : memref<!tpu.dma_semaphore, #tpu.memory_space<semaphore_mem>>) src(%dma_wait3A_45 : memref<640x64xf32, #tpu.memory_space<hbm>>) dst(%dma_wait3A_43 : memref<640x64xf32, #tpu.memory_space<vmem_shared>>)
        tpu.yield
      }) : () -> ()
    } else {
    }
    %barrier3A = arith.constant 0 : index
    tpu.barrier barrier_id(%barrier3A)
    %scan3A_18 = arith.constant 0 : i32
    %scan3A_19 = arith.constant 39 : i32
    %scan3A_20 = arith.addi %scan3A_18, %scan3A_19 : i32
    %scan3A_21 = arith.constant 1 : i32
    scf.for %scan3A_40 = %scan3A_18 to %scan3A_20 step %scan3A_21  : i32 {
      %mul3A_41 = arith.constant 1 : i32
      %mul3A_42 = arith.muli %scan3A_40, %mul3A_41 : i32
      %add3A = arith.constant 0 : i32
      %add3A_43 = arith.addi %add3A, %mul3A_42 : i32
      %mul3A_44 = arith.constant 16 : i32
      %mul3A_45 = arith.muli %add3A_43, %mul3A_44 : i32
      %add3A_46 = arith.addi %mul3A_45, %arg1 : i32
      %mul3A_47 = arith.constant 4 : i32
      %mul3A_48 = arith.muli %mul3A_47, %add3A_46 : i32
      %dma_start3A = arith.constant 0 : i32
      %dma_start3A_49 = arith.constant 0 : i32
      %dma_start3A_50 = arith.constant 0 : i32
      %dma_start3A_51 = arith.constant 0 : i32
      %dma_start3A_52 = tpu.memref_slice %arg9[%dma_start3A_49, %dma_start3A_50, %dma_start3A_51] : memref<2x4x128xi32, #tpu.memory_space<vmem>> -> memref<1x4x128xi32, #tpu.memory_space<vmem>>
      %dma_start3A_53 = tpu.memref_squeeze %dma_start3A_52 : memref<1x4x128xi32, #tpu.memory_space<vmem>> -> memref<4x128xi32, #tpu.memory_space<vmem>>
      %dma_start3A_54 = arith.constant 0 : i32
      %dma_start3A_55 = tpu.memref_slice %arg4[%dma_start3A, %mul3A_48, %dma_start3A_54] : memref<2x2500x128xi32, #tpu.memory_space<hbm>> -> memref<1x4x128xi32, #tpu.memory_space<hbm>>
      %dma_start3A_56 = tpu.memref_squeeze %dma_start3A_55 : memref<1x4x128xi32, #tpu.memory_space<hbm>> -> memref<4x128xi32, #tpu.memory_space<hbm>>
      %dma_start3A_57 = arith.constant 0 : i32
      %dma_start3A_58 = arith.constant 0 : i32
      %dma_start3A_59 = tpu.memref_slice %arg9[%dma_start3A_49, %dma_start3A_57, %dma_start3A_58] : memref<2x4x128xi32, #tpu.memory_space<vmem>> -> memref<1x4x128xi32, #tpu.memory_space<vmem>>
      %dma_start3A_60 = tpu.memref_squeeze %dma_start3A_59 : memref<1x4x128xi32, #tpu.memory_space<vmem>> -> memref<4x128xi32, #tpu.memory_space<vmem>>
      %dma_start3A_61 = arith.constant 0 : i32
      %dma_start3A_62 = tpu.memref_slice %arg4[%dma_start3A, %mul3A_48, %dma_start3A_61] : memref<2x2500x128xi32, #tpu.memory_space<hbm>> -> memref<1x4x128xi32, #tpu.memory_space<hbm>>
      %dma_start3A_63 = tpu.memref_squeeze %dma_start3A_62 : memref<1x4x128xi32, #tpu.memory_space<hbm>> -> memref<4x128xi32, #tpu.memory_space<hbm>>
      tpu.enqueue_dma source(%dma_start3A_63 : memref<4x128xi32, #tpu.memory_space<hbm>>) target(%dma_start3A_60 : memref<4x128xi32, #tpu.memory_space<vmem>>) target_semaphore(%arg14 : memref<!tpu.dma_semaphore, #tpu.memory_space<semaphore_mem>>)
      %dma_start3A_64 = arith.constant 1 : i32
      %dma_start3A_65 = arith.constant 1 : i32
      %dma_start3A_66 = arith.constant 0 : i32
      %dma_start3A_67 = arith.constant 0 : i32
      %dma_start3A_68 = tpu.memref_slice %arg9[%dma_start3A_65, %dma_start3A_66, %dma_start3A_67] : memref<2x4x128xi32, #tpu.memory_space<vmem>> -> memref<1x4x128xi32, #tpu.memory_space<vmem>>
      %dma_start3A_69 = tpu.memref_squeeze %dma_start3A_68 : memref<1x4x128xi32, #tpu.memory_space<vmem>> -> memref<4x128xi32, #tpu.memory_space<vmem>>
      %dma_start3A_70 = arith.constant 0 : i32
      %dma_start3A_71 = tpu.memref_slice %arg4[%dma_start3A_64, %mul3A_48, %dma_start3A_70] : memref<2x2500x128xi32, #tpu.memory_space<hbm>> -> memref<1x4x128xi32, #tpu.memory_space<hbm>>
      %dma_start3A_72 = tpu.memref_squeeze %dma_start3A_71 : memref<1x4x128xi32, #tpu.memory_space<hbm>> -> memref<4x128xi32, #tpu.memory_space<hbm>>
      %dma_start3A_73 = arith.constant 0 : i32
      %dma_start3A_74 = arith.constant 0 : i32
      %dma_start3A_75 = tpu.memref_slice %arg9[%dma_start3A_65, %dma_start3A_73, %dma_start3A_74] : memref<2x4x128xi32, #tpu.memory_space<vmem>> -> memref<1x4x128xi32, #tpu.memory_space<vmem>>
      %dma_start3A_76 = tpu.memref_squeeze %dma_start3A_75 : memref<1x4x128xi32, #tpu.memory_space<vmem>> -> memref<4x128xi32, #tpu.memory_space<vmem>>
      %dma_start3A_77 = arith.constant 0 : i32
      %dma_start3A_78 = tpu.memref_slice %arg4[%dma_start3A_64, %mul3A_48, %dma_start3A_77] : memref<2x2500x128xi32, #tpu.memory_space<hbm>> -> memref<1x4x128xi32, #tpu.memory_space<hbm>>
      %dma_start3A_79 = tpu.memref_squeeze %dma_start3A_78 : memref<1x4x128xi32, #tpu.memory_space<hbm>> -> memref<4x128xi32, #tpu.memory_space<hbm>>
      tpu.enqueue_dma source(%dma_start3A_79 : memref<4x128xi32, #tpu.memory_space<hbm>>) target(%dma_start3A_76 : memref<4x128xi32, #tpu.memory_space<vmem>>) target_semaphore(%arg14 : memref<!tpu.dma_semaphore, #tpu.memory_space<semaphore_mem>>)
      %dma_wait3A = arith.constant 0 : i32
      %dma_wait3A_80 = arith.constant 0 : i32
      %dma_wait3A_81 = arith.constant 0 : i32
      %dma_wait3A_82 = arith.constant 0 : i32
      %dma_wait3A_83 = tpu.memref_slice %arg9[%dma_wait3A_80, %dma_wait3A_81, %dma_wait3A_82] : memref<2x4x128xi32, #tpu.memory_space<vmem>> -> memref<1x4x128xi32, #tpu.memory_space<vmem>>
      %dma_wait3A_84 = tpu.memref_squeeze %dma_wait3A_83 : memref<1x4x128xi32, #tpu.memory_space<vmem>> -> memref<4x128xi32, #tpu.memory_space<vmem>>
      %dma_wait3A_85 = arith.constant 0 : i32
      %dma_wait3A_86 = tpu.memref_slice %arg4[%dma_wait3A, %mul3A_48, %dma_wait3A_85] : memref<2x2500x128xi32, #tpu.memory_space<hbm>> -> memref<1x4x128xi32, #tpu.memory_space<hbm>>
      %dma_wait3A_87 = tpu.memref_squeeze %dma_wait3A_86 : memref<1x4x128xi32, #tpu.memory_space<hbm>> -> memref<4x128xi32, #tpu.memory_space<hbm>>
      %dma_wait3A_88 = arith.constant 0 : i32
      %dma_wait3A_89 = arith.constant 0 : i32
      %dma_wait3A_90 = tpu.memref_slice %arg9[%dma_wait3A_80, %dma_wait3A_88, %dma_wait3A_89] : memref<2x4x128xi32, #tpu.memory_space<vmem>> -> memref<1x4x128xi32, #tpu.memory_space<vmem>>
      %dma_wait3A_91 = tpu.memref_squeeze %dma_wait3A_90 : memref<1x4x128xi32, #tpu.memory_space<vmem>> -> memref<4x128xi32, #tpu.memory_space<vmem>>
      %dma_wait3A_92 = arith.constant 0 : i32
      %dma_wait3A_93 = tpu.memref_slice %arg4[%dma_wait3A, %mul3A_48, %dma_wait3A_92] : memref<2x2500x128xi32, #tpu.memory_space<hbm>> -> memref<1x4x128xi32, #tpu.memory_space<hbm>>
      %dma_wait3A_94 = tpu.memref_squeeze %dma_wait3A_93 : memref<1x4x128xi32, #tpu.memory_space<hbm>> -> memref<4x128xi32, #tpu.memory_space<hbm>>
      tpu.wait_dma2 semaphore(%arg14 : memref<!tpu.dma_semaphore, #tpu.memory_space<semaphore_mem>>) src(%dma_wait3A_94 : memref<4x128xi32, #tpu.memory_space<hbm>>) dst(%dma_wait3A_91 : memref<4x128xi32, #tpu.memory_space<vmem>>)
      %dma_wait3A_95 = arith.constant 1 : i32
      %dma_wait3A_96 = arith.constant 1 : i32
      %dma_wait3A_97 = arith.constant 0 : i32
      %dma_wait3A_98 = arith.constant 0 : i32
      %dma_wait3A_99 = tpu.memref_slice %arg9[%dma_wait3A_96, %dma_wait3A_97, %dma_wait3A_98] : memref<2x4x128xi32, #tpu.memory_space<vmem>> -> memref<1x4x128xi32, #tpu.memory_space<vmem>>
      %dma_wait3A_100 = tpu.memref_squeeze %dma_wait3A_99 : memref<1x4x128xi32, #tpu.memory_space<vmem>> -> memref<4x128xi32, #tpu.memory_space<vmem>>
      %dma_wait3A_101 = arith.constant 0 : i32
      %dma_wait3A_102 = tpu.memref_slice %arg4[%dma_wait3A_95, %mul3A_48, %dma_wait3A_101] : memref<2x2500x128xi32, #tpu.memory_space<hbm>> -> memref<1x4x128xi32, #tpu.memory_space<hbm>>
      %dma_wait3A_103 = tpu.memref_squeeze %dma_wait3A_102 : memref<1x4x128xi32, #tpu.memory_space<hbm>> -> memref<4x128xi32, #tpu.memory_space<hbm>>
      %dma_wait3A_104 = arith.constant 0 : i32
      %dma_wait3A_105 = arith.constant 0 : i32
      %dma_wait3A_106 = tpu.memref_slice %arg9[%dma_wait3A_96, %dma_wait3A_104, %dma_wait3A_105] : memref<2x4x128xi32, #tpu.memory_space<vmem>> -> memref<1x4x128xi32, #tpu.memory_space<vmem>>
      %dma_wait3A_107 = tpu.memref_squeeze %dma_wait3A_106 : memref<1x4x128xi32, #tpu.memory_space<vmem>> -> memref<4x128xi32, #tpu.memory_space<vmem>>
      %dma_wait3A_108 = arith.constant 0 : i32
      %dma_wait3A_109 = tpu.memref_slice %arg4[%dma_wait3A_95, %mul3A_48, %dma_wait3A_108] : memref<2x2500x128xi32, #tpu.memory_space<hbm>> -> memref<1x4x128xi32, #tpu.memory_space<hbm>>
      %dma_wait3A_110 = tpu.memref_squeeze %dma_wait3A_109 : memref<1x4x128xi32, #tpu.memory_space<hbm>> -> memref<4x128xi32, #tpu.memory_space<hbm>>
      tpu.wait_dma2 semaphore(%arg14 : memref<!tpu.dma_semaphore, #tpu.memory_space<semaphore_mem>>) src(%dma_wait3A_110 : memref<4x128xi32, #tpu.memory_space<hbm>>) dst(%dma_wait3A_107 : memref<4x128xi32, #tpu.memory_space<vmem>>)
      %dma_start3A_111 = arith.constant 1 : i32
      %dma_start3A_112 = arith.constant 0 : i32
      %dma_start3A_113 = arith.constant 0 : i32
      %dma_start3A_114 = tpu.memref_slice %arg9[%dma_start3A_111, %dma_start3A_112, %dma_start3A_113] : memref<2x4x128xi32, #tpu.memory_space<vmem>> -> memref<1x1x128xi32, #tpu.memory_space<vmem>>
      %dma_start3A_115 = tpu.memref_squeeze %dma_start3A_114 : memref<1x1x128xi32, #tpu.memory_space<vmem>> -> memref<128xi32, #tpu.memory_space<vmem>>
      %dma_start3A_116 = arith.constant 0 : i32
      %dma_start3A_117 = arith.constant 0 : i32
      %dma_start3A_118 = tpu.memref_slice %arg8[%dma_start3A_116, %dma_start3A_117] : memref<10240x64xf32, #tpu.memory_space<vmem_shared>> -> memref<10240x64xf32, #tpu.memory_space<vmem_shared>>
      tpu.enqueue_indirect_dma source(%dma_start3A_118 : memref<10240x64xf32, #tpu.memory_space<vmem_shared>>) target(%arg10 : memref<128x64xf32, #tpu.memory_space<vmem>>) offsets(%dma_start3A_115 : memref<128xi32, #tpu.memory_space<vmem>>) semaphore(%arg15 : memref<!tpu.dma_semaphore, #tpu.memory_space<semaphore_mem>>)
      %eq3A_119 = arith.constant 0 : i32
      %eq3A_120 = arith.cmpi eq, %arg0, %eq3A_119 : i32
      %convert_element_type3A_121 = arith.extui %eq3A_120 : i1 to i32
      %cond3A_122 = arith.constant 0 : i32
      %cond3A_123 = arith.cmpi ne, %convert_element_type3A_121, %cond3A_122 : i32
      scf.if %cond3A_123 {
        %dma_start3A_243 = arith.constant 1 : i32
        %dma_start3A_244 = arith.constant 1 : i32
        %dma_start3A_245 = arith.constant 0 : i32
        %dma_start3A_246 = tpu.memref_slice %arg9[%dma_start3A_243, %dma_start3A_244, %dma_start3A_245] : memref<2x4x128xi32, #tpu.memory_space<vmem>> -> memref<1x1x128xi32, #tpu.memory_space<vmem>>
        %dma_start3A_247 = tpu.memref_squeeze %dma_start3A_246 : memref<1x1x128xi32, #tpu.memory_space<vmem>> -> memref<128xi32, #tpu.memory_space<vmem>>
        %dma_start3A_248 = arith.constant 0 : i32
        %dma_start3A_249 = arith.constant 0 : i32
        %dma_start3A_250 = tpu.memref_slice %arg2[%dma_start3A_248, %dma_start3A_249] : memref<10240x64xf32, #tpu.memory_space<hbm>> -> memref<10240x64xf32, #tpu.memory_space<hbm>>
        tpu.enqueue_indirect_dma source(%dma_start3A_250 : memref<10240x64xf32, #tpu.memory_space<hbm>>) target(%arg11 : memref<128x64xf32, #tpu.memory_space<vmem>>) offsets(%dma_start3A_247 : memref<128xi32, #tpu.memory_space<vmem>>) semaphore(%arg16 : memref<!tpu.dma_semaphore, #tpu.memory_space<semaphore_mem>>)
      } else {
      }
      %eq3A_124 = arith.constant 1 : i32
      %eq3A_125 = arith.cmpi eq, %arg0, %eq3A_124 : i32
      %convert_element_type3A_126 = arith.extui %eq3A_125 : i1 to i32
      %cond3A_127 = arith.constant 0 : i32
      %cond3A_128 = arith.cmpi ne, %convert_element_type3A_126, %cond3A_127 : i32
      scf.if %cond3A_128 {
        %dma_start3A_243 = arith.constant 1 : i32
        %dma_start3A_244 = arith.constant 1 : i32
        %dma_start3A_245 = arith.constant 0 : i32
        %dma_start3A_246 = tpu.memref_slice %arg9[%dma_start3A_243, %dma_start3A_244, %dma_start3A_245] : memref<2x4x128xi32, #tpu.memory_space<vmem>> -> memref<1x1x128xi32, #tpu.memory_space<vmem>>
        %dma_start3A_247 = tpu.memref_squeeze %dma_start3A_246 : memref<1x1x128xi32, #tpu.memory_space<vmem>> -> memref<128xi32, #tpu.memory_space<vmem>>
        %dma_start3A_248 = arith.constant 0 : i32
        %dma_start3A_249 = arith.constant 0 : i32
        %dma_start3A_250 = tpu.memref_slice %arg3[%dma_start3A_248, %dma_start3A_249] : memref<10240x64xf32, #tpu.memory_space<hbm>> -> memref<10240x64xf32, #tpu.memory_space<hbm>>
        tpu.enqueue_indirect_dma source(%dma_start3A_250 : memref<10240x64xf32, #tpu.memory_space<hbm>>) target(%arg11 : memref<128x64xf32, #tpu.memory_space<vmem>>) offsets(%dma_start3A_247 : memref<128xi32, #tpu.memory_space<vmem>>) semaphore(%arg16 : memref<!tpu.dma_semaphore, #tpu.memory_space<semaphore_mem>>)
      } else {
      }
      %dma_start3A_129 = arith.constant 1 : i32
      %dma_start3A_130 = arith.constant 2 : i32
      %dma_start3A_131 = arith.constant 0 : i32
      %dma_start3A_132 = tpu.memref_slice %arg9[%dma_start3A_129, %dma_start3A_130, %dma_start3A_131] : memref<2x4x128xi32, #tpu.memory_space<vmem>> -> memref<1x1x128xi32, #tpu.memory_space<vmem>>
      %dma_start3A_133 = tpu.memref_squeeze %dma_start3A_132 : memref<1x1x128xi32, #tpu.memory_space<vmem>> -> memref<128xi32, #tpu.memory_space<vmem>>
      %dma_start3A_134 = arith.constant 0 : i32
      %dma_start3A_135 = arith.constant 0 : i32
      %dma_start3A_136 = tpu.memref_slice %arg8[%dma_start3A_134, %dma_start3A_135] : memref<10240x64xf32, #tpu.memory_space<vmem_shared>> -> memref<10240x64xf32, #tpu.memory_space<vmem_shared>>
      tpu.enqueue_indirect_dma source(%dma_start3A_136 : memref<10240x64xf32, #tpu.memory_space<vmem_shared>>) target(%arg12 : memref<128x64xf32, #tpu.memory_space<vmem>>) offsets(%dma_start3A_133 : memref<128xi32, #tpu.memory_space<vmem>>) semaphore(%arg17 : memref<!tpu.dma_semaphore, #tpu.memory_space<semaphore_mem>>)
      %eq3A_137 = arith.constant 0 : i32
      %eq3A_138 = arith.cmpi eq, %arg0, %eq3A_137 : i32
      %convert_element_type3A_139 = arith.extui %eq3A_138 : i1 to i32
      %cond3A_140 = arith.constant 0 : i32
      %cond3A_141 = arith.cmpi ne, %convert_element_type3A_139, %cond3A_140 : i32
      scf.if %cond3A_141 {
        %dma_start3A_243 = arith.constant 1 : i32
        %dma_start3A_244 = arith.constant 3 : i32
        %dma_start3A_245 = arith.constant 0 : i32
        %dma_start3A_246 = tpu.memref_slice %arg9[%dma_start3A_243, %dma_start3A_244, %dma_start3A_245] : memref<2x4x128xi32, #tpu.memory_space<vmem>> -> memref<1x1x128xi32, #tpu.memory_space<vmem>>
        %dma_start3A_247 = tpu.memref_squeeze %dma_start3A_246 : memref<1x1x128xi32, #tpu.memory_space<vmem>> -> memref<128xi32, #tpu.memory_space<vmem>>
        %dma_start3A_248 = arith.constant 0 : i32
        %dma_start3A_249 = arith.constant 0 : i32
        %dma_start3A_250 = tpu.memref_slice %arg2[%dma_start3A_248, %dma_start3A_249] : memref<10240x64xf32, #tpu.memory_space<hbm>> -> memref<10240x64xf32, #tpu.memory_space<hbm>>
        tpu.enqueue_indirect_dma source(%dma_start3A_250 : memref<10240x64xf32, #tpu.memory_space<hbm>>) target(%arg13 : memref<128x64xf32, #tpu.memory_space<vmem>>) offsets(%dma_start3A_247 : memref<128xi32, #tpu.memory_space<vmem>>) semaphore(%arg18 : memref<!tpu.dma_semaphore, #tpu.memory_space<semaphore_mem>>)
      } else {
      }
      %eq3A_142 = arith.constant 1 : i32
      %eq3A_143 = arith.cmpi eq, %arg0, %eq3A_142 : i32
      %convert_element_type3A_144 = arith.extui %eq3A_143 : i1 to i32
      %cond3A_145 = arith.constant 0 : i32
      %cond3A_146 = arith.cmpi ne, %convert_element_type3A_144, %cond3A_145 : i32
      scf.if %cond3A_146 {
        %dma_start3A_243 = arith.constant 1 : i32
        %dma_start3A_244 = arith.constant 3 : i32
        %dma_start3A_245 = arith.constant 0 : i32
        %dma_start3A_246 = tpu.memref_slice %arg9[%dma_start3A_243, %dma_start3A_244, %dma_start3A_245] : memref<2x4x128xi32, #tpu.memory_space<vmem>> -> memref<1x1x128xi32, #tpu.memory_space<vmem>>
        %dma_start3A_247 = tpu.memref_squeeze %dma_start3A_246 : memref<1x1x128xi32, #tpu.memory_space<vmem>> -> memref<128xi32, #tpu.memory_space<vmem>>
        %dma_start3A_248 = arith.constant 0 : i32
        %dma_start3A_249 = arith.constant 0 : i32
        %dma_start3A_250 = tpu.memref_slice %arg3[%dma_start3A_248, %dma_start3A_249] : memref<10240x64xf32, #tpu.memory_space<hbm>> -> memref<10240x64xf32, #tpu.memory_space<hbm>>
        tpu.enqueue_indirect_dma source(%dma_start3A_250 : memref<10240x64xf32, #tpu.memory_space<hbm>>) target(%arg13 : memref<128x64xf32, #tpu.memory_space<vmem>>) offsets(%dma_start3A_247 : memref<128xi32, #tpu.memory_space<vmem>>) semaphore(%arg18 : memref<!tpu.dma_semaphore, #tpu.memory_space<semaphore_mem>>)
      } else {
      }
      %dma_wait3A_147 = arith.constant 1 : i32
      %dma_wait3A_148 = arith.constant 0 : i32
      %dma_wait3A_149 = arith.constant 0 : i32
      %dma_wait3A_150 = tpu.memref_slice %arg9[%dma_wait3A_147, %dma_wait3A_148, %dma_wait3A_149] : memref<2x4x128xi32, #tpu.memory_space<vmem>> -> memref<1x1x128xi32, #tpu.memory_space<vmem>>
      %dma_wait3A_151 = tpu.memref_squeeze %dma_wait3A_150 : memref<1x1x128xi32, #tpu.memory_space<vmem>> -> memref<128xi32, #tpu.memory_space<vmem>>
      %dma_wait3A_152 = arith.constant 0 : i32
      %dma_wait3A_153 = arith.constant 0 : i32
      %dma_wait3A_154 = tpu.memref_slice %arg8[%dma_wait3A_152, %dma_wait3A_153] : memref<10240x64xf32, #tpu.memory_space<vmem_shared>> -> memref<10240x64xf32, #tpu.memory_space<vmem_shared>>
      tpu.wait_indirect_dma semaphore(%arg15 : memref<!tpu.dma_semaphore, #tpu.memory_space<semaphore_mem>>) src(%dma_wait3A_154 : memref<10240x64xf32, #tpu.memory_space<vmem_shared>>) dst(%arg10 : memref<128x64xf32, #tpu.memory_space<vmem>>)
      %dma_start3A_155 = arith.constant 0 : i32
      %dma_start3A_156 = arith.constant 0 : i32
      %dma_start3A_157 = arith.constant 0 : i32
      %dma_start3A_158 = tpu.memref_slice %arg9[%dma_start3A_155, %dma_start3A_156, %dma_start3A_157] : memref<2x4x128xi32, #tpu.memory_space<vmem>> -> memref<1x1x128xi32, #tpu.memory_space<vmem>>
      %dma_start3A_159 = tpu.memref_squeeze %dma_start3A_158 : memref<1x1x128xi32, #tpu.memory_space<vmem>> -> memref<128xi32, #tpu.memory_space<vmem>>
      %dma_start3A_160 = arith.constant 0 : i32
      %dma_start3A_161 = arith.constant 0 : i32
      %dma_start3A_162 = tpu.memref_slice %arg7[%dma_start3A_160, %dma_start3A_161] : memref<10240x64xf32, #tpu.memory_space<vmem_shared>> -> memref<10240x64xf32, #tpu.memory_space<vmem_shared>>
      tpu.enqueue_indirect_dma source(%arg10 : memref<128x64xf32, #tpu.memory_space<vmem>>) target(%dma_start3A_162 : memref<10240x64xf32, #tpu.memory_space<vmem_shared>>) offsets(%dma_start3A_159 : memref<128xi32, #tpu.memory_space<vmem>>) semaphore(%arg19 : memref<!tpu.dma_semaphore, #tpu.memory_space<semaphore_mem>>) {add = true}
      %dma_wait3A_163 = arith.constant 1 : i32
      %dma_wait3A_164 = arith.constant 1 : i32
      %dma_wait3A_165 = arith.constant 0 : i32
      %dma_wait3A_166 = tpu.memref_slice %arg9[%dma_wait3A_163, %dma_wait3A_164, %dma_wait3A_165] : memref<2x4x128xi32, #tpu.memory_space<vmem>> -> memref<1x1x128xi32, #tpu.memory_space<vmem>>
      %dma_wait3A_167 = tpu.memref_squeeze %dma_wait3A_166 : memref<1x1x128xi32, #tpu.memory_space<vmem>> -> memref<128xi32, #tpu.memory_space<vmem>>
      %dma_wait3A_168 = arith.constant 0 : i32
      %dma_wait3A_169 = arith.constant 0 : i32
      %dma_wait3A_170 = tpu.memref_slice %arg2[%dma_wait3A_168, %dma_wait3A_169] : memref<10240x64xf32, #tpu.memory_space<hbm>> -> memref<10240x64xf32, #tpu.memory_space<hbm>>
      tpu.wait_indirect_dma semaphore(%arg16 : memref<!tpu.dma_semaphore, #tpu.memory_space<semaphore_mem>>) src(%dma_wait3A_170 : memref<10240x64xf32, #tpu.memory_space<hbm>>) dst(%arg11 : memref<128x64xf32, #tpu.memory_space<vmem>>)
      %dma_start3A_171 = arith.constant 0 : i32
      %dma_start3A_172 = arith.constant 1 : i32
      %dma_start3A_173 = arith.constant 0 : i32
      %dma_start3A_174 = tpu.memref_slice %arg9[%dma_start3A_171, %dma_start3A_172, %dma_start3A_173] : memref<2x4x128xi32, #tpu.memory_space<vmem>> -> memref<1x1x128xi32, #tpu.memory_space<vmem>>
      %dma_start3A_175 = tpu.memref_squeeze %dma_start3A_174 : memref<1x1x128xi32, #tpu.memory_space<vmem>> -> memref<128xi32, #tpu.memory_space<vmem>>
      %dma_start3A_176 = arith.constant 0 : i32
      %dma_start3A_177 = arith.constant 0 : i32
      %dma_start3A_178 = tpu.memref_slice %arg7[%dma_start3A_176, %dma_start3A_177] : memref<10240x64xf32, #tpu.memory_space<vmem_shared>> -> memref<10240x64xf32, #tpu.memory_space<vmem_shared>>
      tpu.enqueue_indirect_dma source(%arg11 : memref<128x64xf32, #tpu.memory_space<vmem>>) target(%dma_start3A_178 : memref<10240x64xf32, #tpu.memory_space<vmem_shared>>) offsets(%dma_start3A_175 : memref<128xi32, #tpu.memory_space<vmem>>) semaphore(%arg20 : memref<!tpu.dma_semaphore, #tpu.memory_space<semaphore_mem>>) {add = true}
      %dma_wait3A_179 = arith.constant 1 : i32
      %dma_wait3A_180 = arith.constant 2 : i32
      %dma_wait3A_181 = arith.constant 0 : i32
      %dma_wait3A_182 = tpu.memref_slice %arg9[%dma_wait3A_179, %dma_wait3A_180, %dma_wait3A_181] : memref<2x4x128xi32, #tpu.memory_space<vmem>> -> memref<1x1x128xi32, #tpu.memory_space<vmem>>
      %dma_wait3A_183 = tpu.memref_squeeze %dma_wait3A_182 : memref<1x1x128xi32, #tpu.memory_space<vmem>> -> memref<128xi32, #tpu.memory_space<vmem>>
      %dma_wait3A_184 = arith.constant 0 : i32
      %dma_wait3A_185 = arith.constant 0 : i32
      %dma_wait3A_186 = tpu.memref_slice %arg8[%dma_wait3A_184, %dma_wait3A_185] : memref<10240x64xf32, #tpu.memory_space<vmem_shared>> -> memref<10240x64xf32, #tpu.memory_space<vmem_shared>>
      tpu.wait_indirect_dma semaphore(%arg17 : memref<!tpu.dma_semaphore, #tpu.memory_space<semaphore_mem>>) src(%dma_wait3A_186 : memref<10240x64xf32, #tpu.memory_space<vmem_shared>>) dst(%arg12 : memref<128x64xf32, #tpu.memory_space<vmem>>)
      %dma_start3A_187 = arith.constant 0 : i32
      %dma_start3A_188 = arith.constant 2 : i32
      %dma_start3A_189 = arith.constant 0 : i32
      %dma_start3A_190 = tpu.memref_slice %arg9[%dma_start3A_187, %dma_start3A_188, %dma_start3A_189] : memref<2x4x128xi32, #tpu.memory_space<vmem>> -> memref<1x1x128xi32, #tpu.memory_space<vmem>>
      %dma_start3A_191 = tpu.memref_squeeze %dma_start3A_190 : memref<1x1x128xi32, #tpu.memory_space<vmem>> -> memref<128xi32, #tpu.memory_space<vmem>>
      %dma_start3A_192 = arith.constant 0 : i32
      %dma_start3A_193 = arith.constant 0 : i32
      %dma_start3A_194 = tpu.memref_slice %arg7[%dma_start3A_192, %dma_start3A_193] : memref<10240x64xf32, #tpu.memory_space<vmem_shared>> -> memref<10240x64xf32, #tpu.memory_space<vmem_shared>>
      tpu.enqueue_indirect_dma source(%arg12 : memref<128x64xf32, #tpu.memory_space<vmem>>) target(%dma_start3A_194 : memref<10240x64xf32, #tpu.memory_space<vmem_shared>>) offsets(%dma_start3A_191 : memref<128xi32, #tpu.memory_space<vmem>>) semaphore(%arg21 : memref<!tpu.dma_semaphore, #tpu.memory_space<semaphore_mem>>) {add = true}
      %dma_wait3A_195 = arith.constant 1 : i32
      %dma_wait3A_196 = arith.constant 3 : i32
      %dma_wait3A_197 = arith.constant 0 : i32
      %dma_wait3A_198 = tpu.memref_slice %arg9[%dma_wait3A_195, %dma_wait3A_196, %dma_wait3A_197] : memref<2x4x128xi32, #tpu.memory_space<vmem>> -> memref<1x1x128xi32, #tpu.memory_space<vmem>>
      %dma_wait3A_199 = tpu.memref_squeeze %dma_wait3A_198 : memref<1x1x128xi32, #tpu.memory_space<vmem>> -> memref<128xi32, #tpu.memory_space<vmem>>
      %dma_wait3A_200 = arith.constant 0 : i32
      %dma_wait3A_201 = arith.constant 0 : i32
      %dma_wait3A_202 = tpu.memref_slice %arg2[%dma_wait3A_200, %dma_wait3A_201] : memref<10240x64xf32, #tpu.memory_space<hbm>> -> memref<10240x64xf32, #tpu.memory_space<hbm>>
      tpu.wait_indirect_dma semaphore(%arg18 : memref<!tpu.dma_semaphore, #tpu.memory_space<semaphore_mem>>) src(%dma_wait3A_202 : memref<10240x64xf32, #tpu.memory_space<hbm>>) dst(%arg13 : memref<128x64xf32, #tpu.memory_space<vmem>>)
      %dma_start3A_203 = arith.constant 0 : i32
      %dma_start3A_204 = arith.constant 3 : i32
      %dma_start3A_205 = arith.constant 0 : i32
      %dma_start3A_206 = tpu.memref_slice %arg9[%dma_start3A_203, %dma_start3A_204, %dma_start3A_205] : memref<2x4x128xi32, #tpu.memory_space<vmem>> -> memref<1x1x128xi32, #tpu.memory_space<vmem>>
      %dma_start3A_207 = tpu.memref_squeeze %dma_start3A_206 : memref<1x1x128xi32, #tpu.memory_space<vmem>> -> memref<128xi32, #tpu.memory_space<vmem>>
      %dma_start3A_208 = arith.constant 0 : i32
      %dma_start3A_209 = arith.constant 0 : i32
      %dma_start3A_210 = tpu.memref_slice %arg7[%dma_start3A_208, %dma_start3A_209] : memref<10240x64xf32, #tpu.memory_space<vmem_shared>> -> memref<10240x64xf32, #tpu.memory_space<vmem_shared>>
      tpu.enqueue_indirect_dma source(%arg13 : memref<128x64xf32, #tpu.memory_space<vmem>>) target(%dma_start3A_210 : memref<10240x64xf32, #tpu.memory_space<vmem_shared>>) offsets(%dma_start3A_207 : memref<128xi32, #tpu.memory_space<vmem>>) semaphore(%arg22 : memref<!tpu.dma_semaphore, #tpu.memory_space<semaphore_mem>>) {add = true}
      %dma_wait3A_211 = arith.constant 0 : i32
      %dma_wait3A_212 = arith.constant 0 : i32
      %dma_wait3A_213 = arith.constant 0 : i32
      %dma_wait3A_214 = tpu.memref_slice %arg9[%dma_wait3A_211, %dma_wait3A_212, %dma_wait3A_213] : memref<2x4x128xi32, #tpu.memory_space<vmem>> -> memref<1x1x128xi32, #tpu.memory_space<vmem>>
      %dma_wait3A_215 = tpu.memref_squeeze %dma_wait3A_214 : memref<1x1x128xi32, #tpu.memory_space<vmem>> -> memref<128xi32, #tpu.memory_space<vmem>>
      %dma_wait3A_216 = arith.constant 0 : i32
      %dma_wait3A_217 = arith.constant 0 : i32
      %dma_wait3A_218 = tpu.memref_slice %arg7[%dma_wait3A_216, %dma_wait3A_217] : memref<10240x64xf32, #tpu.memory_space<vmem_shared>> -> memref<10240x64xf32, #tpu.memory_space<vmem_shared>>
      tpu.wait_indirect_dma semaphore(%arg19 : memref<!tpu.dma_semaphore, #tpu.memory_space<semaphore_mem>>) src(%arg10 : memref<128x64xf32, #tpu.memory_space<vmem>>) dst(%dma_wait3A_218 : memref<10240x64xf32, #tpu.memory_space<vmem_shared>>)
      %dma_wait3A_219 = arith.constant 0 : i32
      %dma_wait3A_220 = arith.constant 1 : i32
      %dma_wait3A_221 = arith.constant 0 : i32
      %dma_wait3A_222 = tpu.memref_slice %arg9[%dma_wait3A_219, %dma_wait3A_220, %dma_wait3A_221] : memref<2x4x128xi32, #tpu.memory_space<vmem>> -> memref<1x1x128xi32, #tpu.memory_space<vmem>>
      %dma_wait3A_223 = tpu.memref_squeeze %dma_wait3A_222 : memref<1x1x128xi32, #tpu.memory_space<vmem>> -> memref<128xi32, #tpu.memory_space<vmem>>
      %dma_wait3A_224 = arith.constant 0 : i32
      %dma_wait3A_225 = arith.constant 0 : i32
      %dma_wait3A_226 = tpu.memref_slice %arg7[%dma_wait3A_224, %dma_wait3A_225] : memref<10240x64xf32, #tpu.memory_space<vmem_shared>> -> memref<10240x64xf32, #tpu.memory_space<vmem_shared>>
      tpu.wait_indirect_dma semaphore(%arg20 : memref<!tpu.dma_semaphore, #tpu.memory_space<semaphore_mem>>) src(%arg11 : memref<128x64xf32, #tpu.memory_space<vmem>>) dst(%dma_wait3A_226 : memref<10240x64xf32, #tpu.memory_space<vmem_shared>>)
      %dma_wait3A_227 = arith.constant 0 : i32
      %dma_wait3A_228 = arith.constant 2 : i32
      %dma_wait3A_229 = arith.constant 0 : i32
      %dma_wait3A_230 = tpu.memref_slice %arg9[%dma_wait3A_227, %dma_wait3A_228, %dma_wait3A_229] : memref<2x4x128xi32, #tpu.memory_space<vmem>> -> memref<1x1x128xi32, #tpu.memory_space<vmem>>
      %dma_wait3A_231 = tpu.memref_squeeze %dma_wait3A_230 : memref<1x1x128xi32, #tpu.memory_space<vmem>> -> memref<128xi32, #tpu.memory_space<vmem>>
      %dma_wait3A_232 = arith.constant 0 : i32
      %dma_wait3A_233 = arith.constant 0 : i32
      %dma_wait3A_234 = tpu.memref_slice %arg7[%dma_wait3A_232, %dma_wait3A_233] : memref<10240x64xf32, #tpu.memory_space<vmem_shared>> -> memref<10240x64xf32, #tpu.memory_space<vmem_shared>>
      tpu.wait_indirect_dma semaphore(%arg21 : memref<!tpu.dma_semaphore, #tpu.memory_space<semaphore_mem>>) src(%arg12 : memref<128x64xf32, #tpu.memory_space<vmem>>) dst(%dma_wait3A_234 : memref<10240x64xf32, #tpu.memory_space<vmem_shared>>)
      %dma_wait3A_235 = arith.constant 0 : i32
      %dma_wait3A_236 = arith.constant 3 : i32
      %dma_wait3A_237 = arith.constant 0 : i32
      %dma_wait3A_238 = tpu.memref_slice %arg9[%dma_wait3A_235, %dma_wait3A_236, %dma_wait3A_237] : memref<2x4x128xi32, #tpu.memory_space<vmem>> -> memref<1x1x128xi32, #tpu.memory_space<vmem>>
      %dma_wait3A_239 = tpu.memref_squeeze %dma_wait3A_238 : memref<1x1x128xi32, #tpu.memory_space<vmem>> -> memref<128xi32, #tpu.memory_space<vmem>>
      %dma_wait3A_240 = arith.constant 0 : i32
      %dma_wait3A_241 = arith.constant 0 : i32
      %dma_wait3A_242 = tpu.memref_slice %arg7[%dma_wait3A_240, %dma_wait3A_241] : memref<10240x64xf32, #tpu.memory_space<vmem_shared>> -> memref<10240x64xf32, #tpu.memory_space<vmem_shared>>
      tpu.wait_indirect_dma semaphore(%arg22 : memref<!tpu.dma_semaphore, #tpu.memory_space<semaphore_mem>>) src(%arg13 : memref<128x64xf32, #tpu.memory_space<vmem>>) dst(%dma_wait3A_242 : memref<10240x64xf32, #tpu.memory_space<vmem_shared>>)
    }
    %scan3A_22 = arith.constant 39 : i32
    %lt3A = arith.constant 4 : i32
    %lt3A_23 = arith.cmpi slt, %arg1, %lt3A : i32
    %convert_element_type3A_24 = arith.extui %lt3A_23 : i1 to i32
    %cond3A_25 = arith.constant 0 : i32
    %cond3A_26 = arith.cmpi ne, %convert_element_type3A_24, %cond3A_25 : i32
    scf.if %cond3A_26 {
      %add3A = arith.constant 2496 : i32
      %add3A_40 = arith.addi %add3A, %arg1 : i32
      %dma_start3A = arith.constant 0 : i32
      %dma_start3A_41 = arith.constant 0 : i32
      %dma_start3A_42 = arith.constant 0 : i32
      %dma_start3A_43 = arith.constant 0 : i32
      %dma_start3A_44 = tpu.memref_slice %arg9[%dma_start3A_41, %dma_start3A_42, %dma_start3A_43] : memref<2x4x128xi32, #tpu.memory_space<vmem>> -> memref<1x1x128xi32, #tpu.memory_space<vmem>>
      %dma_start3A_45 = tpu.memref_squeeze %dma_start3A_44 : memref<1x1x128xi32, #tpu.memory_space<vmem>> -> memref<1x128xi32, #tpu.memory_space<vmem>>
      %dma_start3A_46 = arith.constant 0 : i32
      %dma_start3A_47 = tpu.memref_slice %arg4[%dma_start3A, %add3A_40, %dma_start3A_46] : memref<2x2500x128xi32, #tpu.memory_space<hbm>> -> memref<1x1x128xi32, #tpu.memory_space<hbm>>
      %dma_start3A_48 = tpu.memref_squeeze %dma_start3A_47 : memref<1x1x128xi32, #tpu.memory_space<hbm>> -> memref<1x128xi32, #tpu.memory_space<hbm>>
      %dma_start3A_49 = arith.constant 0 : i32
      %dma_start3A_50 = arith.constant 0 : i32
      %dma_start3A_51 = tpu.memref_slice %arg9[%dma_start3A_41, %dma_start3A_49, %dma_start3A_50] : memref<2x4x128xi32, #tpu.memory_space<vmem>> -> memref<1x1x128xi32, #tpu.memory_space<vmem>>
      %dma_start3A_52 = tpu.memref_squeeze %dma_start3A_51 : memref<1x1x128xi32, #tpu.memory_space<vmem>> -> memref<1x128xi32, #tpu.memory_space<vmem>>
      %dma_start3A_53 = arith.constant 0 : i32
      %dma_start3A_54 = tpu.memref_slice %arg4[%dma_start3A, %add3A_40, %dma_start3A_53] : memref<2x2500x128xi32, #tpu.memory_space<hbm>> -> memref<1x1x128xi32, #tpu.memory_space<hbm>>
      %dma_start3A_55 = tpu.memref_squeeze %dma_start3A_54 : memref<1x1x128xi32, #tpu.memory_space<hbm>> -> memref<1x128xi32, #tpu.memory_space<hbm>>
      tpu.enqueue_dma source(%dma_start3A_55 : memref<1x128xi32, #tpu.memory_space<hbm>>) target(%dma_start3A_52 : memref<1x128xi32, #tpu.memory_space<vmem>>) target_semaphore(%arg14 : memref<!tpu.dma_semaphore, #tpu.memory_space<semaphore_mem>>)
      %dma_start3A_56 = arith.constant 1 : i32
      %dma_start3A_57 = arith.constant 1 : i32
      %dma_start3A_58 = arith.constant 0 : i32
      %dma_start3A_59 = arith.constant 0 : i32
      %dma_start3A_60 = tpu.memref_slice %arg9[%dma_start3A_57, %dma_start3A_58, %dma_start3A_59] : memref<2x4x128xi32, #tpu.memory_space<vmem>> -> memref<1x1x128xi32, #tpu.memory_space<vmem>>
      %dma_start3A_61 = tpu.memref_squeeze %dma_start3A_60 : memref<1x1x128xi32, #tpu.memory_space<vmem>> -> memref<1x128xi32, #tpu.memory_space<vmem>>
      %dma_start3A_62 = arith.constant 0 : i32
      %dma_start3A_63 = tpu.memref_slice %arg4[%dma_start3A_56, %add3A_40, %dma_start3A_62] : memref<2x2500x128xi32, #tpu.memory_space<hbm>> -> memref<1x1x128xi32, #tpu.memory_space<hbm>>
      %dma_start3A_64 = tpu.memref_squeeze %dma_start3A_63 : memref<1x1x128xi32, #tpu.memory_space<hbm>> -> memref<1x128xi32, #tpu.memory_space<hbm>>
      %dma_start3A_65 = arith.constant 0 : i32
      %dma_start3A_66 = arith.constant 0 : i32
      %dma_start3A_67 = tpu.memref_slice %arg9[%dma_start3A_57, %dma_start3A_65, %dma_start3A_66] : memref<2x4x128xi32, #tpu.memory_space<vmem>> -> memref<1x1x128xi32, #tpu.memory_space<vmem>>
      %dma_start3A_68 = tpu.memref_squeeze %dma_start3A_67 : memref<1x1x128xi32, #tpu.memory_space<vmem>> -> memref<1x128xi32, #tpu.memory_space<vmem>>
      %dma_start3A_69 = arith.constant 0 : i32
      %dma_start3A_70 = tpu.memref_slice %arg4[%dma_start3A_56, %add3A_40, %dma_start3A_69] : memref<2x2500x128xi32, #tpu.memory_space<hbm>> -> memref<1x1x128xi32, #tpu.memory_space<hbm>>
      %dma_start3A_71 = tpu.memref_squeeze %dma_start3A_70 : memref<1x1x128xi32, #tpu.memory_space<hbm>> -> memref<1x128xi32, #tpu.memory_space<hbm>>
      tpu.enqueue_dma source(%dma_start3A_71 : memref<1x128xi32, #tpu.memory_space<hbm>>) target(%dma_start3A_68 : memref<1x128xi32, #tpu.memory_space<vmem>>) target_semaphore(%arg14 : memref<!tpu.dma_semaphore, #tpu.memory_space<semaphore_mem>>)
      %dma_wait3A = arith.constant 0 : i32
      %dma_wait3A_72 = arith.constant 0 : i32
      %dma_wait3A_73 = arith.constant 0 : i32
      %dma_wait3A_74 = arith.constant 0 : i32
      %dma_wait3A_75 = tpu.memref_slice %arg9[%dma_wait3A_72, %dma_wait3A_73, %dma_wait3A_74] : memref<2x4x128xi32, #tpu.memory_space<vmem>> -> memref<1x1x128xi32, #tpu.memory_space<vmem>>
      %dma_wait3A_76 = tpu.memref_squeeze %dma_wait3A_75 : memref<1x1x128xi32, #tpu.memory_space<vmem>> -> memref<1x128xi32, #tpu.memory_space<vmem>>
      %dma_wait3A_77 = arith.constant 0 : i32
      %dma_wait3A_78 = tpu.memref_slice %arg4[%dma_wait3A, %add3A_40, %dma_wait3A_77] : memref<2x2500x128xi32, #tpu.memory_space<hbm>> -> memref<1x1x128xi32, #tpu.memory_space<hbm>>
      %dma_wait3A_79 = tpu.memref_squeeze %dma_wait3A_78 : memref<1x1x128xi32, #tpu.memory_space<hbm>> -> memref<1x128xi32, #tpu.memory_space<hbm>>
      %dma_wait3A_80 = arith.constant 0 : i32
      %dma_wait3A_81 = arith.constant 0 : i32
      %dma_wait3A_82 = tpu.memref_slice %arg9[%dma_wait3A_72, %dma_wait3A_80, %dma_wait3A_81] : memref<2x4x128xi32, #tpu.memory_space<vmem>> -> memref<1x1x128xi32, #tpu.memory_space<vmem>>
      %dma_wait3A_83 = tpu.memref_squeeze %dma_wait3A_82 : memref<1x1x128xi32, #tpu.memory_space<vmem>> -> memref<1x128xi32, #tpu.memory_space<vmem>>
      %dma_wait3A_84 = arith.constant 0 : i32
      %dma_wait3A_85 = tpu.memref_slice %arg4[%dma_wait3A, %add3A_40, %dma_wait3A_84] : memref<2x2500x128xi32, #tpu.memory_space<hbm>> -> memref<1x1x128xi32, #tpu.memory_space<hbm>>
      %dma_wait3A_86 = tpu.memref_squeeze %dma_wait3A_85 : memref<1x1x128xi32, #tpu.memory_space<hbm>> -> memref<1x128xi32, #tpu.memory_space<hbm>>
      tpu.wait_dma2 semaphore(%arg14 : memref<!tpu.dma_semaphore, #tpu.memory_space<semaphore_mem>>) src(%dma_wait3A_86 : memref<1x128xi32, #tpu.memory_space<hbm>>) dst(%dma_wait3A_83 : memref<1x128xi32, #tpu.memory_space<vmem>>)
      %dma_wait3A_87 = arith.constant 1 : i32
      %dma_wait3A_88 = arith.constant 1 : i32
      %dma_wait3A_89 = arith.constant 0 : i32
      %dma_wait3A_90 = arith.constant 0 : i32
      %dma_wait3A_91 = tpu.memref_slice %arg9[%dma_wait3A_88, %dma_wait3A_89, %dma_wait3A_90] : memref<2x4x128xi32, #tpu.memory_space<vmem>> -> memref<1x1x128xi32, #tpu.memory_space<vmem>>
      %dma_wait3A_92 = tpu.memref_squeeze %dma_wait3A_91 : memref<1x1x128xi32, #tpu.memory_space<vmem>> -> memref<1x128xi32, #tpu.memory_space<vmem>>
      %dma_wait3A_93 = arith.constant 0 : i32
      %dma_wait3A_94 = tpu.memref_slice %arg4[%dma_wait3A_87, %add3A_40, %dma_wait3A_93] : memref<2x2500x128xi32, #tpu.memory_space<hbm>> -> memref<1x1x128xi32, #tpu.memory_space<hbm>>
      %dma_wait3A_95 = tpu.memref_squeeze %dma_wait3A_94 : memref<1x1x128xi32, #tpu.memory_space<hbm>> -> memref<1x128xi32, #tpu.memory_space<hbm>>
      %dma_wait3A_96 = arith.constant 0 : i32
      %dma_wait3A_97 = arith.constant 0 : i32
      %dma_wait3A_98 = tpu.memref_slice %arg9[%dma_wait3A_88, %dma_wait3A_96, %dma_wait3A_97] : memref<2x4x128xi32, #tpu.memory_space<vmem>> -> memref<1x1x128xi32, #tpu.memory_space<vmem>>
      %dma_wait3A_99 = tpu.memref_squeeze %dma_wait3A_98 : memref<1x1x128xi32, #tpu.memory_space<vmem>> -> memref<1x128xi32, #tpu.memory_space<vmem>>
      %dma_wait3A_100 = arith.constant 0 : i32
      %dma_wait3A_101 = tpu.memref_slice %arg4[%dma_wait3A_87, %add3A_40, %dma_wait3A_100] : memref<2x2500x128xi32, #tpu.memory_space<hbm>> -> memref<1x1x128xi32, #tpu.memory_space<hbm>>
      %dma_wait3A_102 = tpu.memref_squeeze %dma_wait3A_101 : memref<1x1x128xi32, #tpu.memory_space<hbm>> -> memref<1x128xi32, #tpu.memory_space<hbm>>
      tpu.wait_dma2 semaphore(%arg14 : memref<!tpu.dma_semaphore, #tpu.memory_space<semaphore_mem>>) src(%dma_wait3A_102 : memref<1x128xi32, #tpu.memory_space<hbm>>) dst(%dma_wait3A_99 : memref<1x128xi32, #tpu.memory_space<vmem>>)
      %dma_start3A_103 = arith.constant 1 : i32
      %dma_start3A_104 = arith.constant 0 : i32
      %dma_start3A_105 = arith.constant 0 : i32
      %dma_start3A_106 = tpu.memref_slice %arg9[%dma_start3A_103, %dma_start3A_104, %dma_start3A_105] : memref<2x4x128xi32, #tpu.memory_space<vmem>> -> memref<1x1x128xi32, #tpu.memory_space<vmem>>
      %dma_start3A_107 = tpu.memref_squeeze %dma_start3A_106 : memref<1x1x128xi32, #tpu.memory_space<vmem>> -> memref<128xi32, #tpu.memory_space<vmem>>
      %dma_start3A_108 = arith.constant 0 : i32
      %dma_start3A_109 = arith.constant 0 : i32
      %dma_start3A_110 = tpu.memref_slice %arg8[%dma_start3A_108, %dma_start3A_109] : memref<10240x64xf32, #tpu.memory_space<vmem_shared>> -> memref<10240x64xf32, #tpu.memory_space<vmem_shared>>
      tpu.enqueue_indirect_dma source(%dma_start3A_110 : memref<10240x64xf32, #tpu.memory_space<vmem_shared>>) target(%arg10 : memref<128x64xf32, #tpu.memory_space<vmem>>) offsets(%dma_start3A_107 : memref<128xi32, #tpu.memory_space<vmem>>) semaphore(%arg15 : memref<!tpu.dma_semaphore, #tpu.memory_space<semaphore_mem>>)
      %dma_wait3A_111 = arith.constant 1 : i32
      %dma_wait3A_112 = arith.constant 0 : i32
      %dma_wait3A_113 = arith.constant 0 : i32
      %dma_wait3A_114 = tpu.memref_slice %arg9[%dma_wait3A_111, %dma_wait3A_112, %dma_wait3A_113] : memref<2x4x128xi32, #tpu.memory_space<vmem>> -> memref<1x1x128xi32, #tpu.memory_space<vmem>>
      %dma_wait3A_115 = tpu.memref_squeeze %dma_wait3A_114 : memref<1x1x128xi32, #tpu.memory_space<vmem>> -> memref<128xi32, #tpu.memory_space<vmem>>
      %dma_wait3A_116 = arith.constant 0 : i32
      %dma_wait3A_117 = arith.constant 0 : i32
      %dma_wait3A_118 = tpu.memref_slice %arg8[%dma_wait3A_116, %dma_wait3A_117] : memref<10240x64xf32, #tpu.memory_space<vmem_shared>> -> memref<10240x64xf32, #tpu.memory_space<vmem_shared>>
      tpu.wait_indirect_dma semaphore(%arg15 : memref<!tpu.dma_semaphore, #tpu.memory_space<semaphore_mem>>) src(%dma_wait3A_118 : memref<10240x64xf32, #tpu.memory_space<vmem_shared>>) dst(%arg10 : memref<128x64xf32, #tpu.memory_space<vmem>>)
      %dma_start3A_119 = arith.constant 0 : i32
      %dma_start3A_120 = arith.constant 0 : i32
      %dma_start3A_121 = arith.constant 0 : i32
      %dma_start3A_122 = tpu.memref_slice %arg9[%dma_start3A_119, %dma_start3A_120, %dma_start3A_121] : memref<2x4x128xi32, #tpu.memory_space<vmem>> -> memref<1x1x128xi32, #tpu.memory_space<vmem>>
      %dma_start3A_123 = tpu.memref_squeeze %dma_start3A_122 : memref<1x1x128xi32, #tpu.memory_space<vmem>> -> memref<128xi32, #tpu.memory_space<vmem>>
      %dma_start3A_124 = arith.constant 0 : i32
      %dma_start3A_125 = arith.constant 0 : i32
      %dma_start3A_126 = tpu.memref_slice %arg7[%dma_start3A_124, %dma_start3A_125] : memref<10240x64xf32, #tpu.memory_space<vmem_shared>> -> memref<10240x64xf32, #tpu.memory_space<vmem_shared>>
      tpu.enqueue_indirect_dma source(%arg10 : memref<128x64xf32, #tpu.memory_space<vmem>>) target(%dma_start3A_126 : memref<10240x64xf32, #tpu.memory_space<vmem_shared>>) offsets(%dma_start3A_123 : memref<128xi32, #tpu.memory_space<vmem>>) semaphore(%arg19 : memref<!tpu.dma_semaphore, #tpu.memory_space<semaphore_mem>>) {add = true}
      %dma_wait3A_127 = arith.constant 0 : i32
      %dma_wait3A_128 = arith.constant 0 : i32
      %dma_wait3A_129 = arith.constant 0 : i32
      %dma_wait3A_130 = tpu.memref_slice %arg9[%dma_wait3A_127, %dma_wait3A_128, %dma_wait3A_129] : memref<2x4x128xi32, #tpu.memory_space<vmem>> -> memref<1x1x128xi32, #tpu.memory_space<vmem>>
      %dma_wait3A_131 = tpu.memref_squeeze %dma_wait3A_130 : memref<1x1x128xi32, #tpu.memory_space<vmem>> -> memref<128xi32, #tpu.memory_space<vmem>>
      %dma_wait3A_132 = arith.constant 0 : i32
      %dma_wait3A_133 = arith.constant 0 : i32
      %dma_wait3A_134 = tpu.memref_slice %arg7[%dma_wait3A_132, %dma_wait3A_133] : memref<10240x64xf32, #tpu.memory_space<vmem_shared>> -> memref<10240x64xf32, #tpu.memory_space<vmem_shared>>
      tpu.wait_indirect_dma semaphore(%arg19 : memref<!tpu.dma_semaphore, #tpu.memory_space<semaphore_mem>>) src(%arg10 : memref<128x64xf32, #tpu.memory_space<vmem>>) dst(%dma_wait3A_134 : memref<10240x64xf32, #tpu.memory_space<vmem_shared>>)
    } else {
    }
    %barrier3A_27 = arith.constant 0 : index
    tpu.barrier barrier_id(%barrier3A_27)
    %mul3A_28 = arith.constant 640 : i32
    %mul3A_29 = arith.muli %arg1, %mul3A_28 : i32
    %eq3A_30 = arith.constant 0 : i32
    %eq3A_31 = arith.cmpi eq, %arg0, %eq3A_30 : i32
    %convert_element_type3A_32 = arith.extui %eq3A_31 : i1 to i32
    %cond3A_33 = arith.constant 0 : i32
    %cond3A_34 = arith.cmpi ne, %convert_element_type3A_32, %cond3A_33 : i32
    scf.if %cond3A_34 {
      "tpu.region"() ({
        %run_scoped3A = tpu.sem_alloc : memref<!tpu.dma_semaphore, #tpu.memory_space<semaphore_mem>>
        %dma_start3A = arith.constant 0 : i32
        %dma_start3A_40 = tpu.memref_slice %arg5[%mul3A_29, %dma_start3A] : memref<10240x64xf32, #tpu.memory_space<hbm>> -> memref<640x64xf32, #tpu.memory_space<hbm>>
        %dma_start3A_41 = arith.constant 0 : i32
        %dma_start3A_42 = tpu.memref_slice %arg7[%mul3A_29, %dma_start3A_41] : memref<10240x64xf32, #tpu.memory_space<vmem_shared>> -> memref<640x64xf32, #tpu.memory_space<vmem_shared>>
        tpu.enqueue_dma source(%dma_start3A_42 : memref<640x64xf32, #tpu.memory_space<vmem_shared>>) target(%dma_start3A_40 : memref<640x64xf32, #tpu.memory_space<hbm>>) target_semaphore(%run_scoped3A : memref<!tpu.dma_semaphore, #tpu.memory_space<semaphore_mem>>)
        %dma_wait3A = arith.constant 0 : i32
        %dma_wait3A_43 = tpu.memref_slice %arg5[%mul3A_29, %dma_wait3A] : memref<10240x64xf32, #tpu.memory_space<hbm>> -> memref<640x64xf32, #tpu.memory_space<hbm>>
        %dma_wait3A_44 = arith.constant 0 : i32
        %dma_wait3A_45 = tpu.memref_slice %arg7[%mul3A_29, %dma_wait3A_44] : memref<10240x64xf32, #tpu.memory_space<vmem_shared>> -> memref<640x64xf32, #tpu.memory_space<vmem_shared>>
        tpu.wait_dma2 semaphore(%run_scoped3A : memref<!tpu.dma_semaphore, #tpu.memory_space<semaphore_mem>>) src(%dma_wait3A_45 : memref<640x64xf32, #tpu.memory_space<vmem_shared>>) dst(%dma_wait3A_43 : memref<640x64xf32, #tpu.memory_space<hbm>>)
        tpu.yield
      }) : () -> ()
    } else {
    }
    %eq3A_35 = arith.constant 1 : i32
    %eq3A_36 = arith.cmpi eq, %arg0, %eq3A_35 : i32
    %convert_element_type3A_37 = arith.extui %eq3A_36 : i1 to i32
    %cond3A_38 = arith.constant 0 : i32
    %cond3A_39 = arith.cmpi ne, %convert_element_type3A_37, %cond3A_38 : i32
    scf.if %cond3A_39 {
      "tpu.region"() ({
        %run_scoped3A = tpu.sem_alloc : memref<!tpu.dma_semaphore, #tpu.memory_space<semaphore_mem>>
        %dma_start3A = arith.constant 0 : i32
        %dma_start3A_40 = tpu.memref_slice %arg6[%mul3A_29, %dma_start3A] : memref<10240x64xf32, #tpu.memory_space<hbm>> -> memref<640x64xf32, #tpu.memory_space<hbm>>
        %dma_start3A_41 = arith.constant 0 : i32
        %dma_start3A_42 = tpu.memref_slice %arg7[%mul3A_29, %dma_start3A_41] : memref<10240x64xf32, #tpu.memory_space<vmem_shared>> -> memref<640x64xf32, #tpu.memory_space<vmem_shared>>
        tpu.enqueue_dma source(%dma_start3A_42 : memref<640x64xf32, #tpu.memory_space<vmem_shared>>) target(%dma_start3A_40 : memref<640x64xf32, #tpu.memory_space<hbm>>) target_semaphore(%run_scoped3A : memref<!tpu.dma_semaphore, #tpu.memory_space<semaphore_mem>>)
        %dma_wait3A = arith.constant 0 : i32
        %dma_wait3A_43 = tpu.memref_slice %arg6[%mul3A_29, %dma_wait3A] : memref<10240x64xf32, #tpu.memory_space<hbm>> -> memref<640x64xf32, #tpu.memory_space<hbm>>
        %dma_wait3A_44 = arith.constant 0 : i32
        %dma_wait3A_45 = tpu.memref_slice %arg7[%mul3A_29, %dma_wait3A_44] : memref<10240x64xf32, #tpu.memory_space<vmem_shared>> -> memref<640x64xf32, #tpu.memory_space<vmem_shared>>
        tpu.wait_dma2 semaphore(%run_scoped3A : memref<!tpu.dma_semaphore, #tpu.memory_space<semaphore_mem>>) src(%dma_wait3A_45 : memref<640x64xf32, #tpu.memory_space<vmem_shared>>) dst(%dma_wait3A_43 : memref<640x64xf32, #tpu.memory_space<hbm>>)
        tpu.yield
      }) : () -> ()
    } else {
    }
    return
  }
}

#map = affine_map<(d0, d1) -> (0, 0)>
#map1 = affine_map<(d0, d1) -> (0, 0, 0)>
#map2 = affine_map<(d0, d1) -> (0)>
module attributes {stable_mosaic.version = 14 : i64} {
  func.func @body(%arg0: i32, %arg1: i32, %arg2: memref<10240x64xf32, #tpu.memory_space<hbm>>, %arg3: memref<10240x64xf32, #tpu.memory_space<hbm>>, %arg4: memref<2x2500x128xi32, #tpu.memory_space<hbm>>, %arg5: memref<10240x64xf32, #tpu.memory_space<hbm>>, %arg6: memref<10240x64xf32, #tpu.memory_space<hbm>>, %arg7: memref<10240xf32, #tpu.memory_space<hbm>>, %arg8: memref<10240x64xf32, #tpu.memory_space<vmem_shared>>, %arg9: memref<10240x64xf32, #tpu.memory_space<vmem_shared>>, %arg10: memref<2x4x128xi32, #tpu.memory_space<vmem>>, %arg11: memref<128x64xf32, #tpu.memory_space<vmem>>, %arg12: memref<128x64xf32, #tpu.memory_space<vmem>>, %arg13: memref<128x64xf32, #tpu.memory_space<vmem>>, %arg14: memref<128x64xf32, #tpu.memory_space<vmem>>, %arg15: memref<!tpu.dma_semaphore, #tpu.memory_space<semaphore_mem>>, %arg16: memref<!tpu.dma_semaphore, #tpu.memory_space<semaphore_mem>>, %arg17: memref<!tpu.dma_semaphore, #tpu.memory_space<semaphore_mem>>, %arg18: memref<!tpu.dma_semaphore, #tpu.memory_space<semaphore_mem>>, %arg19: memref<!tpu.dma_semaphore, #tpu.memory_space<semaphore_mem>>, %arg20: memref<!tpu.dma_semaphore, #tpu.memory_space<semaphore_mem>>, %arg21: memref<!tpu.dma_semaphore, #tpu.memory_space<semaphore_mem>>, %arg22: memref<!tpu.dma_semaphore, #tpu.memory_space<semaphore_mem>>, %arg23: memref<!tpu.dma_semaphore, #tpu.memory_space<semaphore_mem>>, %arg24: memref<10240xf32, #tpu.memory_space<vmem_shared>>, %arg25: memref<10240xf32, #tpu.memory_space<vmem_shared>>, %arg26: memref<128xf32, #tpu.memory_space<vmem>>, %arg27: memref<640xf32, #tpu.memory_space<vmem>>, %arg28: memref<!tpu.dma_semaphore, #tpu.memory_space<semaphore_mem>>, %arg29: memref<!tpu.dma_semaphore, #tpu.memory_space<semaphore_mem>>) attributes {dimension_semantics = [#tpu.dimension_semantics<core_parallel>, #tpu.dimension_semantics<subcore_parallel>], iteration_bounds = array<i64: 2, 16>, scalar_prefetch = 0 : i64, scratch_operands = 22 : i64, tpu.core_type = #tpu.core_type<sc_vector_subcore>, window_params = [{transform_indices = #map}, {transform_indices = #map}, {transform_indices = #map1}, {transform_indices = #map}, {transform_indices = #map}, {transform_indices = #map2}]} {
    %broadcast_in_dim3A = arith.constant 0.000000e+00 : f32
    %broadcast_in_dim3A_0 = vector.broadcast %broadcast_in_dim3A : f32 to vector<16xf32>
    %scan3A = arith.constant 0 : i32
    %scan3A_1 = arith.constant 512 : i32
    %scan3A_2 = arith.addi %scan3A, %scan3A_1 : i32
    %scan3A_3 = arith.constant 1 : i32
    scf.for %scan3A_65 = %scan3A to %scan3A_2 step %scan3A_3  : i32 {
      %mul3A_66 = arith.constant 1 : i32
      %mul3A_67 = arith.muli %scan3A_65, %mul3A_66 : i32
      %add3A = arith.constant 0 : i32
      %add3A_68 = arith.addi %add3A, %mul3A_67 : i32
      %jit3A = arith.constant 4 : i32
      %div3A = arith.divsi %add3A_68, %jit3A : i32
      %sign3A = arith.constant 0 : i32
      %sign3A_69 = arith.cmpi sgt, %add3A_68, %sign3A : i32
      %sign3A_70 = arith.extui %sign3A_69 : i1 to i32
      %sign3A_71 = arith.constant 0 : i32
      %sign3A_72 = arith.cmpi slt, %add3A_68, %sign3A_71 : i32
      %sign3A_73 = arith.extui %sign3A_72 : i1 to i32
      %sign3A_74 = arith.subi %sign3A_70, %sign3A_73 : i32
      %sign3A_75 = arith.constant 0 : i32
      %sign3A_76 = arith.cmpi sgt, %jit3A, %sign3A_75 : i32
      %sign3A_77 = arith.extui %sign3A_76 : i1 to i32
      %sign3A_78 = arith.constant 0 : i32
      %sign3A_79 = arith.cmpi slt, %jit3A, %sign3A_78 : i32
      %sign3A_80 = arith.extui %sign3A_79 : i1 to i32
      %sign3A_81 = arith.subi %sign3A_77, %sign3A_80 : i32
      %ne3A = arith.cmpi ne, %sign3A_74, %sign3A_81 : i32
      %rem3A = arith.remsi %add3A_68, %jit3A : i32
      %ne3A_82 = arith.constant 0 : i32
      %ne3A_83 = arith.cmpi ne, %rem3A, %ne3A_82 : i32
      %and3A = arith.andi %ne3A, %ne3A_83 : i1
      %sub3A = arith.constant 1 : i32
      %sub3A_84 = arith.subi %div3A, %sub3A : i32
      %select_n3A = arith.select %and3A, %sub3A_84, %div3A : i32
      %jit3A_85 = arith.constant 4 : i32
      %eq3A_86 = arith.constant 0 : i32
      %eq3A_87 = arith.cmpi eq, %jit3A_85, %eq3A_86 : i32
      %jit3A_88 = arith.constant 1 : i32
      %select_n3A_89 = arith.select %eq3A_87, %jit3A_88, %jit3A_85 : i32
      %rem3A_90 = arith.remsi %add3A_68, %select_n3A_89 : i32
      %ne3A_91 = arith.constant 0 : i32
      %ne3A_92 = arith.cmpi ne, %rem3A_90, %ne3A_91 : i32
      %lt3A_93 = arith.constant 0 : i32
      %lt3A_94 = arith.cmpi slt, %rem3A_90, %lt3A_93 : i32
      %lt3A_95 = arith.constant 0 : i32
      %lt3A_96 = arith.cmpi slt, %select_n3A_89, %lt3A_95 : i32
      %ne3A_97 = arith.xori %lt3A_94, %lt3A_96 : i1
      %and3A_98 = arith.andi %ne3A_97, %ne3A_92 : i1
      %add3A_99 = arith.addi %rem3A_90, %select_n3A_89 : i32
      %select_n3A_100 = arith.select %and3A_98, %add3A_99, %rem3A_90 : i32
      %mul3A_101 = arith.constant 16 : i32
      %mul3A_102 = arith.muli %select_n3A_100, %mul3A_101 : i32
      %swap3A = arith.index_cast %select_n3A : i32 to index
      %swap3A_103 = arith.index_cast %mul3A_102 : i32 to index
      %swap3A_104 = tpu.vector_load %arg11[%swap3A, %swap3A_103] {strides = array<i32>} : memref<128x64xf32, #tpu.memory_space<vmem>>, vector<16xf32>,
      tpu.vector_store %arg11[%swap3A, %swap3A_103], %broadcast_in_dim3A_0 {strides = array<i32>} : memref<128x64xf32, #tpu.memory_space<vmem>>, vector<16xf32>,
    }
    %scan3A_4 = arith.constant 512 : i32
    %scan3A_5 = arith.constant 0 : i32
    %scan3A_6 = arith.constant 5 : i32
    %scan3A_7 = arith.addi %scan3A_5, %scan3A_6 : i32
    %scan3A_8 = arith.constant 1 : i32
    scf.for %scan3A_65 = %scan3A_5 to %scan3A_7 step %scan3A_8  : i32 {
      %mul3A_66 = arith.constant 1 : i32
      %mul3A_67 = arith.muli %scan3A_65, %mul3A_66 : i32
      %add3A = arith.constant 0 : i32
      %add3A_68 = arith.addi %add3A, %mul3A_67 : i32
      %mul3A_69 = arith.constant 640 : i32
      %mul3A_70 = arith.muli %arg1, %mul3A_69 : i32
      %mul3A_71 = arith.constant 128 : i32
      %mul3A_72 = arith.muli %add3A_68, %mul3A_71 : i32
      %add3A_73 = arith.addi %mul3A_70, %mul3A_72 : i32
      "tpu.region"() ({
        %run_scoped3A = tpu.sem_alloc : memref<!tpu.dma_semaphore, #tpu.memory_space<semaphore_mem>>
        %dma_start3A = arith.constant 0 : i32
        %dma_start3A_74 = tpu.memref_slice %arg8[%add3A_73, %dma_start3A] : memref<10240x64xf32, #tpu.memory_space<vmem_shared>> -> memref<128x64xf32, #tpu.memory_space<vmem_shared>>
        %dma_start3A_75 = arith.constant 0 : i32
        %dma_start3A_76 = tpu.memref_slice %arg8[%add3A_73, %dma_start3A_75] : memref<10240x64xf32, #tpu.memory_space<vmem_shared>> -> memref<128x64xf32, #tpu.memory_space<vmem_shared>>
        tpu.enqueue_dma source(%arg11 : memref<128x64xf32, #tpu.memory_space<vmem>>) target(%dma_start3A_76 : memref<128x64xf32, #tpu.memory_space<vmem_shared>>) target_semaphore(%run_scoped3A : memref<!tpu.dma_semaphore, #tpu.memory_space<semaphore_mem>>)
        %dma_wait3A = arith.constant 0 : i32
        %dma_wait3A_77 = tpu.memref_slice %arg8[%add3A_73, %dma_wait3A] : memref<10240x64xf32, #tpu.memory_space<vmem_shared>> -> memref<128x64xf32, #tpu.memory_space<vmem_shared>>
        %dma_wait3A_78 = arith.constant 0 : i32
        %dma_wait3A_79 = tpu.memref_slice %arg8[%add3A_73, %dma_wait3A_78] : memref<10240x64xf32, #tpu.memory_space<vmem_shared>> -> memref<128x64xf32, #tpu.memory_space<vmem_shared>>
        tpu.wait_dma2 semaphore(%run_scoped3A : memref<!tpu.dma_semaphore, #tpu.memory_space<semaphore_mem>>) src(%arg11 : memref<128x64xf32, #tpu.memory_space<vmem>>) dst(%dma_wait3A_79 : memref<128x64xf32, #tpu.memory_space<vmem_shared>>)
        tpu.yield
      }) : () -> ()
    }
    %scan3A_9 = arith.constant 5 : i32
    %broadcast_in_dim3A_10 = arith.constant 1.000000e+00 : f32
    %broadcast_in_dim3A_11 = vector.broadcast %broadcast_in_dim3A_10 : f32 to vector<16xf32>
    %scan3A_12 = arith.constant 0 : i32
    %scan3A_13 = arith.constant 8 : i32
    %scan3A_14 = arith.addi %scan3A_12, %scan3A_13 : i32
    %scan3A_15 = arith.constant 1 : i32
    scf.for %scan3A_65 = %scan3A_12 to %scan3A_14 step %scan3A_15  : i32 {
      %mul3A_66 = arith.constant 1 : i32
      %mul3A_67 = arith.muli %scan3A_65, %mul3A_66 : i32
      %add3A = arith.constant 0 : i32
      %add3A_68 = arith.addi %add3A, %mul3A_67 : i32
      %mul3A_69 = arith.constant 16 : i32
      %mul3A_70 = arith.muli %add3A_68, %mul3A_69 : i32
      %swap3A = arith.index_cast %mul3A_70 : i32 to index
      %swap3A_71 = tpu.vector_load %arg26[%swap3A] {strides = array<i32>} : memref<128xf32, #tpu.memory_space<vmem>>, vector<16xf32>,
      tpu.vector_store %arg26[%swap3A], %broadcast_in_dim3A_11 {strides = array<i32>} : memref<128xf32, #tpu.memory_space<vmem>>, vector<16xf32>,
    }
    %scan3A_16 = arith.constant 8 : i32
    %broadcast_in_dim3A_17 = arith.constant 0.000000e+00 : f32
    %broadcast_in_dim3A_18 = vector.broadcast %broadcast_in_dim3A_17 : f32 to vector<16xf32>
    %scan3A_19 = arith.constant 0 : i32
    %scan3A_20 = arith.constant 40 : i32
    %scan3A_21 = arith.addi %scan3A_19, %scan3A_20 : i32
    %scan3A_22 = arith.constant 1 : i32
    scf.for %scan3A_65 = %scan3A_19 to %scan3A_21 step %scan3A_22  : i32 {
      %mul3A_66 = arith.constant 1 : i32
      %mul3A_67 = arith.muli %scan3A_65, %mul3A_66 : i32
      %add3A = arith.constant 0 : i32
      %add3A_68 = arith.addi %add3A, %mul3A_67 : i32
      %mul3A_69 = arith.constant 16 : i32
      %mul3A_70 = arith.muli %add3A_68, %mul3A_69 : i32
      %swap3A = arith.index_cast %mul3A_70 : i32 to index
      %swap3A_71 = tpu.vector_load %arg27[%swap3A] {strides = array<i32>} : memref<640xf32, #tpu.memory_space<vmem>>, vector<16xf32>,
      tpu.vector_store %arg27[%swap3A], %broadcast_in_dim3A_18 {strides = array<i32>} : memref<640xf32, #tpu.memory_space<vmem>>, vector<16xf32>,
    }
    %scan3A_23 = arith.constant 40 : i32
    %mul3A = arith.constant 640 : i32
    %mul3A_24 = arith.muli %arg1, %mul3A : i32
    "tpu.region"() ({
      %run_scoped3A = tpu.sem_alloc : memref<!tpu.dma_semaphore, #tpu.memory_space<semaphore_mem>>
      %dma_start3A = tpu.memref_slice %arg24[%mul3A_24] : memref<10240xf32, #tpu.memory_space<vmem_shared>> -> memref<640xf32, #tpu.memory_space<vmem_shared>>
      %dma_start3A_65 = tpu.memref_slice %arg24[%mul3A_24] : memref<10240xf32, #tpu.memory_space<vmem_shared>> -> memref<640xf32, #tpu.memory_space<vmem_shared>>
      tpu.enqueue_dma source(%arg27 : memref<640xf32, #tpu.memory_space<vmem>>) target(%dma_start3A_65 : memref<640xf32, #tpu.memory_space<vmem_shared>>) target_semaphore(%run_scoped3A : memref<!tpu.dma_semaphore, #tpu.memory_space<semaphore_mem>>)
      %dma_wait3A = tpu.memref_slice %arg24[%mul3A_24] : memref<10240xf32, #tpu.memory_space<vmem_shared>> -> memref<640xf32, #tpu.memory_space<vmem_shared>>
      %dma_wait3A_66 = tpu.memref_slice %arg24[%mul3A_24] : memref<10240xf32, #tpu.memory_space<vmem_shared>> -> memref<640xf32, #tpu.memory_space<vmem_shared>>
      tpu.wait_dma2 semaphore(%run_scoped3A : memref<!tpu.dma_semaphore, #tpu.memory_space<semaphore_mem>>) src(%arg27 : memref<640xf32, #tpu.memory_space<vmem>>) dst(%dma_wait3A_66 : memref<640xf32, #tpu.memory_space<vmem_shared>>)
      tpu.yield
    }) : () -> ()
    %mul3A_25 = arith.constant 640 : i32
    %mul3A_26 = arith.muli %arg1, %mul3A_25 : i32
    "tpu.region"() ({
      %run_scoped3A = tpu.sem_alloc : memref<!tpu.dma_semaphore, #tpu.memory_space<semaphore_mem>>
      %dma_start3A = tpu.memref_slice %arg25[%mul3A_26] : memref<10240xf32, #tpu.memory_space<vmem_shared>> -> memref<640xf32, #tpu.memory_space<vmem_shared>>
      %dma_start3A_65 = tpu.memref_slice %arg25[%mul3A_26] : memref<10240xf32, #tpu.memory_space<vmem_shared>> -> memref<640xf32, #tpu.memory_space<vmem_shared>>
      tpu.enqueue_dma source(%arg27 : memref<640xf32, #tpu.memory_space<vmem>>) target(%dma_start3A_65 : memref<640xf32, #tpu.memory_space<vmem_shared>>) target_semaphore(%run_scoped3A : memref<!tpu.dma_semaphore, #tpu.memory_space<semaphore_mem>>)
      %dma_wait3A = tpu.memref_slice %arg25[%mul3A_26] : memref<10240xf32, #tpu.memory_space<vmem_shared>> -> memref<640xf32, #tpu.memory_space<vmem_shared>>
      %dma_wait3A_66 = tpu.memref_slice %arg25[%mul3A_26] : memref<10240xf32, #tpu.memory_space<vmem_shared>> -> memref<640xf32, #tpu.memory_space<vmem_shared>>
      tpu.wait_dma2 semaphore(%run_scoped3A : memref<!tpu.dma_semaphore, #tpu.memory_space<semaphore_mem>>) src(%arg27 : memref<640xf32, #tpu.memory_space<vmem>>) dst(%dma_wait3A_66 : memref<640xf32, #tpu.memory_space<vmem_shared>>)
      tpu.yield
    }) : () -> ()
    %mul3A_27 = arith.constant 640 : i32
    %mul3A_28 = arith.muli %arg1, %mul3A_27 : i32
    %eq3A = arith.constant 0 : i32
    %eq3A_29 = arith.cmpi eq, %arg0, %eq3A : i32
    %convert_element_type3A = arith.extui %eq3A_29 : i1 to i32
    %cond3A = arith.constant 0 : i32
    %cond3A_30 = arith.cmpi ne, %convert_element_type3A, %cond3A : i32
    scf.if %cond3A_30 {
      "tpu.region"() ({
        %run_scoped3A = tpu.sem_alloc : memref<!tpu.dma_semaphore, #tpu.memory_space<semaphore_mem>>
        %dma_start3A = arith.constant 0 : i32
        %dma_start3A_65 = tpu.memref_slice %arg9[%mul3A_28, %dma_start3A] : memref<10240x64xf32, #tpu.memory_space<vmem_shared>> -> memref<640x64xf32, #tpu.memory_space<vmem_shared>>
        %dma_start3A_66 = arith.constant 0 : i32
        %dma_start3A_67 = tpu.memref_slice %arg2[%mul3A_28, %dma_start3A_66] : memref<10240x64xf32, #tpu.memory_space<hbm>> -> memref<640x64xf32, #tpu.memory_space<hbm>>
        tpu.enqueue_dma source(%dma_start3A_67 : memref<640x64xf32, #tpu.memory_space<hbm>>) target(%dma_start3A_65 : memref<640x64xf32, #tpu.memory_space<vmem_shared>>) target_semaphore(%run_scoped3A : memref<!tpu.dma_semaphore, #tpu.memory_space<semaphore_mem>>)
        %dma_wait3A = arith.constant 0 : i32
        %dma_wait3A_68 = tpu.memref_slice %arg9[%mul3A_28, %dma_wait3A] : memref<10240x64xf32, #tpu.memory_space<vmem_shared>> -> memref<640x64xf32, #tpu.memory_space<vmem_shared>>
        %dma_wait3A_69 = arith.constant 0 : i32
        %dma_wait3A_70 = tpu.memref_slice %arg2[%mul3A_28, %dma_wait3A_69] : memref<10240x64xf32, #tpu.memory_space<hbm>> -> memref<640x64xf32, #tpu.memory_space<hbm>>
        tpu.wait_dma2 semaphore(%run_scoped3A : memref<!tpu.dma_semaphore, #tpu.memory_space<semaphore_mem>>) src(%dma_wait3A_70 : memref<640x64xf32, #tpu.memory_space<hbm>>) dst(%dma_wait3A_68 : memref<640x64xf32, #tpu.memory_space<vmem_shared>>)
        tpu.yield
      }) : () -> ()
    } else {
    }
    %eq3A_31 = arith.constant 1 : i32
    %eq3A_32 = arith.cmpi eq, %arg0, %eq3A_31 : i32
    %convert_element_type3A_33 = arith.extui %eq3A_32 : i1 to i32
    %cond3A_34 = arith.constant 0 : i32
    %cond3A_35 = arith.cmpi ne, %convert_element_type3A_33, %cond3A_34 : i32
    scf.if %cond3A_35 {
      "tpu.region"() ({
        %run_scoped3A = tpu.sem_alloc : memref<!tpu.dma_semaphore, #tpu.memory_space<semaphore_mem>>
        %dma_start3A = arith.constant 0 : i32
        %dma_start3A_65 = tpu.memref_slice %arg9[%mul3A_28, %dma_start3A] : memref<10240x64xf32, #tpu.memory_space<vmem_shared>> -> memref<640x64xf32, #tpu.memory_space<vmem_shared>>
        %dma_start3A_66 = arith.constant 0 : i32
        %dma_start3A_67 = tpu.memref_slice %arg3[%mul3A_28, %dma_start3A_66] : memref<10240x64xf32, #tpu.memory_space<hbm>> -> memref<640x64xf32, #tpu.memory_space<hbm>>
        tpu.enqueue_dma source(%dma_start3A_67 : memref<640x64xf32, #tpu.memory_space<hbm>>) target(%dma_start3A_65 : memref<640x64xf32, #tpu.memory_space<vmem_shared>>) target_semaphore(%run_scoped3A : memref<!tpu.dma_semaphore, #tpu.memory_space<semaphore_mem>>)
        %dma_wait3A = arith.constant 0 : i32
        %dma_wait3A_68 = tpu.memref_slice %arg9[%mul3A_28, %dma_wait3A] : memref<10240x64xf32, #tpu.memory_space<vmem_shared>> -> memref<640x64xf32, #tpu.memory_space<vmem_shared>>
        %dma_wait3A_69 = arith.constant 0 : i32
        %dma_wait3A_70 = tpu.memref_slice %arg3[%mul3A_28, %dma_wait3A_69] : memref<10240x64xf32, #tpu.memory_space<hbm>> -> memref<640x64xf32, #tpu.memory_space<hbm>>
        tpu.wait_dma2 semaphore(%run_scoped3A : memref<!tpu.dma_semaphore, #tpu.memory_space<semaphore_mem>>) src(%dma_wait3A_70 : memref<640x64xf32, #tpu.memory_space<hbm>>) dst(%dma_wait3A_68 : memref<640x64xf32, #tpu.memory_space<vmem_shared>>)
        tpu.yield
      }) : () -> ()
    } else {
    }
    %barrier3A = arith.constant 0 : index
    tpu.barrier barrier_id(%barrier3A)
    %scan3A_36 = arith.constant 0 : i32
    %scan3A_37 = arith.constant 39 : i32
    %scan3A_38 = arith.addi %scan3A_36, %scan3A_37 : i32
    %scan3A_39 = arith.constant 1 : i32
    scf.for %scan3A_65 = %scan3A_36 to %scan3A_38 step %scan3A_39  : i32 {
      %mul3A_66 = arith.constant 1 : i32
      %mul3A_67 = arith.muli %scan3A_65, %mul3A_66 : i32
      %add3A = arith.constant 0 : i32
      %add3A_68 = arith.addi %add3A, %mul3A_67 : i32
      %mul3A_69 = arith.constant 16 : i32
      %mul3A_70 = arith.muli %add3A_68, %mul3A_69 : i32
      %add3A_71 = arith.addi %mul3A_70, %arg1 : i32
      %mul3A_72 = arith.constant 4 : i32
      %mul3A_73 = arith.muli %mul3A_72, %add3A_71 : i32
      %dma_start3A = arith.constant 0 : i32
      %dma_start3A_74 = arith.constant 0 : i32
      %dma_start3A_75 = arith.constant 0 : i32
      %dma_start3A_76 = arith.constant 0 : i32
      %dma_start3A_77 = tpu.memref_slice %arg10[%dma_start3A_74, %dma_start3A_75, %dma_start3A_76] : memref<2x4x128xi32, #tpu.memory_space<vmem>> -> memref<1x4x128xi32, #tpu.memory_space<vmem>>
      %dma_start3A_78 = tpu.memref_squeeze %dma_start3A_77 : memref<1x4x128xi32, #tpu.memory_space<vmem>> -> memref<4x128xi32, #tpu.memory_space<vmem>>
      %dma_start3A_79 = arith.constant 0 : i32
      %dma_start3A_80 = tpu.memref_slice %arg4[%dma_start3A, %mul3A_73, %dma_start3A_79] : memref<2x2500x128xi32, #tpu.memory_space<hbm>> -> memref<1x4x128xi32, #tpu.memory_space<hbm>>
      %dma_start3A_81 = tpu.memref_squeeze %dma_start3A_80 : memref<1x4x128xi32, #tpu.memory_space<hbm>> -> memref<4x128xi32, #tpu.memory_space<hbm>>
      %dma_start3A_82 = arith.constant 0 : i32
      %dma_start3A_83 = arith.constant 0 : i32
      %dma_start3A_84 = tpu.memref_slice %arg10[%dma_start3A_74, %dma_start3A_82, %dma_start3A_83] : memref<2x4x128xi32, #tpu.memory_space<vmem>> -> memref<1x4x128xi32, #tpu.memory_space<vmem>>
      %dma_start3A_85 = tpu.memref_squeeze %dma_start3A_84 : memref<1x4x128xi32, #tpu.memory_space<vmem>> -> memref<4x128xi32, #tpu.memory_space<vmem>>
      %dma_start3A_86 = arith.constant 0 : i32
      %dma_start3A_87 = tpu.memref_slice %arg4[%dma_start3A, %mul3A_73, %dma_start3A_86] : memref<2x2500x128xi32, #tpu.memory_space<hbm>> -> memref<1x4x128xi32, #tpu.memory_space<hbm>>
      %dma_start3A_88 = tpu.memref_squeeze %dma_start3A_87 : memref<1x4x128xi32, #tpu.memory_space<hbm>> -> memref<4x128xi32, #tpu.memory_space<hbm>>
      tpu.enqueue_dma source(%dma_start3A_88 : memref<4x128xi32, #tpu.memory_space<hbm>>) target(%dma_start3A_85 : memref<4x128xi32, #tpu.memory_space<vmem>>) target_semaphore(%arg15 : memref<!tpu.dma_semaphore, #tpu.memory_space<semaphore_mem>>)
      %dma_start3A_89 = arith.constant 1 : i32
      %dma_start3A_90 = arith.constant 1 : i32
      %dma_start3A_91 = arith.constant 0 : i32
      %dma_start3A_92 = arith.constant 0 : i32
      %dma_start3A_93 = tpu.memref_slice %arg10[%dma_start3A_90, %dma_start3A_91, %dma_start3A_92] : memref<2x4x128xi32, #tpu.memory_space<vmem>> -> memref<1x4x128xi32, #tpu.memory_space<vmem>>
      %dma_start3A_94 = tpu.memref_squeeze %dma_start3A_93 : memref<1x4x128xi32, #tpu.memory_space<vmem>> -> memref<4x128xi32, #tpu.memory_space<vmem>>
      %dma_start3A_95 = arith.constant 0 : i32
      %dma_start3A_96 = tpu.memref_slice %arg4[%dma_start3A_89, %mul3A_73, %dma_start3A_95] : memref<2x2500x128xi32, #tpu.memory_space<hbm>> -> memref<1x4x128xi32, #tpu.memory_space<hbm>>
      %dma_start3A_97 = tpu.memref_squeeze %dma_start3A_96 : memref<1x4x128xi32, #tpu.memory_space<hbm>> -> memref<4x128xi32, #tpu.memory_space<hbm>>
      %dma_start3A_98 = arith.constant 0 : i32
      %dma_start3A_99 = arith.constant 0 : i32
      %dma_start3A_100 = tpu.memref_slice %arg10[%dma_start3A_90, %dma_start3A_98, %dma_start3A_99] : memref<2x4x128xi32, #tpu.memory_space<vmem>> -> memref<1x4x128xi32, #tpu.memory_space<vmem>>
      %dma_start3A_101 = tpu.memref_squeeze %dma_start3A_100 : memref<1x4x128xi32, #tpu.memory_space<vmem>> -> memref<4x128xi32, #tpu.memory_space<vmem>>
      %dma_start3A_102 = arith.constant 0 : i32
      %dma_start3A_103 = tpu.memref_slice %arg4[%dma_start3A_89, %mul3A_73, %dma_start3A_102] : memref<2x2500x128xi32, #tpu.memory_space<hbm>> -> memref<1x4x128xi32, #tpu.memory_space<hbm>>
      %dma_start3A_104 = tpu.memref_squeeze %dma_start3A_103 : memref<1x4x128xi32, #tpu.memory_space<hbm>> -> memref<4x128xi32, #tpu.memory_space<hbm>>
      tpu.enqueue_dma source(%dma_start3A_104 : memref<4x128xi32, #tpu.memory_space<hbm>>) target(%dma_start3A_101 : memref<4x128xi32, #tpu.memory_space<vmem>>) target_semaphore(%arg15 : memref<!tpu.dma_semaphore, #tpu.memory_space<semaphore_mem>>)
      %dma_wait3A = arith.constant 0 : i32
      %dma_wait3A_105 = arith.constant 0 : i32
      %dma_wait3A_106 = arith.constant 0 : i32
      %dma_wait3A_107 = arith.constant 0 : i32
      %dma_wait3A_108 = tpu.memref_slice %arg10[%dma_wait3A_105, %dma_wait3A_106, %dma_wait3A_107] : memref<2x4x128xi32, #tpu.memory_space<vmem>> -> memref<1x4x128xi32, #tpu.memory_space<vmem>>
      %dma_wait3A_109 = tpu.memref_squeeze %dma_wait3A_108 : memref<1x4x128xi32, #tpu.memory_space<vmem>> -> memref<4x128xi32, #tpu.memory_space<vmem>>
      %dma_wait3A_110 = arith.constant 0 : i32
      %dma_wait3A_111 = tpu.memref_slice %arg4[%dma_wait3A, %mul3A_73, %dma_wait3A_110] : memref<2x2500x128xi32, #tpu.memory_space<hbm>> -> memref<1x4x128xi32, #tpu.memory_space<hbm>>
      %dma_wait3A_112 = tpu.memref_squeeze %dma_wait3A_111 : memref<1x4x128xi32, #tpu.memory_space<hbm>> -> memref<4x128xi32, #tpu.memory_space<hbm>>
      %dma_wait3A_113 = arith.constant 0 : i32
      %dma_wait3A_114 = arith.constant 0 : i32
      %dma_wait3A_115 = tpu.memref_slice %arg10[%dma_wait3A_105, %dma_wait3A_113, %dma_wait3A_114] : memref<2x4x128xi32, #tpu.memory_space<vmem>> -> memref<1x4x128xi32, #tpu.memory_space<vmem>>
      %dma_wait3A_116 = tpu.memref_squeeze %dma_wait3A_115 : memref<1x4x128xi32, #tpu.memory_space<vmem>> -> memref<4x128xi32, #tpu.memory_space<vmem>>
      %dma_wait3A_117 = arith.constant 0 : i32
      %dma_wait3A_118 = tpu.memref_slice %arg4[%dma_wait3A, %mul3A_73, %dma_wait3A_117] : memref<2x2500x128xi32, #tpu.memory_space<hbm>> -> memref<1x4x128xi32, #tpu.memory_space<hbm>>
      %dma_wait3A_119 = tpu.memref_squeeze %dma_wait3A_118 : memref<1x4x128xi32, #tpu.memory_space<hbm>> -> memref<4x128xi32, #tpu.memory_space<hbm>>
      tpu.wait_dma2 semaphore(%arg15 : memref<!tpu.dma_semaphore, #tpu.memory_space<semaphore_mem>>) src(%dma_wait3A_119 : memref<4x128xi32, #tpu.memory_space<hbm>>) dst(%dma_wait3A_116 : memref<4x128xi32, #tpu.memory_space<vmem>>)
      %dma_wait3A_120 = arith.constant 1 : i32
      %dma_wait3A_121 = arith.constant 1 : i32
      %dma_wait3A_122 = arith.constant 0 : i32
      %dma_wait3A_123 = arith.constant 0 : i32
      %dma_wait3A_124 = tpu.memref_slice %arg10[%dma_wait3A_121, %dma_wait3A_122, %dma_wait3A_123] : memref<2x4x128xi32, #tpu.memory_space<vmem>> -> memref<1x4x128xi32, #tpu.memory_space<vmem>>
      %dma_wait3A_125 = tpu.memref_squeeze %dma_wait3A_124 : memref<1x4x128xi32, #tpu.memory_space<vmem>> -> memref<4x128xi32, #tpu.memory_space<vmem>>
      %dma_wait3A_126 = arith.constant 0 : i32
      %dma_wait3A_127 = tpu.memref_slice %arg4[%dma_wait3A_120, %mul3A_73, %dma_wait3A_126] : memref<2x2500x128xi32, #tpu.memory_space<hbm>> -> memref<1x4x128xi32, #tpu.memory_space<hbm>>
      %dma_wait3A_128 = tpu.memref_squeeze %dma_wait3A_127 : memref<1x4x128xi32, #tpu.memory_space<hbm>> -> memref<4x128xi32, #tpu.memory_space<hbm>>
      %dma_wait3A_129 = arith.constant 0 : i32
      %dma_wait3A_130 = arith.constant 0 : i32
      %dma_wait3A_131 = tpu.memref_slice %arg10[%dma_wait3A_121, %dma_wait3A_129, %dma_wait3A_130] : memref<2x4x128xi32, #tpu.memory_space<vmem>> -> memref<1x4x128xi32, #tpu.memory_space<vmem>>
      %dma_wait3A_132 = tpu.memref_squeeze %dma_wait3A_131 : memref<1x4x128xi32, #tpu.memory_space<vmem>> -> memref<4x128xi32, #tpu.memory_space<vmem>>
      %dma_wait3A_133 = arith.constant 0 : i32
      %dma_wait3A_134 = tpu.memref_slice %arg4[%dma_wait3A_120, %mul3A_73, %dma_wait3A_133] : memref<2x2500x128xi32, #tpu.memory_space<hbm>> -> memref<1x4x128xi32, #tpu.memory_space<hbm>>
      %dma_wait3A_135 = tpu.memref_squeeze %dma_wait3A_134 : memref<1x4x128xi32, #tpu.memory_space<hbm>> -> memref<4x128xi32, #tpu.memory_space<hbm>>
      tpu.wait_dma2 semaphore(%arg15 : memref<!tpu.dma_semaphore, #tpu.memory_space<semaphore_mem>>) src(%dma_wait3A_135 : memref<4x128xi32, #tpu.memory_space<hbm>>) dst(%dma_wait3A_132 : memref<4x128xi32, #tpu.memory_space<vmem>>)
      %dma_start3A_136 = arith.constant 0 : i32
      %dma_start3A_137 = arith.constant 0 : i32
      %dma_start3A_138 = arith.constant 0 : i32
      %dma_start3A_139 = tpu.memref_slice %arg10[%dma_start3A_136, %dma_start3A_137, %dma_start3A_138] : memref<2x4x128xi32, #tpu.memory_space<vmem>> -> memref<1x1x128xi32, #tpu.memory_space<vmem>>
      %dma_start3A_140 = tpu.memref_squeeze %dma_start3A_139 : memref<1x1x128xi32, #tpu.memory_space<vmem>> -> memref<128xi32, #tpu.memory_space<vmem>>
      %dma_start3A_141 = arith.constant 0 : i32
      %dma_start3A_142 = arith.constant 0 : i32
      %dma_start3A_143 = tpu.memref_slice %arg9[%dma_start3A_141, %dma_start3A_142] : memref<10240x64xf32, #tpu.memory_space<vmem_shared>> -> memref<10240x64xf32, #tpu.memory_space<vmem_shared>>
      tpu.enqueue_indirect_dma source(%dma_start3A_143 : memref<10240x64xf32, #tpu.memory_space<vmem_shared>>) target(%arg11 : memref<128x64xf32, #tpu.memory_space<vmem>>) offsets(%dma_start3A_140 : memref<128xi32, #tpu.memory_space<vmem>>) semaphore(%arg16 : memref<!tpu.dma_semaphore, #tpu.memory_space<semaphore_mem>>)
      %eq3A_144 = arith.constant 0 : i32
      %eq3A_145 = arith.cmpi eq, %arg0, %eq3A_144 : i32
      %convert_element_type3A_146 = arith.extui %eq3A_145 : i1 to i32
      %cond3A_147 = arith.constant 0 : i32
      %cond3A_148 = arith.cmpi ne, %convert_element_type3A_146, %cond3A_147 : i32
      scf.if %cond3A_148 {
        %dma_start3A_380 = arith.constant 0 : i32
        %dma_start3A_381 = arith.constant 1 : i32
        %dma_start3A_382 = arith.constant 0 : i32
        %dma_start3A_383 = tpu.memref_slice %arg10[%dma_start3A_380, %dma_start3A_381, %dma_start3A_382] : memref<2x4x128xi32, #tpu.memory_space<vmem>> -> memref<1x1x128xi32, #tpu.memory_space<vmem>>
        %dma_start3A_384 = tpu.memref_squeeze %dma_start3A_383 : memref<1x1x128xi32, #tpu.memory_space<vmem>> -> memref<128xi32, #tpu.memory_space<vmem>>
        %dma_start3A_385 = arith.constant 0 : i32
        %dma_start3A_386 = arith.constant 0 : i32
        %dma_start3A_387 = tpu.memref_slice %arg2[%dma_start3A_385, %dma_start3A_386] : memref<10240x64xf32, #tpu.memory_space<hbm>> -> memref<10240x64xf32, #tpu.memory_space<hbm>>
        tpu.enqueue_indirect_dma source(%dma_start3A_387 : memref<10240x64xf32, #tpu.memory_space<hbm>>) target(%arg12 : memref<128x64xf32, #tpu.memory_space<vmem>>) offsets(%dma_start3A_384 : memref<128xi32, #tpu.memory_space<vmem>>) semaphore(%arg17 : memref<!tpu.dma_semaphore, #tpu.memory_space<semaphore_mem>>)
      } else {
      }
      %eq3A_149 = arith.constant 1 : i32
      %eq3A_150 = arith.cmpi eq, %arg0, %eq3A_149 : i32
      %convert_element_type3A_151 = arith.extui %eq3A_150 : i1 to i32
      %cond3A_152 = arith.constant 0 : i32
      %cond3A_153 = arith.cmpi ne, %convert_element_type3A_151, %cond3A_152 : i32
      scf.if %cond3A_153 {
        %dma_start3A_380 = arith.constant 0 : i32
        %dma_start3A_381 = arith.constant 1 : i32
        %dma_start3A_382 = arith.constant 0 : i32
        %dma_start3A_383 = tpu.memref_slice %arg10[%dma_start3A_380, %dma_start3A_381, %dma_start3A_382] : memref<2x4x128xi32, #tpu.memory_space<vmem>> -> memref<1x1x128xi32, #tpu.memory_space<vmem>>
        %dma_start3A_384 = tpu.memref_squeeze %dma_start3A_383 : memref<1x1x128xi32, #tpu.memory_space<vmem>> -> memref<128xi32, #tpu.memory_space<vmem>>
        %dma_start3A_385 = arith.constant 0 : i32
        %dma_start3A_386 = arith.constant 0 : i32
        %dma_start3A_387 = tpu.memref_slice %arg3[%dma_start3A_385, %dma_start3A_386] : memref<10240x64xf32, #tpu.memory_space<hbm>> -> memref<10240x64xf32, #tpu.memory_space<hbm>>
        tpu.enqueue_indirect_dma source(%dma_start3A_387 : memref<10240x64xf32, #tpu.memory_space<hbm>>) target(%arg12 : memref<128x64xf32, #tpu.memory_space<vmem>>) offsets(%dma_start3A_384 : memref<128xi32, #tpu.memory_space<vmem>>) semaphore(%arg17 : memref<!tpu.dma_semaphore, #tpu.memory_space<semaphore_mem>>)
      } else {
      }
      %dma_start3A_154 = arith.constant 0 : i32
      %dma_start3A_155 = arith.constant 2 : i32
      %dma_start3A_156 = arith.constant 0 : i32
      %dma_start3A_157 = tpu.memref_slice %arg10[%dma_start3A_154, %dma_start3A_155, %dma_start3A_156] : memref<2x4x128xi32, #tpu.memory_space<vmem>> -> memref<1x1x128xi32, #tpu.memory_space<vmem>>
      %dma_start3A_158 = tpu.memref_squeeze %dma_start3A_157 : memref<1x1x128xi32, #tpu.memory_space<vmem>> -> memref<128xi32, #tpu.memory_space<vmem>>
      %dma_start3A_159 = arith.constant 0 : i32
      %dma_start3A_160 = arith.constant 0 : i32
      %dma_start3A_161 = tpu.memref_slice %arg9[%dma_start3A_159, %dma_start3A_160] : memref<10240x64xf32, #tpu.memory_space<vmem_shared>> -> memref<10240x64xf32, #tpu.memory_space<vmem_shared>>
      tpu.enqueue_indirect_dma source(%dma_start3A_161 : memref<10240x64xf32, #tpu.memory_space<vmem_shared>>) target(%arg13 : memref<128x64xf32, #tpu.memory_space<vmem>>) offsets(%dma_start3A_158 : memref<128xi32, #tpu.memory_space<vmem>>) semaphore(%arg18 : memref<!tpu.dma_semaphore, #tpu.memory_space<semaphore_mem>>)
      %eq3A_162 = arith.constant 0 : i32
      %eq3A_163 = arith.cmpi eq, %arg0, %eq3A_162 : i32
      %convert_element_type3A_164 = arith.extui %eq3A_163 : i1 to i32
      %cond3A_165 = arith.constant 0 : i32
      %cond3A_166 = arith.cmpi ne, %convert_element_type3A_164, %cond3A_165 : i32
      scf.if %cond3A_166 {
        %dma_start3A_380 = arith.constant 0 : i32
        %dma_start3A_381 = arith.constant 3 : i32
        %dma_start3A_382 = arith.constant 0 : i32
        %dma_start3A_383 = tpu.memref_slice %arg10[%dma_start3A_380, %dma_start3A_381, %dma_start3A_382] : memref<2x4x128xi32, #tpu.memory_space<vmem>> -> memref<1x1x128xi32, #tpu.memory_space<vmem>>
        %dma_start3A_384 = tpu.memref_squeeze %dma_start3A_383 : memref<1x1x128xi32, #tpu.memory_space<vmem>> -> memref<128xi32, #tpu.memory_space<vmem>>
        %dma_start3A_385 = arith.constant 0 : i32
        %dma_start3A_386 = arith.constant 0 : i32
        %dma_start3A_387 = tpu.memref_slice %arg2[%dma_start3A_385, %dma_start3A_386] : memref<10240x64xf32, #tpu.memory_space<hbm>> -> memref<10240x64xf32, #tpu.memory_space<hbm>>
        tpu.enqueue_indirect_dma source(%dma_start3A_387 : memref<10240x64xf32, #tpu.memory_space<hbm>>) target(%arg14 : memref<128x64xf32, #tpu.memory_space<vmem>>) offsets(%dma_start3A_384 : memref<128xi32, #tpu.memory_space<vmem>>) semaphore(%arg19 : memref<!tpu.dma_semaphore, #tpu.memory_space<semaphore_mem>>)
      } else {
      }
      %eq3A_167 = arith.constant 1 : i32
      %eq3A_168 = arith.cmpi eq, %arg0, %eq3A_167 : i32
      %convert_element_type3A_169 = arith.extui %eq3A_168 : i1 to i32
      %cond3A_170 = arith.constant 0 : i32
      %cond3A_171 = arith.cmpi ne, %convert_element_type3A_169, %cond3A_170 : i32
      scf.if %cond3A_171 {
        %dma_start3A_380 = arith.constant 0 : i32
        %dma_start3A_381 = arith.constant 3 : i32
        %dma_start3A_382 = arith.constant 0 : i32
        %dma_start3A_383 = tpu.memref_slice %arg10[%dma_start3A_380, %dma_start3A_381, %dma_start3A_382] : memref<2x4x128xi32, #tpu.memory_space<vmem>> -> memref<1x1x128xi32, #tpu.memory_space<vmem>>
        %dma_start3A_384 = tpu.memref_squeeze %dma_start3A_383 : memref<1x1x128xi32, #tpu.memory_space<vmem>> -> memref<128xi32, #tpu.memory_space<vmem>>
        %dma_start3A_385 = arith.constant 0 : i32
        %dma_start3A_386 = arith.constant 0 : i32
        %dma_start3A_387 = tpu.memref_slice %arg3[%dma_start3A_385, %dma_start3A_386] : memref<10240x64xf32, #tpu.memory_space<hbm>> -> memref<10240x64xf32, #tpu.memory_space<hbm>>
        tpu.enqueue_indirect_dma source(%dma_start3A_387 : memref<10240x64xf32, #tpu.memory_space<hbm>>) target(%arg14 : memref<128x64xf32, #tpu.memory_space<vmem>>) offsets(%dma_start3A_384 : memref<128xi32, #tpu.memory_space<vmem>>) semaphore(%arg19 : memref<!tpu.dma_semaphore, #tpu.memory_space<semaphore_mem>>)
      } else {
      }
      %dma_start3A_172 = arith.constant 0 : i32
      %dma_start3A_173 = arith.constant 0 : i32
      %dma_start3A_174 = arith.constant 0 : i32
      %dma_start3A_175 = tpu.memref_slice %arg10[%dma_start3A_172, %dma_start3A_173, %dma_start3A_174] : memref<2x4x128xi32, #tpu.memory_space<vmem>> -> memref<1x1x128xi32, #tpu.memory_space<vmem>>
      %dma_start3A_176 = tpu.memref_squeeze %dma_start3A_175 : memref<1x1x128xi32, #tpu.memory_space<vmem>> -> memref<128xi32, #tpu.memory_space<vmem>>
      %dma_start3A_177 = arith.constant 0 : i32
      %dma_start3A_178 = tpu.memref_slice %arg24[%dma_start3A_177] : memref<10240xf32, #tpu.memory_space<vmem_shared>> -> memref<10240xf32, #tpu.memory_space<vmem_shared>>
      tpu.enqueue_indirect_dma source(%arg26 : memref<128xf32, #tpu.memory_space<vmem>>) target(%dma_start3A_178 : memref<10240xf32, #tpu.memory_space<vmem_shared>>) offsets(%dma_start3A_176 : memref<128xi32, #tpu.memory_space<vmem>>) semaphore(%arg28 : memref<!tpu.dma_semaphore, #tpu.memory_space<semaphore_mem>>) {add = true}
      %dma_start3A_179 = arith.constant 1 : i32
      %dma_start3A_180 = arith.constant 0 : i32
      %dma_start3A_181 = arith.constant 0 : i32
      %dma_start3A_182 = tpu.memref_slice %arg10[%dma_start3A_179, %dma_start3A_180, %dma_start3A_181] : memref<2x4x128xi32, #tpu.memory_space<vmem>> -> memref<1x1x128xi32, #tpu.memory_space<vmem>>
      %dma_start3A_183 = tpu.memref_squeeze %dma_start3A_182 : memref<1x1x128xi32, #tpu.memory_space<vmem>> -> memref<128xi32, #tpu.memory_space<vmem>>
      %dma_start3A_184 = arith.constant 0 : i32
      %dma_start3A_185 = tpu.memref_slice %arg25[%dma_start3A_184] : memref<10240xf32, #tpu.memory_space<vmem_shared>> -> memref<10240xf32, #tpu.memory_space<vmem_shared>>
      tpu.enqueue_indirect_dma source(%arg26 : memref<128xf32, #tpu.memory_space<vmem>>) target(%dma_start3A_185 : memref<10240xf32, #tpu.memory_space<vmem_shared>>) offsets(%dma_start3A_183 : memref<128xi32, #tpu.memory_space<vmem>>) semaphore(%arg29 : memref<!tpu.dma_semaphore, #tpu.memory_space<semaphore_mem>>) {add = true}
      %dma_start3A_186 = arith.constant 0 : i32
      %dma_start3A_187 = arith.constant 1 : i32
      %dma_start3A_188 = arith.constant 0 : i32
      %dma_start3A_189 = tpu.memref_slice %arg10[%dma_start3A_186, %dma_start3A_187, %dma_start3A_188] : memref<2x4x128xi32, #tpu.memory_space<vmem>> -> memref<1x1x128xi32, #tpu.memory_space<vmem>>
      %dma_start3A_190 = tpu.memref_squeeze %dma_start3A_189 : memref<1x1x128xi32, #tpu.memory_space<vmem>> -> memref<128xi32, #tpu.memory_space<vmem>>
      %dma_start3A_191 = arith.constant 0 : i32
      %dma_start3A_192 = tpu.memref_slice %arg24[%dma_start3A_191] : memref<10240xf32, #tpu.memory_space<vmem_shared>> -> memref<10240xf32, #tpu.memory_space<vmem_shared>>
      tpu.enqueue_indirect_dma source(%arg26 : memref<128xf32, #tpu.memory_space<vmem>>) target(%dma_start3A_192 : memref<10240xf32, #tpu.memory_space<vmem_shared>>) offsets(%dma_start3A_190 : memref<128xi32, #tpu.memory_space<vmem>>) semaphore(%arg28 : memref<!tpu.dma_semaphore, #tpu.memory_space<semaphore_mem>>) {add = true}
      %dma_start3A_193 = arith.constant 1 : i32
      %dma_start3A_194 = arith.constant 1 : i32
      %dma_start3A_195 = arith.constant 0 : i32
      %dma_start3A_196 = tpu.memref_slice %arg10[%dma_start3A_193, %dma_start3A_194, %dma_start3A_195] : memref<2x4x128xi32, #tpu.memory_space<vmem>> -> memref<1x1x128xi32, #tpu.memory_space<vmem>>
      %dma_start3A_197 = tpu.memref_squeeze %dma_start3A_196 : memref<1x1x128xi32, #tpu.memory_space<vmem>> -> memref<128xi32, #tpu.memory_space<vmem>>
      %dma_start3A_198 = arith.constant 0 : i32
      %dma_start3A_199 = tpu.memref_slice %arg25[%dma_start3A_198] : memref<10240xf32, #tpu.memory_space<vmem_shared>> -> memref<10240xf32, #tpu.memory_space<vmem_shared>>
      tpu.enqueue_indirect_dma source(%arg26 : memref<128xf32, #tpu.memory_space<vmem>>) target(%dma_start3A_199 : memref<10240xf32, #tpu.memory_space<vmem_shared>>) offsets(%dma_start3A_197 : memref<128xi32, #tpu.memory_space<vmem>>) semaphore(%arg29 : memref<!tpu.dma_semaphore, #tpu.memory_space<semaphore_mem>>) {add = true}
      %dma_start3A_200 = arith.constant 0 : i32
      %dma_start3A_201 = arith.constant 2 : i32
      %dma_start3A_202 = arith.constant 0 : i32
      %dma_start3A_203 = tpu.memref_slice %arg10[%dma_start3A_200, %dma_start3A_201, %dma_start3A_202] : memref<2x4x128xi32, #tpu.memory_space<vmem>> -> memref<1x1x128xi32, #tpu.memory_space<vmem>>
      %dma_start3A_204 = tpu.memref_squeeze %dma_start3A_203 : memref<1x1x128xi32, #tpu.memory_space<vmem>> -> memref<128xi32, #tpu.memory_space<vmem>>
      %dma_start3A_205 = arith.constant 0 : i32
      %dma_start3A_206 = tpu.memref_slice %arg24[%dma_start3A_205] : memref<10240xf32, #tpu.memory_space<vmem_shared>> -> memref<10240xf32, #tpu.memory_space<vmem_shared>>
      tpu.enqueue_indirect_dma source(%arg26 : memref<128xf32, #tpu.memory_space<vmem>>) target(%dma_start3A_206 : memref<10240xf32, #tpu.memory_space<vmem_shared>>) offsets(%dma_start3A_204 : memref<128xi32, #tpu.memory_space<vmem>>) semaphore(%arg28 : memref<!tpu.dma_semaphore, #tpu.memory_space<semaphore_mem>>) {add = true}
      %dma_start3A_207 = arith.constant 1 : i32
      %dma_start3A_208 = arith.constant 2 : i32
      %dma_start3A_209 = arith.constant 0 : i32
      %dma_start3A_210 = tpu.memref_slice %arg10[%dma_start3A_207, %dma_start3A_208, %dma_start3A_209] : memref<2x4x128xi32, #tpu.memory_space<vmem>> -> memref<1x1x128xi32, #tpu.memory_space<vmem>>
      %dma_start3A_211 = tpu.memref_squeeze %dma_start3A_210 : memref<1x1x128xi32, #tpu.memory_space<vmem>> -> memref<128xi32, #tpu.memory_space<vmem>>
      %dma_start3A_212 = arith.constant 0 : i32
      %dma_start3A_213 = tpu.memref_slice %arg25[%dma_start3A_212] : memref<10240xf32, #tpu.memory_space<vmem_shared>> -> memref<10240xf32, #tpu.memory_space<vmem_shared>>
      tpu.enqueue_indirect_dma source(%arg26 : memref<128xf32, #tpu.memory_space<vmem>>) target(%dma_start3A_213 : memref<10240xf32, #tpu.memory_space<vmem_shared>>) offsets(%dma_start3A_211 : memref<128xi32, #tpu.memory_space<vmem>>) semaphore(%arg29 : memref<!tpu.dma_semaphore, #tpu.memory_space<semaphore_mem>>) {add = true}
      %dma_start3A_214 = arith.constant 0 : i32
      %dma_start3A_215 = arith.constant 3 : i32
      %dma_start3A_216 = arith.constant 0 : i32
      %dma_start3A_217 = tpu.memref_slice %arg10[%dma_start3A_214, %dma_start3A_215, %dma_start3A_216] : memref<2x4x128xi32, #tpu.memory_space<vmem>> -> memref<1x1x128xi32, #tpu.memory_space<vmem>>
      %dma_start3A_218 = tpu.memref_squeeze %dma_start3A_217 : memref<1x1x128xi32, #tpu.memory_space<vmem>> -> memref<128xi32, #tpu.memory_space<vmem>>
      %dma_start3A_219 = arith.constant 0 : i32
      %dma_start3A_220 = tpu.memref_slice %arg24[%dma_start3A_219] : memref<10240xf32, #tpu.memory_space<vmem_shared>> -> memref<10240xf32, #tpu.memory_space<vmem_shared>>
      tpu.enqueue_indirect_dma source(%arg26 : memref<128xf32, #tpu.memory_space<vmem>>) target(%dma_start3A_220 : memref<10240xf32, #tpu.memory_space<vmem_shared>>) offsets(%dma_start3A_218 : memref<128xi32, #tpu.memory_space<vmem>>) semaphore(%arg28 : memref<!tpu.dma_semaphore, #tpu.memory_space<semaphore_mem>>) {add = true}
      %dma_start3A_221 = arith.constant 1 : i32
      %dma_start3A_222 = arith.constant 3 : i32
      %dma_start3A_223 = arith.constant 0 : i32
      %dma_start3A_224 = tpu.memref_slice %arg10[%dma_start3A_221, %dma_start3A_222, %dma_start3A_223] : memref<2x4x128xi32, #tpu.memory_space<vmem>> -> memref<1x1x128xi32, #tpu.memory_space<vmem>>
      %dma_start3A_225 = tpu.memref_squeeze %dma_start3A_224 : memref<1x1x128xi32, #tpu.memory_space<vmem>> -> memref<128xi32, #tpu.memory_space<vmem>>
      %dma_start3A_226 = arith.constant 0 : i32
      %dma_start3A_227 = tpu.memref_slice %arg25[%dma_start3A_226] : memref<10240xf32, #tpu.memory_space<vmem_shared>> -> memref<10240xf32, #tpu.memory_space<vmem_shared>>
      tpu.enqueue_indirect_dma source(%arg26 : memref<128xf32, #tpu.memory_space<vmem>>) target(%dma_start3A_227 : memref<10240xf32, #tpu.memory_space<vmem_shared>>) offsets(%dma_start3A_225 : memref<128xi32, #tpu.memory_space<vmem>>) semaphore(%arg29 : memref<!tpu.dma_semaphore, #tpu.memory_space<semaphore_mem>>) {add = true}
      %dma_wait3A_228 = arith.constant 0 : i32
      %dma_wait3A_229 = arith.constant 0 : i32
      %dma_wait3A_230 = arith.constant 0 : i32
      %dma_wait3A_231 = tpu.memref_slice %arg10[%dma_wait3A_228, %dma_wait3A_229, %dma_wait3A_230] : memref<2x4x128xi32, #tpu.memory_space<vmem>> -> memref<1x1x128xi32, #tpu.memory_space<vmem>>
      %dma_wait3A_232 = tpu.memref_squeeze %dma_wait3A_231 : memref<1x1x128xi32, #tpu.memory_space<vmem>> -> memref<128xi32, #tpu.memory_space<vmem>>
      %dma_wait3A_233 = arith.constant 0 : i32
      %dma_wait3A_234 = arith.constant 0 : i32
      %dma_wait3A_235 = tpu.memref_slice %arg9[%dma_wait3A_233, %dma_wait3A_234] : memref<10240x64xf32, #tpu.memory_space<vmem_shared>> -> memref<10240x64xf32, #tpu.memory_space<vmem_shared>>
      tpu.wait_indirect_dma semaphore(%arg16 : memref<!tpu.dma_semaphore, #tpu.memory_space<semaphore_mem>>) src(%dma_wait3A_235 : memref<10240x64xf32, #tpu.memory_space<vmem_shared>>) dst(%arg11 : memref<128x64xf32, #tpu.memory_space<vmem>>)
      %dma_start3A_236 = arith.constant 1 : i32
      %dma_start3A_237 = arith.constant 0 : i32
      %dma_start3A_238 = arith.constant 0 : i32
      %dma_start3A_239 = tpu.memref_slice %arg10[%dma_start3A_236, %dma_start3A_237, %dma_start3A_238] : memref<2x4x128xi32, #tpu.memory_space<vmem>> -> memref<1x1x128xi32, #tpu.memory_space<vmem>>
      %dma_start3A_240 = tpu.memref_squeeze %dma_start3A_239 : memref<1x1x128xi32, #tpu.memory_space<vmem>> -> memref<128xi32, #tpu.memory_space<vmem>>
      %dma_start3A_241 = arith.constant 0 : i32
      %dma_start3A_242 = arith.constant 0 : i32
      %dma_start3A_243 = tpu.memref_slice %arg8[%dma_start3A_241, %dma_start3A_242] : memref<10240x64xf32, #tpu.memory_space<vmem_shared>> -> memref<10240x64xf32, #tpu.memory_space<vmem_shared>>
      tpu.enqueue_indirect_dma source(%arg11 : memref<128x64xf32, #tpu.memory_space<vmem>>) target(%dma_start3A_243 : memref<10240x64xf32, #tpu.memory_space<vmem_shared>>) offsets(%dma_start3A_240 : memref<128xi32, #tpu.memory_space<vmem>>) semaphore(%arg20 : memref<!tpu.dma_semaphore, #tpu.memory_space<semaphore_mem>>) {add = true}
      %dma_wait3A_244 = arith.constant 0 : i32
      %dma_wait3A_245 = arith.constant 1 : i32
      %dma_wait3A_246 = arith.constant 0 : i32
      %dma_wait3A_247 = tpu.memref_slice %arg10[%dma_wait3A_244, %dma_wait3A_245, %dma_wait3A_246] : memref<2x4x128xi32, #tpu.memory_space<vmem>> -> memref<1x1x128xi32, #tpu.memory_space<vmem>>
      %dma_wait3A_248 = tpu.memref_squeeze %dma_wait3A_247 : memref<1x1x128xi32, #tpu.memory_space<vmem>> -> memref<128xi32, #tpu.memory_space<vmem>>
      %dma_wait3A_249 = arith.constant 0 : i32
      %dma_wait3A_250 = arith.constant 0 : i32
      %dma_wait3A_251 = tpu.memref_slice %arg2[%dma_wait3A_249, %dma_wait3A_250] : memref<10240x64xf32, #tpu.memory_space<hbm>> -> memref<10240x64xf32, #tpu.memory_space<hbm>>
      tpu.wait_indirect_dma semaphore(%arg17 : memref<!tpu.dma_semaphore, #tpu.memory_space<semaphore_mem>>) src(%dma_wait3A_251 : memref<10240x64xf32, #tpu.memory_space<hbm>>) dst(%arg12 : memref<128x64xf32, #tpu.memory_space<vmem>>)
      %dma_start3A_252 = arith.constant 1 : i32
      %dma_start3A_253 = arith.constant 1 : i32
      %dma_start3A_254 = arith.constant 0 : i32
      %dma_start3A_255 = tpu.memref_slice %arg10[%dma_start3A_252, %dma_start3A_253, %dma_start3A_254] : memref<2x4x128xi32, #tpu.memory_space<vmem>> -> memref<1x1x128xi32, #tpu.memory_space<vmem>>
      %dma_start3A_256 = tpu.memref_squeeze %dma_start3A_255 : memref<1x1x128xi32, #tpu.memory_space<vmem>> -> memref<128xi32, #tpu.memory_space<vmem>>
      %dma_start3A_257 = arith.constant 0 : i32
      %dma_start3A_258 = arith.constant 0 : i32
      %dma_start3A_259 = tpu.memref_slice %arg8[%dma_start3A_257, %dma_start3A_258] : memref<10240x64xf32, #tpu.memory_space<vmem_shared>> -> memref<10240x64xf32, #tpu.memory_space<vmem_shared>>
      tpu.enqueue_indirect_dma source(%arg12 : memref<128x64xf32, #tpu.memory_space<vmem>>) target(%dma_start3A_259 : memref<10240x64xf32, #tpu.memory_space<vmem_shared>>) offsets(%dma_start3A_256 : memref<128xi32, #tpu.memory_space<vmem>>) semaphore(%arg21 : memref<!tpu.dma_semaphore, #tpu.memory_space<semaphore_mem>>) {add = true}
      %dma_wait3A_260 = arith.constant 0 : i32
      %dma_wait3A_261 = arith.constant 2 : i32
      %dma_wait3A_262 = arith.constant 0 : i32
      %dma_wait3A_263 = tpu.memref_slice %arg10[%dma_wait3A_260, %dma_wait3A_261, %dma_wait3A_262] : memref<2x4x128xi32, #tpu.memory_space<vmem>> -> memref<1x1x128xi32, #tpu.memory_space<vmem>>
      %dma_wait3A_264 = tpu.memref_squeeze %dma_wait3A_263 : memref<1x1x128xi32, #tpu.memory_space<vmem>> -> memref<128xi32, #tpu.memory_space<vmem>>
      %dma_wait3A_265 = arith.constant 0 : i32
      %dma_wait3A_266 = arith.constant 0 : i32
      %dma_wait3A_267 = tpu.memref_slice %arg9[%dma_wait3A_265, %dma_wait3A_266] : memref<10240x64xf32, #tpu.memory_space<vmem_shared>> -> memref<10240x64xf32, #tpu.memory_space<vmem_shared>>
      tpu.wait_indirect_dma semaphore(%arg18 : memref<!tpu.dma_semaphore, #tpu.memory_space<semaphore_mem>>) src(%dma_wait3A_267 : memref<10240x64xf32, #tpu.memory_space<vmem_shared>>) dst(%arg13 : memref<128x64xf32, #tpu.memory_space<vmem>>)
      %dma_start3A_268 = arith.constant 1 : i32
      %dma_start3A_269 = arith.constant 2 : i32
      %dma_start3A_270 = arith.constant 0 : i32
      %dma_start3A_271 = tpu.memref_slice %arg10[%dma_start3A_268, %dma_start3A_269, %dma_start3A_270] : memref<2x4x128xi32, #tpu.memory_space<vmem>> -> memref<1x1x128xi32, #tpu.memory_space<vmem>>
      %dma_start3A_272 = tpu.memref_squeeze %dma_start3A_271 : memref<1x1x128xi32, #tpu.memory_space<vmem>> -> memref<128xi32, #tpu.memory_space<vmem>>
      %dma_start3A_273 = arith.constant 0 : i32
      %dma_start3A_274 = arith.constant 0 : i32
      %dma_start3A_275 = tpu.memref_slice %arg8[%dma_start3A_273, %dma_start3A_274] : memref<10240x64xf32, #tpu.memory_space<vmem_shared>> -> memref<10240x64xf32, #tpu.memory_space<vmem_shared>>
      tpu.enqueue_indirect_dma source(%arg13 : memref<128x64xf32, #tpu.memory_space<vmem>>) target(%dma_start3A_275 : memref<10240x64xf32, #tpu.memory_space<vmem_shared>>) offsets(%dma_start3A_272 : memref<128xi32, #tpu.memory_space<vmem>>) semaphore(%arg22 : memref<!tpu.dma_semaphore, #tpu.memory_space<semaphore_mem>>) {add = true}
      %dma_wait3A_276 = arith.constant 0 : i32
      %dma_wait3A_277 = arith.constant 3 : i32
      %dma_wait3A_278 = arith.constant 0 : i32
      %dma_wait3A_279 = tpu.memref_slice %arg10[%dma_wait3A_276, %dma_wait3A_277, %dma_wait3A_278] : memref<2x4x128xi32, #tpu.memory_space<vmem>> -> memref<1x1x128xi32, #tpu.memory_space<vmem>>
      %dma_wait3A_280 = tpu.memref_squeeze %dma_wait3A_279 : memref<1x1x128xi32, #tpu.memory_space<vmem>> -> memref<128xi32, #tpu.memory_space<vmem>>
      %dma_wait3A_281 = arith.constant 0 : i32
      %dma_wait3A_282 = arith.constant 0 : i32
      %dma_wait3A_283 = tpu.memref_slice %arg2[%dma_wait3A_281, %dma_wait3A_282] : memref<10240x64xf32, #tpu.memory_space<hbm>> -> memref<10240x64xf32, #tpu.memory_space<hbm>>
      tpu.wait_indirect_dma semaphore(%arg19 : memref<!tpu.dma_semaphore, #tpu.memory_space<semaphore_mem>>) src(%dma_wait3A_283 : memref<10240x64xf32, #tpu.memory_space<hbm>>) dst(%arg14 : memref<128x64xf32, #tpu.memory_space<vmem>>)
      %dma_start3A_284 = arith.constant 1 : i32
      %dma_start3A_285 = arith.constant 3 : i32
      %dma_start3A_286 = arith.constant 0 : i32
      %dma_start3A_287 = tpu.memref_slice %arg10[%dma_start3A_284, %dma_start3A_285, %dma_start3A_286] : memref<2x4x128xi32, #tpu.memory_space<vmem>> -> memref<1x1x128xi32, #tpu.memory_space<vmem>>
      %dma_start3A_288 = tpu.memref_squeeze %dma_start3A_287 : memref<1x1x128xi32, #tpu.memory_space<vmem>> -> memref<128xi32, #tpu.memory_space<vmem>>
      %dma_start3A_289 = arith.constant 0 : i32
      %dma_start3A_290 = arith.constant 0 : i32
      %dma_start3A_291 = tpu.memref_slice %arg8[%dma_start3A_289, %dma_start3A_290] : memref<10240x64xf32, #tpu.memory_space<vmem_shared>> -> memref<10240x64xf32, #tpu.memory_space<vmem_shared>>
      tpu.enqueue_indirect_dma source(%arg14 : memref<128x64xf32, #tpu.memory_space<vmem>>) target(%dma_start3A_291 : memref<10240x64xf32, #tpu.memory_space<vmem_shared>>) offsets(%dma_start3A_288 : memref<128xi32, #tpu.memory_space<vmem>>) semaphore(%arg23 : memref<!tpu.dma_semaphore, #tpu.memory_space<semaphore_mem>>) {add = true}
      %dma_wait3A_292 = arith.constant 1 : i32
      %dma_wait3A_293 = arith.constant 0 : i32
      %dma_wait3A_294 = arith.constant 0 : i32
      %dma_wait3A_295 = tpu.memref_slice %arg10[%dma_wait3A_292, %dma_wait3A_293, %dma_wait3A_294] : memref<2x4x128xi32, #tpu.memory_space<vmem>> -> memref<1x1x128xi32, #tpu.memory_space<vmem>>
      %dma_wait3A_296 = tpu.memref_squeeze %dma_wait3A_295 : memref<1x1x128xi32, #tpu.memory_space<vmem>> -> memref<128xi32, #tpu.memory_space<vmem>>
      %dma_wait3A_297 = arith.constant 0 : i32
      %dma_wait3A_298 = arith.constant 0 : i32
      %dma_wait3A_299 = tpu.memref_slice %arg8[%dma_wait3A_297, %dma_wait3A_298] : memref<10240x64xf32, #tpu.memory_space<vmem_shared>> -> memref<10240x64xf32, #tpu.memory_space<vmem_shared>>
      tpu.wait_indirect_dma semaphore(%arg20 : memref<!tpu.dma_semaphore, #tpu.memory_space<semaphore_mem>>) src(%arg11 : memref<128x64xf32, #tpu.memory_space<vmem>>) dst(%dma_wait3A_299 : memref<10240x64xf32, #tpu.memory_space<vmem_shared>>)
      %dma_wait3A_300 = arith.constant 1 : i32
      %dma_wait3A_301 = arith.constant 1 : i32
      %dma_wait3A_302 = arith.constant 0 : i32
      %dma_wait3A_303 = tpu.memref_slice %arg10[%dma_wait3A_300, %dma_wait3A_301, %dma_wait3A_302] : memref<2x4x128xi32, #tpu.memory_space<vmem>> -> memref<1x1x128xi32, #tpu.memory_space<vmem>>
      %dma_wait3A_304 = tpu.memref_squeeze %dma_wait3A_303 : memref<1x1x128xi32, #tpu.memory_space<vmem>> -> memref<128xi32, #tpu.memory_space<vmem>>
      %dma_wait3A_305 = arith.constant 0 : i32
      %dma_wait3A_306 = arith.constant 0 : i32
      %dma_wait3A_307 = tpu.memref_slice %arg8[%dma_wait3A_305, %dma_wait3A_306] : memref<10240x64xf32, #tpu.memory_space<vmem_shared>> -> memref<10240x64xf32, #tpu.memory_space<vmem_shared>>
      tpu.wait_indirect_dma semaphore(%arg21 : memref<!tpu.dma_semaphore, #tpu.memory_space<semaphore_mem>>) src(%arg12 : memref<128x64xf32, #tpu.memory_space<vmem>>) dst(%dma_wait3A_307 : memref<10240x64xf32, #tpu.memory_space<vmem_shared>>)
      %dma_wait3A_308 = arith.constant 1 : i32
      %dma_wait3A_309 = arith.constant 2 : i32
      %dma_wait3A_310 = arith.constant 0 : i32
      %dma_wait3A_311 = tpu.memref_slice %arg10[%dma_wait3A_308, %dma_wait3A_309, %dma_wait3A_310] : memref<2x4x128xi32, #tpu.memory_space<vmem>> -> memref<1x1x128xi32, #tpu.memory_space<vmem>>
      %dma_wait3A_312 = tpu.memref_squeeze %dma_wait3A_311 : memref<1x1x128xi32, #tpu.memory_space<vmem>> -> memref<128xi32, #tpu.memory_space<vmem>>
      %dma_wait3A_313 = arith.constant 0 : i32
      %dma_wait3A_314 = arith.constant 0 : i32
      %dma_wait3A_315 = tpu.memref_slice %arg8[%dma_wait3A_313, %dma_wait3A_314] : memref<10240x64xf32, #tpu.memory_space<vmem_shared>> -> memref<10240x64xf32, #tpu.memory_space<vmem_shared>>
      tpu.wait_indirect_dma semaphore(%arg22 : memref<!tpu.dma_semaphore, #tpu.memory_space<semaphore_mem>>) src(%arg13 : memref<128x64xf32, #tpu.memory_space<vmem>>) dst(%dma_wait3A_315 : memref<10240x64xf32, #tpu.memory_space<vmem_shared>>)
      %dma_wait3A_316 = arith.constant 1 : i32
      %dma_wait3A_317 = arith.constant 3 : i32
      %dma_wait3A_318 = arith.constant 0 : i32
      %dma_wait3A_319 = tpu.memref_slice %arg10[%dma_wait3A_316, %dma_wait3A_317, %dma_wait3A_318] : memref<2x4x128xi32, #tpu.memory_space<vmem>> -> memref<1x1x128xi32, #tpu.memory_space<vmem>>
      %dma_wait3A_320 = tpu.memref_squeeze %dma_wait3A_319 : memref<1x1x128xi32, #tpu.memory_space<vmem>> -> memref<128xi32, #tpu.memory_space<vmem>>
      %dma_wait3A_321 = arith.constant 0 : i32
      %dma_wait3A_322 = arith.constant 0 : i32
      %dma_wait3A_323 = tpu.memref_slice %arg8[%dma_wait3A_321, %dma_wait3A_322] : memref<10240x64xf32, #tpu.memory_space<vmem_shared>> -> memref<10240x64xf32, #tpu.memory_space<vmem_shared>>
      tpu.wait_indirect_dma semaphore(%arg23 : memref<!tpu.dma_semaphore, #tpu.memory_space<semaphore_mem>>) src(%arg14 : memref<128x64xf32, #tpu.memory_space<vmem>>) dst(%dma_wait3A_323 : memref<10240x64xf32, #tpu.memory_space<vmem_shared>>)
      %dma_wait3A_324 = arith.constant 0 : i32
      %dma_wait3A_325 = arith.constant 0 : i32
      %dma_wait3A_326 = arith.constant 0 : i32
      %dma_wait3A_327 = tpu.memref_slice %arg10[%dma_wait3A_324, %dma_wait3A_325, %dma_wait3A_326] : memref<2x4x128xi32, #tpu.memory_space<vmem>> -> memref<1x1x128xi32, #tpu.memory_space<vmem>>
      %dma_wait3A_328 = tpu.memref_squeeze %dma_wait3A_327 : memref<1x1x128xi32, #tpu.memory_space<vmem>> -> memref<128xi32, #tpu.memory_space<vmem>>
      %dma_wait3A_329 = arith.constant 0 : i32
      %dma_wait3A_330 = tpu.memref_slice %arg24[%dma_wait3A_329] : memref<10240xf32, #tpu.memory_space<vmem_shared>> -> memref<10240xf32, #tpu.memory_space<vmem_shared>>
      tpu.wait_indirect_dma semaphore(%arg28 : memref<!tpu.dma_semaphore, #tpu.memory_space<semaphore_mem>>) src(%arg26 : memref<128xf32, #tpu.memory_space<vmem>>) dst(%dma_wait3A_330 : memref<10240xf32, #tpu.memory_space<vmem_shared>>)
      %dma_wait3A_331 = arith.constant 1 : i32
      %dma_wait3A_332 = arith.constant 0 : i32
      %dma_wait3A_333 = arith.constant 0 : i32
      %dma_wait3A_334 = tpu.memref_slice %arg10[%dma_wait3A_331, %dma_wait3A_332, %dma_wait3A_333] : memref<2x4x128xi32, #tpu.memory_space<vmem>> -> memref<1x1x128xi32, #tpu.memory_space<vmem>>
      %dma_wait3A_335 = tpu.memref_squeeze %dma_wait3A_334 : memref<1x1x128xi32, #tpu.memory_space<vmem>> -> memref<128xi32, #tpu.memory_space<vmem>>
      %dma_wait3A_336 = arith.constant 0 : i32
      %dma_wait3A_337 = tpu.memref_slice %arg25[%dma_wait3A_336] : memref<10240xf32, #tpu.memory_space<vmem_shared>> -> memref<10240xf32, #tpu.memory_space<vmem_shared>>
      tpu.wait_indirect_dma semaphore(%arg29 : memref<!tpu.dma_semaphore, #tpu.memory_space<semaphore_mem>>) src(%arg26 : memref<128xf32, #tpu.memory_space<vmem>>) dst(%dma_wait3A_337 : memref<10240xf32, #tpu.memory_space<vmem_shared>>)
      %dma_wait3A_338 = arith.constant 0 : i32
      %dma_wait3A_339 = arith.constant 1 : i32
      %dma_wait3A_340 = arith.constant 0 : i32
      %dma_wait3A_341 = tpu.memref_slice %arg10[%dma_wait3A_338, %dma_wait3A_339, %dma_wait3A_340] : memref<2x4x128xi32, #tpu.memory_space<vmem>> -> memref<1x1x128xi32, #tpu.memory_space<vmem>>
      %dma_wait3A_342 = tpu.memref_squeeze %dma_wait3A_341 : memref<1x1x128xi32, #tpu.memory_space<vmem>> -> memref<128xi32, #tpu.memory_space<vmem>>
      %dma_wait3A_343 = arith.constant 0 : i32
      %dma_wait3A_344 = tpu.memref_slice %arg24[%dma_wait3A_343] : memref<10240xf32, #tpu.memory_space<vmem_shared>> -> memref<10240xf32, #tpu.memory_space<vmem_shared>>
      tpu.wait_indirect_dma semaphore(%arg28 : memref<!tpu.dma_semaphore, #tpu.memory_space<semaphore_mem>>) src(%arg26 : memref<128xf32, #tpu.memory_space<vmem>>) dst(%dma_wait3A_344 : memref<10240xf32, #tpu.memory_space<vmem_shared>>)
      %dma_wait3A_345 = arith.constant 1 : i32
      %dma_wait3A_346 = arith.constant 1 : i32
      %dma_wait3A_347 = arith.constant 0 : i32
      %dma_wait3A_348 = tpu.memref_slice %arg10[%dma_wait3A_345, %dma_wait3A_346, %dma_wait3A_347] : memref<2x4x128xi32, #tpu.memory_space<vmem>> -> memref<1x1x128xi32, #tpu.memory_space<vmem>>
      %dma_wait3A_349 = tpu.memref_squeeze %dma_wait3A_348 : memref<1x1x128xi32, #tpu.memory_space<vmem>> -> memref<128xi32, #tpu.memory_space<vmem>>
      %dma_wait3A_350 = arith.constant 0 : i32
      %dma_wait3A_351 = tpu.memref_slice %arg25[%dma_wait3A_350] : memref<10240xf32, #tpu.memory_space<vmem_shared>> -> memref<10240xf32, #tpu.memory_space<vmem_shared>>
      tpu.wait_indirect_dma semaphore(%arg29 : memref<!tpu.dma_semaphore, #tpu.memory_space<semaphore_mem>>) src(%arg26 : memref<128xf32, #tpu.memory_space<vmem>>) dst(%dma_wait3A_351 : memref<10240xf32, #tpu.memory_space<vmem_shared>>)
      %dma_wait3A_352 = arith.constant 0 : i32
      %dma_wait3A_353 = arith.constant 2 : i32
      %dma_wait3A_354 = arith.constant 0 : i32
      %dma_wait3A_355 = tpu.memref_slice %arg10[%dma_wait3A_352, %dma_wait3A_353, %dma_wait3A_354] : memref<2x4x128xi32, #tpu.memory_space<vmem>> -> memref<1x1x128xi32, #tpu.memory_space<vmem>>
      %dma_wait3A_356 = tpu.memref_squeeze %dma_wait3A_355 : memref<1x1x128xi32, #tpu.memory_space<vmem>> -> memref<128xi32, #tpu.memory_space<vmem>>
      %dma_wait3A_357 = arith.constant 0 : i32
      %dma_wait3A_358 = tpu.memref_slice %arg24[%dma_wait3A_357] : memref<10240xf32, #tpu.memory_space<vmem_shared>> -> memref<10240xf32, #tpu.memory_space<vmem_shared>>
      tpu.wait_indirect_dma semaphore(%arg28 : memref<!tpu.dma_semaphore, #tpu.memory_space<semaphore_mem>>) src(%arg26 : memref<128xf32, #tpu.memory_space<vmem>>) dst(%dma_wait3A_358 : memref<10240xf32, #tpu.memory_space<vmem_shared>>)
      %dma_wait3A_359 = arith.constant 1 : i32
      %dma_wait3A_360 = arith.constant 2 : i32
      %dma_wait3A_361 = arith.constant 0 : i32
      %dma_wait3A_362 = tpu.memref_slice %arg10[%dma_wait3A_359, %dma_wait3A_360, %dma_wait3A_361] : memref<2x4x128xi32, #tpu.memory_space<vmem>> -> memref<1x1x128xi32, #tpu.memory_space<vmem>>
      %dma_wait3A_363 = tpu.memref_squeeze %dma_wait3A_362 : memref<1x1x128xi32, #tpu.memory_space<vmem>> -> memref<128xi32, #tpu.memory_space<vmem>>
      %dma_wait3A_364 = arith.constant 0 : i32
      %dma_wait3A_365 = tpu.memref_slice %arg25[%dma_wait3A_364] : memref<10240xf32, #tpu.memory_space<vmem_shared>> -> memref<10240xf32, #tpu.memory_space<vmem_shared>>
      tpu.wait_indirect_dma semaphore(%arg29 : memref<!tpu.dma_semaphore, #tpu.memory_space<semaphore_mem>>) src(%arg26 : memref<128xf32, #tpu.memory_space<vmem>>) dst(%dma_wait3A_365 : memref<10240xf32, #tpu.memory_space<vmem_shared>>)
      %dma_wait3A_366 = arith.constant 0 : i32
      %dma_wait3A_367 = arith.constant 3 : i32
      %dma_wait3A_368 = arith.constant 0 : i32
      %dma_wait3A_369 = tpu.memref_slice %arg10[%dma_wait3A_366, %dma_wait3A_367, %dma_wait3A_368] : memref<2x4x128xi32, #tpu.memory_space<vmem>> -> memref<1x1x128xi32, #tpu.memory_space<vmem>>
      %dma_wait3A_370 = tpu.memref_squeeze %dma_wait3A_369 : memref<1x1x128xi32, #tpu.memory_space<vmem>> -> memref<128xi32, #tpu.memory_space<vmem>>
      %dma_wait3A_371 = arith.constant 0 : i32
      %dma_wait3A_372 = tpu.memref_slice %arg24[%dma_wait3A_371] : memref<10240xf32, #tpu.memory_space<vmem_shared>> -> memref<10240xf32, #tpu.memory_space<vmem_shared>>
      tpu.wait_indirect_dma semaphore(%arg28 : memref<!tpu.dma_semaphore, #tpu.memory_space<semaphore_mem>>) src(%arg26 : memref<128xf32, #tpu.memory_space<vmem>>) dst(%dma_wait3A_372 : memref<10240xf32, #tpu.memory_space<vmem_shared>>)
      %dma_wait3A_373 = arith.constant 1 : i32
      %dma_wait3A_374 = arith.constant 3 : i32
      %dma_wait3A_375 = arith.constant 0 : i32
      %dma_wait3A_376 = tpu.memref_slice %arg10[%dma_wait3A_373, %dma_wait3A_374, %dma_wait3A_375] : memref<2x4x128xi32, #tpu.memory_space<vmem>> -> memref<1x1x128xi32, #tpu.memory_space<vmem>>
      %dma_wait3A_377 = tpu.memref_squeeze %dma_wait3A_376 : memref<1x1x128xi32, #tpu.memory_space<vmem>> -> memref<128xi32, #tpu.memory_space<vmem>>
      %dma_wait3A_378 = arith.constant 0 : i32
      %dma_wait3A_379 = tpu.memref_slice %arg25[%dma_wait3A_378] : memref<10240xf32, #tpu.memory_space<vmem_shared>> -> memref<10240xf32, #tpu.memory_space<vmem_shared>>
      tpu.wait_indirect_dma semaphore(%arg29 : memref<!tpu.dma_semaphore, #tpu.memory_space<semaphore_mem>>) src(%arg26 : memref<128xf32, #tpu.memory_space<vmem>>) dst(%dma_wait3A_379 : memref<10240xf32, #tpu.memory_space<vmem_shared>>)
    }
    %scan3A_40 = arith.constant 39 : i32
    %lt3A = arith.constant 4 : i32
    %lt3A_41 = arith.cmpi slt, %arg1, %lt3A : i32
    %convert_element_type3A_42 = arith.extui %lt3A_41 : i1 to i32
    %cond3A_43 = arith.constant 0 : i32
    %cond3A_44 = arith.cmpi ne, %convert_element_type3A_42, %cond3A_43 : i32
    scf.if %cond3A_44 {
      %add3A = arith.constant 2496 : i32
      %add3A_65 = arith.addi %add3A, %arg1 : i32
      %dma_start3A = arith.constant 0 : i32
      %dma_start3A_66 = arith.constant 0 : i32
      %dma_start3A_67 = arith.constant 0 : i32
      %dma_start3A_68 = arith.constant 0 : i32
      %dma_start3A_69 = tpu.memref_slice %arg10[%dma_start3A_66, %dma_start3A_67, %dma_start3A_68] : memref<2x4x128xi32, #tpu.memory_space<vmem>> -> memref<1x1x128xi32, #tpu.memory_space<vmem>>
      %dma_start3A_70 = tpu.memref_squeeze %dma_start3A_69 : memref<1x1x128xi32, #tpu.memory_space<vmem>> -> memref<1x128xi32, #tpu.memory_space<vmem>>
      %dma_start3A_71 = arith.constant 0 : i32
      %dma_start3A_72 = tpu.memref_slice %arg4[%dma_start3A, %add3A_65, %dma_start3A_71] : memref<2x2500x128xi32, #tpu.memory_space<hbm>> -> memref<1x1x128xi32, #tpu.memory_space<hbm>>
      %dma_start3A_73 = tpu.memref_squeeze %dma_start3A_72 : memref<1x1x128xi32, #tpu.memory_space<hbm>> -> memref<1x128xi32, #tpu.memory_space<hbm>>
      %dma_start3A_74 = arith.constant 0 : i32
      %dma_start3A_75 = arith.constant 0 : i32
      %dma_start3A_76 = tpu.memref_slice %arg10[%dma_start3A_66, %dma_start3A_74, %dma_start3A_75] : memref<2x4x128xi32, #tpu.memory_space<vmem>> -> memref<1x1x128xi32, #tpu.memory_space<vmem>>
      %dma_start3A_77 = tpu.memref_squeeze %dma_start3A_76 : memref<1x1x128xi32, #tpu.memory_space<vmem>> -> memref<1x128xi32, #tpu.memory_space<vmem>>
      %dma_start3A_78 = arith.constant 0 : i32
      %dma_start3A_79 = tpu.memref_slice %arg4[%dma_start3A, %add3A_65, %dma_start3A_78] : memref<2x2500x128xi32, #tpu.memory_space<hbm>> -> memref<1x1x128xi32, #tpu.memory_space<hbm>>
      %dma_start3A_80 = tpu.memref_squeeze %dma_start3A_79 : memref<1x1x128xi32, #tpu.memory_space<hbm>> -> memref<1x128xi32, #tpu.memory_space<hbm>>
      tpu.enqueue_dma source(%dma_start3A_80 : memref<1x128xi32, #tpu.memory_space<hbm>>) target(%dma_start3A_77 : memref<1x128xi32, #tpu.memory_space<vmem>>) target_semaphore(%arg15 : memref<!tpu.dma_semaphore, #tpu.memory_space<semaphore_mem>>)
      %dma_start3A_81 = arith.constant 1 : i32
      %dma_start3A_82 = arith.constant 1 : i32
      %dma_start3A_83 = arith.constant 0 : i32
      %dma_start3A_84 = arith.constant 0 : i32
      %dma_start3A_85 = tpu.memref_slice %arg10[%dma_start3A_82, %dma_start3A_83, %dma_start3A_84] : memref<2x4x128xi32, #tpu.memory_space<vmem>> -> memref<1x1x128xi32, #tpu.memory_space<vmem>>
      %dma_start3A_86 = tpu.memref_squeeze %dma_start3A_85 : memref<1x1x128xi32, #tpu.memory_space<vmem>> -> memref<1x128xi32, #tpu.memory_space<vmem>>
      %dma_start3A_87 = arith.constant 0 : i32
      %dma_start3A_88 = tpu.memref_slice %arg4[%dma_start3A_81, %add3A_65, %dma_start3A_87] : memref<2x2500x128xi32, #tpu.memory_space<hbm>> -> memref<1x1x128xi32, #tpu.memory_space<hbm>>
      %dma_start3A_89 = tpu.memref_squeeze %dma_start3A_88 : memref<1x1x128xi32, #tpu.memory_space<hbm>> -> memref<1x128xi32, #tpu.memory_space<hbm>>
      %dma_start3A_90 = arith.constant 0 : i32
      %dma_start3A_91 = arith.constant 0 : i32
      %dma_start3A_92 = tpu.memref_slice %arg10[%dma_start3A_82, %dma_start3A_90, %dma_start3A_91] : memref<2x4x128xi32, #tpu.memory_space<vmem>> -> memref<1x1x128xi32, #tpu.memory_space<vmem>>
      %dma_start3A_93 = tpu.memref_squeeze %dma_start3A_92 : memref<1x1x128xi32, #tpu.memory_space<vmem>> -> memref<1x128xi32, #tpu.memory_space<vmem>>
      %dma_start3A_94 = arith.constant 0 : i32
      %dma_start3A_95 = tpu.memref_slice %arg4[%dma_start3A_81, %add3A_65, %dma_start3A_94] : memref<2x2500x128xi32, #tpu.memory_space<hbm>> -> memref<1x1x128xi32, #tpu.memory_space<hbm>>
      %dma_start3A_96 = tpu.memref_squeeze %dma_start3A_95 : memref<1x1x128xi32, #tpu.memory_space<hbm>> -> memref<1x128xi32, #tpu.memory_space<hbm>>
      tpu.enqueue_dma source(%dma_start3A_96 : memref<1x128xi32, #tpu.memory_space<hbm>>) target(%dma_start3A_93 : memref<1x128xi32, #tpu.memory_space<vmem>>) target_semaphore(%arg15 : memref<!tpu.dma_semaphore, #tpu.memory_space<semaphore_mem>>)
      %dma_wait3A = arith.constant 0 : i32
      %dma_wait3A_97 = arith.constant 0 : i32
      %dma_wait3A_98 = arith.constant 0 : i32
      %dma_wait3A_99 = arith.constant 0 : i32
      %dma_wait3A_100 = tpu.memref_slice %arg10[%dma_wait3A_97, %dma_wait3A_98, %dma_wait3A_99] : memref<2x4x128xi32, #tpu.memory_space<vmem>> -> memref<1x1x128xi32, #tpu.memory_space<vmem>>
      %dma_wait3A_101 = tpu.memref_squeeze %dma_wait3A_100 : memref<1x1x128xi32, #tpu.memory_space<vmem>> -> memref<1x128xi32, #tpu.memory_space<vmem>>
      %dma_wait3A_102 = arith.constant 0 : i32
      %dma_wait3A_103 = tpu.memref_slice %arg4[%dma_wait3A, %add3A_65, %dma_wait3A_102] : memref<2x2500x128xi32, #tpu.memory_space<hbm>> -> memref<1x1x128xi32, #tpu.memory_space<hbm>>
      %dma_wait3A_104 = tpu.memref_squeeze %dma_wait3A_103 : memref<1x1x128xi32, #tpu.memory_space<hbm>> -> memref<1x128xi32, #tpu.memory_space<hbm>>
      %dma_wait3A_105 = arith.constant 0 : i32
      %dma_wait3A_106 = arith.constant 0 : i32
      %dma_wait3A_107 = tpu.memref_slice %arg10[%dma_wait3A_97, %dma_wait3A_105, %dma_wait3A_106] : memref<2x4x128xi32, #tpu.memory_space<vmem>> -> memref<1x1x128xi32, #tpu.memory_space<vmem>>
      %dma_wait3A_108 = tpu.memref_squeeze %dma_wait3A_107 : memref<1x1x128xi32, #tpu.memory_space<vmem>> -> memref<1x128xi32, #tpu.memory_space<vmem>>
      %dma_wait3A_109 = arith.constant 0 : i32
      %dma_wait3A_110 = tpu.memref_slice %arg4[%dma_wait3A, %add3A_65, %dma_wait3A_109] : memref<2x2500x128xi32, #tpu.memory_space<hbm>> -> memref<1x1x128xi32, #tpu.memory_space<hbm>>
      %dma_wait3A_111 = tpu.memref_squeeze %dma_wait3A_110 : memref<1x1x128xi32, #tpu.memory_space<hbm>> -> memref<1x128xi32, #tpu.memory_space<hbm>>
      tpu.wait_dma2 semaphore(%arg15 : memref<!tpu.dma_semaphore, #tpu.memory_space<semaphore_mem>>) src(%dma_wait3A_111 : memref<1x128xi32, #tpu.memory_space<hbm>>) dst(%dma_wait3A_108 : memref<1x128xi32, #tpu.memory_space<vmem>>)
      %dma_wait3A_112 = arith.constant 1 : i32
      %dma_wait3A_113 = arith.constant 1 : i32
      %dma_wait3A_114 = arith.constant 0 : i32
      %dma_wait3A_115 = arith.constant 0 : i32
      %dma_wait3A_116 = tpu.memref_slice %arg10[%dma_wait3A_113, %dma_wait3A_114, %dma_wait3A_115] : memref<2x4x128xi32, #tpu.memory_space<vmem>> -> memref<1x1x128xi32, #tpu.memory_space<vmem>>
      %dma_wait3A_117 = tpu.memref_squeeze %dma_wait3A_116 : memref<1x1x128xi32, #tpu.memory_space<vmem>> -> memref<1x128xi32, #tpu.memory_space<vmem>>
      %dma_wait3A_118 = arith.constant 0 : i32
      %dma_wait3A_119 = tpu.memref_slice %arg4[%dma_wait3A_112, %add3A_65, %dma_wait3A_118] : memref<2x2500x128xi32, #tpu.memory_space<hbm>> -> memref<1x1x128xi32, #tpu.memory_space<hbm>>
      %dma_wait3A_120 = tpu.memref_squeeze %dma_wait3A_119 : memref<1x1x128xi32, #tpu.memory_space<hbm>> -> memref<1x128xi32, #tpu.memory_space<hbm>>
      %dma_wait3A_121 = arith.constant 0 : i32
      %dma_wait3A_122 = arith.constant 0 : i32
      %dma_wait3A_123 = tpu.memref_slice %arg10[%dma_wait3A_113, %dma_wait3A_121, %dma_wait3A_122] : memref<2x4x128xi32, #tpu.memory_space<vmem>> -> memref<1x1x128xi32, #tpu.memory_space<vmem>>
      %dma_wait3A_124 = tpu.memref_squeeze %dma_wait3A_123 : memref<1x1x128xi32, #tpu.memory_space<vmem>> -> memref<1x128xi32, #tpu.memory_space<vmem>>
      %dma_wait3A_125 = arith.constant 0 : i32
      %dma_wait3A_126 = tpu.memref_slice %arg4[%dma_wait3A_112, %add3A_65, %dma_wait3A_125] : memref<2x2500x128xi32, #tpu.memory_space<hbm>> -> memref<1x1x128xi32, #tpu.memory_space<hbm>>
      %dma_wait3A_127 = tpu.memref_squeeze %dma_wait3A_126 : memref<1x1x128xi32, #tpu.memory_space<hbm>> -> memref<1x128xi32, #tpu.memory_space<hbm>>
      tpu.wait_dma2 semaphore(%arg15 : memref<!tpu.dma_semaphore, #tpu.memory_space<semaphore_mem>>) src(%dma_wait3A_127 : memref<1x128xi32, #tpu.memory_space<hbm>>) dst(%dma_wait3A_124 : memref<1x128xi32, #tpu.memory_space<vmem>>)
      %dma_start3A_128 = arith.constant 0 : i32
      %dma_start3A_129 = arith.constant 0 : i32
      %dma_start3A_130 = arith.constant 0 : i32
      %dma_start3A_131 = tpu.memref_slice %arg10[%dma_start3A_128, %dma_start3A_129, %dma_start3A_130] : memref<2x4x128xi32, #tpu.memory_space<vmem>> -> memref<1x1x128xi32, #tpu.memory_space<vmem>>
      %dma_start3A_132 = tpu.memref_squeeze %dma_start3A_131 : memref<1x1x128xi32, #tpu.memory_space<vmem>> -> memref<128xi32, #tpu.memory_space<vmem>>
      %dma_start3A_133 = arith.constant 0 : i32
      %dma_start3A_134 = arith.constant 0 : i32
      %dma_start3A_135 = tpu.memref_slice %arg9[%dma_start3A_133, %dma_start3A_134] : memref<10240x64xf32, #tpu.memory_space<vmem_shared>> -> memref<10240x64xf32, #tpu.memory_space<vmem_shared>>
      tpu.enqueue_indirect_dma source(%dma_start3A_135 : memref<10240x64xf32, #tpu.memory_space<vmem_shared>>) target(%arg11 : memref<128x64xf32, #tpu.memory_space<vmem>>) offsets(%dma_start3A_132 : memref<128xi32, #tpu.memory_space<vmem>>) semaphore(%arg16 : memref<!tpu.dma_semaphore, #tpu.memory_space<semaphore_mem>>)
      %dma_start3A_136 = arith.constant 0 : i32
      %dma_start3A_137 = arith.constant 0 : i32
      %dma_start3A_138 = arith.constant 0 : i32
      %dma_start3A_139 = tpu.memref_slice %arg10[%dma_start3A_136, %dma_start3A_137, %dma_start3A_138] : memref<2x4x128xi32, #tpu.memory_space<vmem>> -> memref<1x1x128xi32, #tpu.memory_space<vmem>>
      %dma_start3A_140 = tpu.memref_squeeze %dma_start3A_139 : memref<1x1x128xi32, #tpu.memory_space<vmem>> -> memref<128xi32, #tpu.memory_space<vmem>>
      %dma_start3A_141 = arith.constant 0 : i32
      %dma_start3A_142 = tpu.memref_slice %arg24[%dma_start3A_141] : memref<10240xf32, #tpu.memory_space<vmem_shared>> -> memref<10240xf32, #tpu.memory_space<vmem_shared>>
      tpu.enqueue_indirect_dma source(%arg26 : memref<128xf32, #tpu.memory_space<vmem>>) target(%dma_start3A_142 : memref<10240xf32, #tpu.memory_space<vmem_shared>>) offsets(%dma_start3A_140 : memref<128xi32, #tpu.memory_space<vmem>>) semaphore(%arg28 : memref<!tpu.dma_semaphore, #tpu.memory_space<semaphore_mem>>) {add = true}
      %dma_start3A_143 = arith.constant 1 : i32
      %dma_start3A_144 = arith.constant 0 : i32
      %dma_start3A_145 = arith.constant 0 : i32
      %dma_start3A_146 = tpu.memref_slice %arg10[%dma_start3A_143, %dma_start3A_144, %dma_start3A_145] : memref<2x4x128xi32, #tpu.memory_space<vmem>> -> memref<1x1x128xi32, #tpu.memory_space<vmem>>
      %dma_start3A_147 = tpu.memref_squeeze %dma_start3A_146 : memref<1x1x128xi32, #tpu.memory_space<vmem>> -> memref<128xi32, #tpu.memory_space<vmem>>
      %dma_start3A_148 = arith.constant 0 : i32
      %dma_start3A_149 = tpu.memref_slice %arg25[%dma_start3A_148] : memref<10240xf32, #tpu.memory_space<vmem_shared>> -> memref<10240xf32, #tpu.memory_space<vmem_shared>>
      tpu.enqueue_indirect_dma source(%arg26 : memref<128xf32, #tpu.memory_space<vmem>>) target(%dma_start3A_149 : memref<10240xf32, #tpu.memory_space<vmem_shared>>) offsets(%dma_start3A_147 : memref<128xi32, #tpu.memory_space<vmem>>) semaphore(%arg29 : memref<!tpu.dma_semaphore, #tpu.memory_space<semaphore_mem>>) {add = true}
      %dma_wait3A_150 = arith.constant 0 : i32
      %dma_wait3A_151 = arith.constant 0 : i32
      %dma_wait3A_152 = arith.constant 0 : i32
      %dma_wait3A_153 = tpu.memref_slice %arg10[%dma_wait3A_150, %dma_wait3A_151, %dma_wait3A_152] : memref<2x4x128xi32, #tpu.memory_space<vmem>> -> memref<1x1x128xi32, #tpu.memory_space<vmem>>
      %dma_wait3A_154 = tpu.memref_squeeze %dma_wait3A_153 : memref<1x1x128xi32, #tpu.memory_space<vmem>> -> memref<128xi32, #tpu.memory_space<vmem>>
      %dma_wait3A_155 = arith.constant 0 : i32
      %dma_wait3A_156 = arith.constant 0 : i32
      %dma_wait3A_157 = tpu.memref_slice %arg9[%dma_wait3A_155, %dma_wait3A_156] : memref<10240x64xf32, #tpu.memory_space<vmem_shared>> -> memref<10240x64xf32, #tpu.memory_space<vmem_shared>>
      tpu.wait_indirect_dma semaphore(%arg16 : memref<!tpu.dma_semaphore, #tpu.memory_space<semaphore_mem>>) src(%dma_wait3A_157 : memref<10240x64xf32, #tpu.memory_space<vmem_shared>>) dst(%arg11 : memref<128x64xf32, #tpu.memory_space<vmem>>)
      %dma_start3A_158 = arith.constant 1 : i32
      %dma_start3A_159 = arith.constant 0 : i32
      %dma_start3A_160 = arith.constant 0 : i32
      %dma_start3A_161 = tpu.memref_slice %arg10[%dma_start3A_158, %dma_start3A_159, %dma_start3A_160] : memref<2x4x128xi32, #tpu.memory_space<vmem>> -> memref<1x1x128xi32, #tpu.memory_space<vmem>>
      %dma_start3A_162 = tpu.memref_squeeze %dma_start3A_161 : memref<1x1x128xi32, #tpu.memory_space<vmem>> -> memref<128xi32, #tpu.memory_space<vmem>>
      %dma_start3A_163 = arith.constant 0 : i32
      %dma_start3A_164 = arith.constant 0 : i32
      %dma_start3A_165 = tpu.memref_slice %arg8[%dma_start3A_163, %dma_start3A_164] : memref<10240x64xf32, #tpu.memory_space<vmem_shared>> -> memref<10240x64xf32, #tpu.memory_space<vmem_shared>>
      tpu.enqueue_indirect_dma source(%arg11 : memref<128x64xf32, #tpu.memory_space<vmem>>) target(%dma_start3A_165 : memref<10240x64xf32, #tpu.memory_space<vmem_shared>>) offsets(%dma_start3A_162 : memref<128xi32, #tpu.memory_space<vmem>>) semaphore(%arg20 : memref<!tpu.dma_semaphore, #tpu.memory_space<semaphore_mem>>) {add = true}
      %dma_wait3A_166 = arith.constant 1 : i32
      %dma_wait3A_167 = arith.constant 0 : i32
      %dma_wait3A_168 = arith.constant 0 : i32
      %dma_wait3A_169 = tpu.memref_slice %arg10[%dma_wait3A_166, %dma_wait3A_167, %dma_wait3A_168] : memref<2x4x128xi32, #tpu.memory_space<vmem>> -> memref<1x1x128xi32, #tpu.memory_space<vmem>>
      %dma_wait3A_170 = tpu.memref_squeeze %dma_wait3A_169 : memref<1x1x128xi32, #tpu.memory_space<vmem>> -> memref<128xi32, #tpu.memory_space<vmem>>
      %dma_wait3A_171 = arith.constant 0 : i32
      %dma_wait3A_172 = arith.constant 0 : i32
      %dma_wait3A_173 = tpu.memref_slice %arg8[%dma_wait3A_171, %dma_wait3A_172] : memref<10240x64xf32, #tpu.memory_space<vmem_shared>> -> memref<10240x64xf32, #tpu.memory_space<vmem_shared>>
      tpu.wait_indirect_dma semaphore(%arg20 : memref<!tpu.dma_semaphore, #tpu.memory_space<semaphore_mem>>) src(%arg11 : memref<128x64xf32, #tpu.memory_space<vmem>>) dst(%dma_wait3A_173 : memref<10240x64xf32, #tpu.memory_space<vmem_shared>>)
      %dma_wait3A_174 = arith.constant 0 : i32
      %dma_wait3A_175 = arith.constant 0 : i32
      %dma_wait3A_176 = arith.constant 0 : i32
      %dma_wait3A_177 = tpu.memref_slice %arg10[%dma_wait3A_174, %dma_wait3A_175, %dma_wait3A_176] : memref<2x4x128xi32, #tpu.memory_space<vmem>> -> memref<1x1x128xi32, #tpu.memory_space<vmem>>
      %dma_wait3A_178 = tpu.memref_squeeze %dma_wait3A_177 : memref<1x1x128xi32, #tpu.memory_space<vmem>> -> memref<128xi32, #tpu.memory_space<vmem>>
      %dma_wait3A_179 = arith.constant 0 : i32
      %dma_wait3A_180 = tpu.memref_slice %arg24[%dma_wait3A_179] : memref<10240xf32, #tpu.memory_space<vmem_shared>> -> memref<10240xf32, #tpu.memory_space<vmem_shared>>
      tpu.wait_indirect_dma semaphore(%arg28 : memref<!tpu.dma_semaphore, #tpu.memory_space<semaphore_mem>>) src(%arg26 : memref<128xf32, #tpu.memory_space<vmem>>) dst(%dma_wait3A_180 : memref<10240xf32, #tpu.memory_space<vmem_shared>>)
      %dma_wait3A_181 = arith.constant 1 : i32
      %dma_wait3A_182 = arith.constant 0 : i32
      %dma_wait3A_183 = arith.constant 0 : i32
      %dma_wait3A_184 = tpu.memref_slice %arg10[%dma_wait3A_181, %dma_wait3A_182, %dma_wait3A_183] : memref<2x4x128xi32, #tpu.memory_space<vmem>> -> memref<1x1x128xi32, #tpu.memory_space<vmem>>
      %dma_wait3A_185 = tpu.memref_squeeze %dma_wait3A_184 : memref<1x1x128xi32, #tpu.memory_space<vmem>> -> memref<128xi32, #tpu.memory_space<vmem>>
      %dma_wait3A_186 = arith.constant 0 : i32
      %dma_wait3A_187 = tpu.memref_slice %arg25[%dma_wait3A_186] : memref<10240xf32, #tpu.memory_space<vmem_shared>> -> memref<10240xf32, #tpu.memory_space<vmem_shared>>
      tpu.wait_indirect_dma semaphore(%arg29 : memref<!tpu.dma_semaphore, #tpu.memory_space<semaphore_mem>>) src(%arg26 : memref<128xf32, #tpu.memory_space<vmem>>) dst(%dma_wait3A_187 : memref<10240xf32, #tpu.memory_space<vmem_shared>>)
    } else {
    }
    %barrier3A_45 = arith.constant 0 : index
    tpu.barrier barrier_id(%barrier3A_45)
    %mul3A_46 = arith.constant 640 : i32
    %mul3A_47 = arith.muli %arg1, %mul3A_46 : i32
    %eq3A_48 = arith.constant 0 : i32
    %eq3A_49 = arith.cmpi eq, %arg0, %eq3A_48 : i32
    %convert_element_type3A_50 = arith.extui %eq3A_49 : i1 to i32
    %cond3A_51 = arith.constant 0 : i32
    %cond3A_52 = arith.cmpi ne, %convert_element_type3A_50, %cond3A_51 : i32
    scf.if %cond3A_52 {
      "tpu.region"() ({
        %run_scoped3A = tpu.sem_alloc : memref<!tpu.dma_semaphore, #tpu.memory_space<semaphore_mem>>
        %dma_start3A = tpu.memref_slice %arg24[%mul3A_47] : memref<10240xf32, #tpu.memory_space<vmem_shared>> -> memref<640xf32, #tpu.memory_space<vmem_shared>>
        %dma_start3A_70 = tpu.memref_slice %arg24[%mul3A_47] : memref<10240xf32, #tpu.memory_space<vmem_shared>> -> memref<640xf32, #tpu.memory_space<vmem_shared>>
        tpu.enqueue_dma source(%dma_start3A_70 : memref<640xf32, #tpu.memory_space<vmem_shared>>) target(%arg27 : memref<640xf32, #tpu.memory_space<vmem>>) target_semaphore(%run_scoped3A : memref<!tpu.dma_semaphore, #tpu.memory_space<semaphore_mem>>)
        %dma_wait3A = tpu.memref_slice %arg24[%mul3A_47] : memref<10240xf32, #tpu.memory_space<vmem_shared>> -> memref<640xf32, #tpu.memory_space<vmem_shared>>
        %dma_wait3A_71 = tpu.memref_slice %arg24[%mul3A_47] : memref<10240xf32, #tpu.memory_space<vmem_shared>> -> memref<640xf32, #tpu.memory_space<vmem_shared>>
        tpu.wait_dma2 semaphore(%run_scoped3A : memref<!tpu.dma_semaphore, #tpu.memory_space<semaphore_mem>>) src(%dma_wait3A_71 : memref<640xf32, #tpu.memory_space<vmem_shared>>) dst(%arg27 : memref<640xf32, #tpu.memory_space<vmem>>)
        tpu.yield
      }) : () -> ()
      %scan3A_65 = arith.constant 0 : i32
      %scan3A_66 = arith.constant 40 : i32
      %scan3A_67 = arith.addi %scan3A_65, %scan3A_66 : i32
      %scan3A_68 = arith.constant 1 : i32
      scf.for %scan3A_70 = %scan3A_65 to %scan3A_67 step %scan3A_68  : i32 {
        %mul3A_71 = arith.constant 1 : i32
        %mul3A_72 = arith.muli %scan3A_70, %mul3A_71 : i32
        %add3A = arith.constant 0 : i32
        %add3A_73 = arith.addi %add3A, %mul3A_72 : i32
        %mul3A_74 = arith.constant 16 : i32
        %mul3A_75 = arith.muli %add3A_73, %mul3A_74 : i32
        %get3A = arith.index_cast %mul3A_75 : i32 to index
        %get3A_76 = tpu.vector_load %arg27[%get3A] {strides = array<i32>} : memref<640xf32, #tpu.memory_space<vmem>>, vector<16xf32>,
        %gt3A = arith.constant 0.000000e+00 : f32
        %gt3A_77 = vector.broadcast %gt3A : f32 to vector<16xf32>
        %gt3A_78 = arith.cmpf ogt, %get3A_76, %gt3A_77 : vector<16xf32>
        %div3A = arith.constant 1.000000e+00 : f32
        %div3A_79 = vector.broadcast %div3A : f32 to vector<16xf32>
        %div3A_80 = arith.divf %div3A_79, %get3A_76 : vector<16xf32>
        %jit3A = arith.constant 0.000000e+00 : f32
        %broadcast_in_dim3A_81 = vector.broadcast %jit3A : f32 to vector<16xf32>
        %select_n3A = arith.select %gt3A_78, %div3A_80, %broadcast_in_dim3A_81 : vector<16xi1>, vector<16xf32>
        %swap3A = arith.index_cast %mul3A_75 : i32 to index
        %swap3A_82 = tpu.vector_load %arg27[%swap3A] {strides = array<i32>} : memref<640xf32, #tpu.memory_space<vmem>>, vector<16xf32>,
        tpu.vector_store %arg27[%swap3A], %select_n3A {strides = array<i32>} : memref<640xf32, #tpu.memory_space<vmem>>, vector<16xf32>,
      }
      %scan3A_69 = arith.constant 40 : i32
      "tpu.region"() ({
        %run_scoped3A = tpu.sem_alloc : memref<!tpu.dma_semaphore, #tpu.memory_space<semaphore_mem>>
        %dma_start3A = tpu.memref_slice %arg7[%mul3A_47] : memref<10240xf32, #tpu.memory_space<hbm>> -> memref<640xf32, #tpu.memory_space<hbm>>
        %dma_start3A_70 = tpu.memref_slice %arg7[%mul3A_47] : memref<10240xf32, #tpu.memory_space<hbm>> -> memref<640xf32, #tpu.memory_space<hbm>>
        tpu.enqueue_dma source(%arg27 : memref<640xf32, #tpu.memory_space<vmem>>) target(%dma_start3A_70 : memref<640xf32, #tpu.memory_space<hbm>>) target_semaphore(%run_scoped3A : memref<!tpu.dma_semaphore, #tpu.memory_space<semaphore_mem>>)
        %dma_wait3A = tpu.memref_slice %arg7[%mul3A_47] : memref<10240xf32, #tpu.memory_space<hbm>> -> memref<640xf32, #tpu.memory_space<hbm>>
        %dma_wait3A_71 = tpu.memref_slice %arg7[%mul3A_47] : memref<10240xf32, #tpu.memory_space<hbm>> -> memref<640xf32, #tpu.memory_space<hbm>>
        tpu.wait_dma2 semaphore(%run_scoped3A : memref<!tpu.dma_semaphore, #tpu.memory_space<semaphore_mem>>) src(%arg27 : memref<640xf32, #tpu.memory_space<vmem>>) dst(%dma_wait3A_71 : memref<640xf32, #tpu.memory_space<hbm>>)
        tpu.yield
      }) : () -> ()
    } else {
    }
    "tpu.region"() ({
      %run_scoped3A = tpu.sem_alloc : memref<!tpu.dma_semaphore, #tpu.memory_space<semaphore_mem>>
      %dma_start3A = tpu.memref_slice %arg25[%mul3A_47] : memref<10240xf32, #tpu.memory_space<vmem_shared>> -> memref<640xf32, #tpu.memory_space<vmem_shared>>
      %dma_start3A_65 = tpu.memref_slice %arg25[%mul3A_47] : memref<10240xf32, #tpu.memory_space<vmem_shared>> -> memref<640xf32, #tpu.memory_space<vmem_shared>>
      tpu.enqueue_dma source(%dma_start3A_65 : memref<640xf32, #tpu.memory_space<vmem_shared>>) target(%arg27 : memref<640xf32, #tpu.memory_space<vmem>>) target_semaphore(%run_scoped3A : memref<!tpu.dma_semaphore, #tpu.memory_space<semaphore_mem>>)
      %dma_wait3A = tpu.memref_slice %arg25[%mul3A_47] : memref<10240xf32, #tpu.memory_space<vmem_shared>> -> memref<640xf32, #tpu.memory_space<vmem_shared>>
      %dma_wait3A_66 = tpu.memref_slice %arg25[%mul3A_47] : memref<10240xf32, #tpu.memory_space<vmem_shared>> -> memref<640xf32, #tpu.memory_space<vmem_shared>>
      tpu.wait_dma2 semaphore(%run_scoped3A : memref<!tpu.dma_semaphore, #tpu.memory_space<semaphore_mem>>) src(%dma_wait3A_66 : memref<640xf32, #tpu.memory_space<vmem_shared>>) dst(%arg27 : memref<640xf32, #tpu.memory_space<vmem>>)
      tpu.yield
    }) : () -> ()
    %scan3A_53 = arith.constant 0 : i32
    %scan3A_54 = arith.constant 40 : i32
    %scan3A_55 = arith.addi %scan3A_53, %scan3A_54 : i32
    %scan3A_56 = arith.constant 1 : i32
    scf.for %scan3A_65 = %scan3A_53 to %scan3A_55 step %scan3A_56  : i32 {
      %mul3A_66 = arith.constant 1 : i32
      %mul3A_67 = arith.muli %scan3A_65, %mul3A_66 : i32
      %add3A = arith.constant 0 : i32
      %add3A_68 = arith.addi %add3A, %mul3A_67 : i32
      %mul3A_69 = arith.constant 16 : i32
      %mul3A_70 = arith.muli %add3A_68, %mul3A_69 : i32
      %get3A = arith.index_cast %mul3A_70 : i32 to index
      %get3A_71 = tpu.vector_load %arg27[%get3A] {strides = array<i32>} : memref<640xf32, #tpu.memory_space<vmem>>, vector<16xf32>,
      %gt3A = arith.constant 0.000000e+00 : f32
      %gt3A_72 = vector.broadcast %gt3A : f32 to vector<16xf32>
      %gt3A_73 = arith.cmpf ogt, %get3A_71, %gt3A_72 : vector<16xf32>
      %div3A = arith.constant 1.000000e+00 : f32
      %div3A_74 = vector.broadcast %div3A : f32 to vector<16xf32>
      %div3A_75 = arith.divf %div3A_74, %get3A_71 : vector<16xf32>
      %jit3A = arith.constant 0.000000e+00 : f32
      %broadcast_in_dim3A_76 = vector.broadcast %jit3A : f32 to vector<16xf32>
      %select_n3A = arith.select %gt3A_73, %div3A_75, %broadcast_in_dim3A_76 : vector<16xi1>, vector<16xf32>
      %swap3A = arith.index_cast %mul3A_70 : i32 to index
      %swap3A_77 = tpu.vector_load %arg27[%swap3A] {strides = array<i32>} : memref<640xf32, #tpu.memory_space<vmem>>, vector<16xf32>,
      tpu.vector_store %arg27[%swap3A], %select_n3A {strides = array<i32>} : memref<640xf32, #tpu.memory_space<vmem>>, vector<16xf32>,
    }
    %scan3A_57 = arith.constant 40 : i32
    %broadcast_in_dim3A_58 = arith.constant 0 : i32
    %broadcast_in_dim3A_59 = vector.broadcast %broadcast_in_dim3A_58 : i32 to vector<16xi32>
    %scan3A_60 = arith.constant 0 : i32
    %scan3A_61 = arith.constant 5 : i32
    %scan3A_62 = arith.addi %scan3A_60, %scan3A_61 : i32
    %scan3A_63 = arith.constant 1 : i32
    scf.for %scan3A_65 = %scan3A_60 to %scan3A_62 step %scan3A_63  : i32 {
      %mul3A_66 = arith.constant 1 : i32
      %mul3A_67 = arith.muli %scan3A_65, %mul3A_66 : i32
      %add3A = arith.constant 0 : i32
      %add3A_68 = arith.addi %add3A, %mul3A_67 : i32
      %mul3A_69 = arith.constant 640 : i32
      %mul3A_70 = arith.muli %arg1, %mul3A_69 : i32
      %mul3A_71 = arith.constant 128 : i32
      %mul3A_72 = arith.muli %add3A_68, %mul3A_71 : i32
      %add3A_73 = arith.addi %mul3A_70, %mul3A_72 : i32
      "tpu.region"() ({
        %run_scoped3A = tpu.sem_alloc : memref<!tpu.dma_semaphore, #tpu.memory_space<semaphore_mem>>
        %dma_start3A = arith.constant 0 : i32
        %dma_start3A_89 = tpu.memref_slice %arg8[%add3A_73, %dma_start3A] : memref<10240x64xf32, #tpu.memory_space<vmem_shared>> -> memref<128x64xf32, #tpu.memory_space<vmem_shared>>
        %dma_start3A_90 = arith.constant 0 : i32
        %dma_start3A_91 = tpu.memref_slice %arg8[%add3A_73, %dma_start3A_90] : memref<10240x64xf32, #tpu.memory_space<vmem_shared>> -> memref<128x64xf32, #tpu.memory_space<vmem_shared>>
        tpu.enqueue_dma source(%dma_start3A_91 : memref<128x64xf32, #tpu.memory_space<vmem_shared>>) target(%arg11 : memref<128x64xf32, #tpu.memory_space<vmem>>) target_semaphore(%run_scoped3A : memref<!tpu.dma_semaphore, #tpu.memory_space<semaphore_mem>>)
        %dma_wait3A = arith.constant 0 : i32
        %dma_wait3A_92 = tpu.memref_slice %arg8[%add3A_73, %dma_wait3A] : memref<10240x64xf32, #tpu.memory_space<vmem_shared>> -> memref<128x64xf32, #tpu.memory_space<vmem_shared>>
        %dma_wait3A_93 = arith.constant 0 : i32
        %dma_wait3A_94 = tpu.memref_slice %arg8[%add3A_73, %dma_wait3A_93] : memref<10240x64xf32, #tpu.memory_space<vmem_shared>> -> memref<128x64xf32, #tpu.memory_space<vmem_shared>>
        tpu.wait_dma2 semaphore(%run_scoped3A : memref<!tpu.dma_semaphore, #tpu.memory_space<semaphore_mem>>) src(%dma_wait3A_94 : memref<128x64xf32, #tpu.memory_space<vmem_shared>>) dst(%arg11 : memref<128x64xf32, #tpu.memory_space<vmem>>)
        tpu.yield
      }) : () -> ()
      %scan3A_74 = arith.constant 0 : i32
      %scan3A_75 = arith.constant 128 : i32
      %scan3A_76 = arith.addi %scan3A_74, %scan3A_75 : i32
      %scan3A_77 = arith.constant 1 : i32
      scf.for %scan3A_89 = %scan3A_74 to %scan3A_76 step %scan3A_77  : i32 {
        %mul3A_90 = arith.constant 1 : i32
        %mul3A_91 = arith.muli %scan3A_89, %mul3A_90 : i32
        %add3A_92 = arith.constant 0 : i32
        %add3A_93 = arith.addi %add3A_92, %mul3A_91 : i32
        %mul3A_94 = arith.constant 128 : i32
        %mul3A_95 = arith.muli %add3A_68, %mul3A_94 : i32
        %add3A_96 = arith.addi %mul3A_95, %add3A_93 : i32
        %add3A_97 = vector.broadcast %add3A_96 : i32 to vector<16xi32>
        %add3A_98 = arith.addi %broadcast_in_dim3A_59, %add3A_97 : vector<16xi32>
        %gather3A = tpu.vector_load_idx %arg27[%add3A_98] : memref<640xf32, #tpu.memory_space<vmem>>[vector<16xi32>], vector<16xf32>,
        %get3A = arith.index_cast %add3A_93 : i32 to index
        %get3A_99 = arith.constant 0 : index
        %get3A_100 = tpu.vector_load %arg11[%get3A, %get3A_99] {strides = array<i32>} : memref<128x64xf32, #tpu.memory_space<vmem>>, vector<16xf32>,
        %mul3A_101 = arith.mulf %get3A_100, %gather3A : vector<16xf32>
        %swap3A = arith.index_cast %add3A_93 : i32 to index
        %swap3A_102 = arith.constant 0 : index
        %swap3A_103 = tpu.vector_load %arg11[%swap3A, %swap3A_102] {strides = array<i32>} : memref<128x64xf32, #tpu.memory_space<vmem>>, vector<16xf32>,
        tpu.vector_store %arg11[%swap3A, %swap3A_102], %mul3A_101 {strides = array<i32>} : memref<128x64xf32, #tpu.memory_space<vmem>>, vector<16xf32>,
        %get3A_104 = arith.index_cast %add3A_93 : i32 to index
        %get3A_105 = arith.constant 16 : index
        %get3A_106 = tpu.vector_load %arg11[%get3A_104, %get3A_105] {strides = array<i32>} : memref<128x64xf32, #tpu.memory_space<vmem>>, vector<16xf32>,
        %mul3A_107 = arith.mulf %get3A_106, %gather3A : vector<16xf32>
        %swap3A_108 = arith.index_cast %add3A_93 : i32 to index
        %swap3A_109 = arith.constant 16 : index
        %swap3A_110 = tpu.vector_load %arg11[%swap3A_108, %swap3A_109] {strides = array<i32>} : memref<128x64xf32, #tpu.memory_space<vmem>>, vector<16xf32>,
        tpu.vector_store %arg11[%swap3A_108, %swap3A_109], %mul3A_107 {strides = array<i32>} : memref<128x64xf32, #tpu.memory_space<vmem>>, vector<16xf32>,
        %get3A_111 = arith.index_cast %add3A_93 : i32 to index
        %get3A_112 = arith.constant 32 : index
        %get3A_113 = tpu.vector_load %arg11[%get3A_111, %get3A_112] {strides = array<i32>} : memref<128x64xf32, #tpu.memory_space<vmem>>, vector<16xf32>,
        %mul3A_114 = arith.mulf %get3A_113, %gather3A : vector<16xf32>
        %swap3A_115 = arith.index_cast %add3A_93 : i32 to index
        %swap3A_116 = arith.constant 32 : index
        %swap3A_117 = tpu.vector_load %arg11[%swap3A_115, %swap3A_116] {strides = array<i32>} : memref<128x64xf32, #tpu.memory_space<vmem>>, vector<16xf32>,
        tpu.vector_store %arg11[%swap3A_115, %swap3A_116], %mul3A_114 {strides = array<i32>} : memref<128x64xf32, #tpu.memory_space<vmem>>, vector<16xf32>,
        %get3A_118 = arith.index_cast %add3A_93 : i32 to index
        %get3A_119 = arith.constant 48 : index
        %get3A_120 = tpu.vector_load %arg11[%get3A_118, %get3A_119] {strides = array<i32>} : memref<128x64xf32, #tpu.memory_space<vmem>>, vector<16xf32>,
        %mul3A_121 = arith.mulf %get3A_120, %gather3A : vector<16xf32>
        %swap3A_122 = arith.index_cast %add3A_93 : i32 to index
        %swap3A_123 = arith.constant 48 : index
        %swap3A_124 = tpu.vector_load %arg11[%swap3A_122, %swap3A_123] {strides = array<i32>} : memref<128x64xf32, #tpu.memory_space<vmem>>, vector<16xf32>,
        tpu.vector_store %arg11[%swap3A_122, %swap3A_123], %mul3A_121 {strides = array<i32>} : memref<128x64xf32, #tpu.memory_space<vmem>>, vector<16xf32>,
      }
      %scan3A_78 = arith.constant 128 : i32
      %eq3A_79 = arith.constant 0 : i32
      %eq3A_80 = arith.cmpi eq, %arg0, %eq3A_79 : i32
      %convert_element_type3A_81 = arith.extui %eq3A_80 : i1 to i32
      %cond3A_82 = arith.constant 0 : i32
      %cond3A_83 = arith.cmpi ne, %convert_element_type3A_81, %cond3A_82 : i32
      scf.if %cond3A_83 {
        "tpu.region"() ({
          %run_scoped3A = tpu.sem_alloc : memref<!tpu.dma_semaphore, #tpu.memory_space<semaphore_mem>>
          %dma_start3A = arith.constant 0 : i32
          %dma_start3A_89 = tpu.memref_slice %arg5[%add3A_73, %dma_start3A] : memref<10240x64xf32, #tpu.memory_space<hbm>> -> memref<128x64xf32, #tpu.memory_space<hbm>>
          %dma_start3A_90 = arith.constant 0 : i32
          %dma_start3A_91 = tpu.memref_slice %arg5[%add3A_73, %dma_start3A_90] : memref<10240x64xf32, #tpu.memory_space<hbm>> -> memref<128x64xf32, #tpu.memory_space<hbm>>
          tpu.enqueue_dma source(%arg11 : memref<128x64xf32, #tpu.memory_space<vmem>>) target(%dma_start3A_91 : memref<128x64xf32, #tpu.memory_space<hbm>>) target_semaphore(%run_scoped3A : memref<!tpu.dma_semaphore, #tpu.memory_space<semaphore_mem>>)
          %dma_wait3A = arith.constant 0 : i32
          %dma_wait3A_92 = tpu.memref_slice %arg5[%add3A_73, %dma_wait3A] : memref<10240x64xf32, #tpu.memory_space<hbm>> -> memref<128x64xf32, #tpu.memory_space<hbm>>
          %dma_wait3A_93 = arith.constant 0 : i32
          %dma_wait3A_94 = tpu.memref_slice %arg5[%add3A_73, %dma_wait3A_93] : memref<10240x64xf32, #tpu.memory_space<hbm>> -> memref<128x64xf32, #tpu.memory_space<hbm>>
          tpu.wait_dma2 semaphore(%run_scoped3A : memref<!tpu.dma_semaphore, #tpu.memory_space<semaphore_mem>>) src(%arg11 : memref<128x64xf32, #tpu.memory_space<vmem>>) dst(%dma_wait3A_94 : memref<128x64xf32, #tpu.memory_space<hbm>>)
          tpu.yield
        }) : () -> ()
      } else {
      }
      %eq3A_84 = arith.constant 1 : i32
      %eq3A_85 = arith.cmpi eq, %arg0, %eq3A_84 : i32
      %convert_element_type3A_86 = arith.extui %eq3A_85 : i1 to i32
      %cond3A_87 = arith.constant 0 : i32
      %cond3A_88 = arith.cmpi ne, %convert_element_type3A_86, %cond3A_87 : i32
      scf.if %cond3A_88 {
        "tpu.region"() ({
          %run_scoped3A = tpu.sem_alloc : memref<!tpu.dma_semaphore, #tpu.memory_space<semaphore_mem>>
          %dma_start3A = arith.constant 0 : i32
          %dma_start3A_89 = tpu.memref_slice %arg6[%add3A_73, %dma_start3A] : memref<10240x64xf32, #tpu.memory_space<hbm>> -> memref<128x64xf32, #tpu.memory_space<hbm>>
          %dma_start3A_90 = arith.constant 0 : i32
          %dma_start3A_91 = tpu.memref_slice %arg6[%add3A_73, %dma_start3A_90] : memref<10240x64xf32, #tpu.memory_space<hbm>> -> memref<128x64xf32, #tpu.memory_space<hbm>>
          tpu.enqueue_dma source(%arg11 : memref<128x64xf32, #tpu.memory_space<vmem>>) target(%dma_start3A_91 : memref<128x64xf32, #tpu.memory_space<hbm>>) target_semaphore(%run_scoped3A : memref<!tpu.dma_semaphore, #tpu.memory_space<semaphore_mem>>)
          %dma_wait3A = arith.constant 0 : i32
          %dma_wait3A_92 = tpu.memref_slice %arg6[%add3A_73, %dma_wait3A] : memref<10240x64xf32, #tpu.memory_space<hbm>> -> memref<128x64xf32, #tpu.memory_space<hbm>>
          %dma_wait3A_93 = arith.constant 0 : i32
          %dma_wait3A_94 = tpu.memref_slice %arg6[%add3A_73, %dma_wait3A_93] : memref<10240x64xf32, #tpu.memory_space<hbm>> -> memref<128x64xf32, #tpu.memory_space<hbm>>
          tpu.wait_dma2 semaphore(%run_scoped3A : memref<!tpu.dma_semaphore, #tpu.memory_space<semaphore_mem>>) src(%arg11 : memref<128x64xf32, #tpu.memory_space<vmem>>) dst(%dma_wait3A_94 : memref<128x64xf32, #tpu.memory_space<hbm>>)
          tpu.yield
        }) : () -> ()
      } else {
      }
    }
    %scan3A_64 = arith.constant 5 : i32
    return
  }
}

module attributes {stable_mosaic.version = 14 : i64} {
  func.func @_mm_body(%arg0: i32, %arg1: memref<512x256xf32, #tpu.memory_space<vmem>>, %arg2: memref<256x128xf32, #tpu.memory_space<vmem>>, %arg3: memref<256x128xf32, #tpu.memory_space<vmem>>, %arg4: memref<512x128xf32, #tpu.memory_space<vmem>>, %arg5: memref<512x128xf32, #tpu.memory_space<vmem>>) attributes {dimension_semantics = [#tpu.dimension_semantics<arbitrary>], iteration_bounds = array<i64: 10>, scalar_prefetch = 0 : i64, scratch_operands = 0 : i64, tpu.core_type = #tpu.core_type<tc>, window_params = [{transform_indices = @transform_0, window_bounds = array<i64: 512, 256>}, {pipeline_mode = #tpu.pipeline_mode<synchronous>, transform_indices = @transform_1, window_bounds = array<i64: 256, 128>}, {pipeline_mode = #tpu.pipeline_mode<synchronous>, transform_indices = @transform_2, window_bounds = array<i64: 256, 128>}, {transform_indices = @transform_3, window_bounds = array<i64: 512, 128>}, {transform_indices = @transform_4, window_bounds = array<i64: 512, 128>}]} {
    %get3A = arith.constant 0 : index
    %get3A_0 = arith.constant 0 : index
    %get3A_1 = vector.load %arg1[%get3A, %get3A_0] : memref<512x256xf32, #tpu.memory_space<vmem>>, vector<512x256xf32>
    %get3A_2 = arith.constant 0 : index
    %get3A_3 = arith.constant 0 : index
    %get3A_4 = vector.load %arg2[%get3A_2, %get3A_3] : memref<256x128xf32, #tpu.memory_space<vmem>>, vector<256x128xf32>
    %dot_general3A = arith.constant dense<0.000000e+00> : vector<512x128xf32>
    %dot_general3A_5 = tpu.matmul %get3A_1, %get3A_4, %dot_general3A {dimension_numbers = #tpu.dot_dimension_numbers<[1], [0], [0], [1], [0, 0, 1, 1], [], []>, transpose_lhs_hint = false} : vector<512x256xf32>, vector<256x128xf32>, vector<512x128xf32> -> vector<512x128xf32>
    %swap3A = arith.constant 0 : index
    %swap3A_6 = arith.constant 0 : index
    %swap3A_7 = vector.load %arg4[%swap3A, %swap3A_6] : memref<512x128xf32, #tpu.memory_space<vmem>>, vector<512x128xf32>
    tpu.vector_store %arg4[%swap3A, %swap3A_6], %dot_general3A_5 {strides = array<i32>} : memref<512x128xf32, #tpu.memory_space<vmem>>, vector<512x128xf32>,
    %get3A_8 = arith.constant 0 : index
    %get3A_9 = arith.constant 0 : index
    %get3A_10 = vector.load %arg3[%get3A_8, %get3A_9] : memref<256x128xf32, #tpu.memory_space<vmem>>, vector<256x128xf32>
    %dot_general3A_11 = arith.constant dense<0.000000e+00> : vector<512x128xf32>
    %dot_general3A_12 = tpu.matmul %get3A_1, %get3A_10, %dot_general3A_11 {dimension_numbers = #tpu.dot_dimension_numbers<[1], [0], [0], [1], [0, 0, 1, 1], [], []>, transpose_lhs_hint = false} : vector<512x256xf32>, vector<256x128xf32>, vector<512x128xf32> -> vector<512x128xf32>
    %swap3A_13 = arith.constant 0 : index
    %swap3A_14 = arith.constant 0 : index
    %swap3A_15 = vector.load %arg5[%swap3A_13, %swap3A_14] : memref<512x128xf32, #tpu.memory_space<vmem>>, vector<512x128xf32>
    tpu.vector_store %arg5[%swap3A_13, %swap3A_14], %dot_general3A_12 {strides = array<i32>} : memref<512x128xf32, #tpu.memory_space<vmem>>, vector<512x128xf32>,
    return
  }
  func.func @transform_0(%arg0: i32) -> (i32, i32) {
    %c0_i32 = arith.constant 0 : i32
    %c0_i32_0 = arith.constant 0 : i32
    return %arg0, %c0_i32 : i32, i32
  }
  func.func @transform_1(%arg0: i32) -> (i32, i32) {
    %c0_i32 = arith.constant 0 : i32
    %c0_i32_0 = arith.constant 0 : i32
    %c0_i32_1 = arith.constant 0 : i32
    return %c0_i32, %c0_i32_0 : i32, i32
  }
  func.func @transform_2(%arg0: i32) -> (i32, i32) {
    %c0_i32 = arith.constant 0 : i32
    %c0_i32_0 = arith.constant 0 : i32
    %c0_i32_1 = arith.constant 0 : i32
    return %c0_i32, %c0_i32_0 : i32, i32
  }
  func.func @transform_3(%arg0: i32) -> (i32, i32) {
    %c0_i32 = arith.constant 0 : i32
    %c0_i32_0 = arith.constant 0 : i32
    return %arg0, %c0_i32 : i32, i32
  }
  func.func @transform_4(%arg0: i32) -> (i32, i32) {
    %c0_i32 = arith.constant 0 : i32
    %c0_i32_0 = arith.constant 0 : i32
    return %arg0, %c0_i32 : i32, i32
  }
}

module attributes {stable_mosaic.version = 14 : i64} {
  func.func @_out_body(%arg0: i32, %arg1: memref<1000x64xf32, #tpu.memory_space<vmem>>, %arg2: memref<1000x64xf32, #tpu.memory_space<vmem>>, %arg3: memref<1000x1xf32, #tpu.memory_space<vmem>>, %arg4: memref<1x128xf32, #tpu.memory_space<vmem>>, %arg5: memref<1000x128xf32, #tpu.memory_space<vmem>>) attributes {dimension_semantics = [#tpu.dimension_semantics<arbitrary>], iteration_bounds = array<i64: 10>, scalar_prefetch = 0 : i64, scratch_operands = 0 : i64, tpu.core_type = #tpu.core_type<tc>, window_params = [{transform_indices = @transform_0, window_bounds = array<i64: 1000, 64>}, {transform_indices = @transform_1, window_bounds = array<i64: 1000, 64>}, {transform_indices = @transform_2, window_bounds = array<i64: 1000, 1>}, {pipeline_mode = #tpu.pipeline_mode<synchronous>, transform_indices = @transform_3, window_bounds = array<i64: 1, 128>}, {transform_indices = @transform_4, window_bounds = array<i64: 1000, 128>}]} {
    %get3A = arith.constant 0 : index
    %get3A_0 = arith.constant 0 : index
    %get3A_1 = vector.load %arg1[%get3A, %get3A_0] : memref<1000x64xf32, #tpu.memory_space<vmem>>, vector<1000x64xf32>
    %get3A_2 = arith.constant 0 : index
    %get3A_3 = arith.constant 0 : index
    %get3A_4 = vector.load %arg2[%get3A_2, %get3A_3] : memref<1000x64xf32, #tpu.memory_space<vmem>>, vector<1000x64xf32>
    %concatenate3A = tpu.concatenate %get3A_1, %get3A_4 in 1 : vector<1000x64xf32>, vector<1000x64xf32> -> vector<1000x128xf32>
    %get3A_5 = arith.constant 0 : index
    %get3A_6 = arith.constant 0 : index
    %get3A_7 = vector.load %arg3[%get3A_5, %get3A_6] : memref<1000x1xf32, #tpu.memory_space<vmem>>, vector<1000x1xf32>
    %mul3A = vector.broadcast %get3A_7 : vector<1000x1xf32> to vector<1000x128xf32>
    %mul3A_8 = arith.mulf %concatenate3A, %mul3A : vector<1000x128xf32>
    %get3A_9 = arith.constant 0 : index
    %get3A_10 = arith.constant 0 : index
    %get3A_11 = vector.load %arg4[%get3A_9, %get3A_10] : memref<1x128xf32, #tpu.memory_space<vmem>>, vector<1x128xf32>
    %add3A = vector.broadcast %get3A_11 : vector<1x128xf32> to vector<1000x128xf32>
    %add3A_12 = arith.addf %mul3A_8, %add3A : vector<1000x128xf32>
    %reduce_max3A = arith.constant dense<0xFF800000> : vector<1000xf32>
    %reduce_max3A_13 = vector.multi_reduction <maximumf>, %add3A_12, %reduce_max3A [1] : vector<1000x128xf32> to vector<1000xf32>
    %broadcast_in_dim3A = vector.shape_cast %reduce_max3A_13 : vector<1000xf32> to vector<1000x1xf32>
    %sub3A = vector.broadcast %broadcast_in_dim3A : vector<1000x1xf32> to vector<1000x128xf32>
    %sub3A_14 = arith.subf %add3A_12, %sub3A : vector<1000x128xf32>
    %exp3A = math.exp %sub3A_14 : vector<1000x128xf32>
    %reduce_sum3A = arith.constant dense<0.000000e+00> : vector<1000xf32>
    %reduce_sum3A_15 = vector.multi_reduction <add>, %exp3A, %reduce_sum3A [1] : vector<1000x128xf32> to vector<1000xf32>
    %broadcast_in_dim3A_16 = vector.shape_cast %reduce_sum3A_15 : vector<1000xf32> to vector<1000x1xf32>
    %div3A = vector.broadcast %broadcast_in_dim3A_16 : vector<1000x1xf32> to vector<1000x128xf32>
    %div3A_17 = arith.divf %exp3A, %div3A : vector<1000x128xf32>
    %swap3A = arith.constant 0 : index
    %swap3A_18 = arith.constant 0 : index
    %swap3A_19 = vector.load %arg5[%swap3A, %swap3A_18] : memref<1000x128xf32, #tpu.memory_space<vmem>>, vector<1000x128xf32>
    tpu.vector_store %arg5[%swap3A, %swap3A_18], %div3A_17 {strides = array<i32>} : memref<1000x128xf32, #tpu.memory_space<vmem>>, vector<1000x128xf32>,
    return
  }
  func.func @transform_0(%arg0: i32) -> (i32, i32) {
    %c0_i32 = arith.constant 0 : i32
    %c0_i32_0 = arith.constant 0 : i32
    return %arg0, %c0_i32 : i32, i32
  }
  func.func @transform_1(%arg0: i32) -> (i32, i32) {
    %c0_i32 = arith.constant 0 : i32
    %c0_i32_0 = arith.constant 0 : i32
    return %arg0, %c0_i32 : i32, i32
  }
  func.func @transform_2(%arg0: i32) -> (i32, i32) {
    %c0_i32 = arith.constant 0 : i32
    %c0_i32_0 = arith.constant 0 : i32
    return %arg0, %c0_i32 : i32, i32
  }
  func.func @transform_3(%arg0: i32) -> (i32, i32) {
    %c0_i32 = arith.constant 0 : i32
    %c0_i32_0 = arith.constant 0 : i32
    %c0_i32_1 = arith.constant 0 : i32
    return %c0_i32, %c0_i32_0 : i32, i32
  }
  func.func @transform_4(%arg0: i32) -> (i32, i32) {
    %c0_i32 = arith.constant 0 : i32
    %c0_i32_0 = arith.constant 0 : i32
    return %arg0, %c0_i32 : i32, i32
  }
}

</mosaic_0001>

<sc_bundles>
// kernel: kernel.6.cloned.1.call-start
scs
__scs_entry_jumppad:
0x0: {  	(pc) =	sbr.rel $0x88, $3  }
0x1: {  	(tag) =	ssettag $0x0;
	lr =	simm.s32 $0x1  }
0x2: {  	[smem:$0x3F9D] =	sst lr;
	_ =	strace $0xD0000000  }
0x3: {  	_ = 	snop  }
0x4: {  	_ = 	snop  }
0x5: {  	_ = 	snop  }
0x6: {  	_ = 	snop  }
0x7: {  	_ = 	snop  }
__scs_overlays_trampoline_lowered:
0x8: {  	[smem:$0x3FAC] =	sst s0  }
0x9: {  	[smem:$0x3FAD] =	sst s1  }
0xa: {  	[smem:$0x3FAE] =	sst s2  }
0xb: {  	[smem:$0x3FAF] =	sst s3  }
0xc: {  	[smem:$0x3FB0] =	sst s4  }
0xd: {  	[smem:$0x3FB1] =	sst s5  }
0xe: {  	[smem:$0x3FB2] =	sst s6  }
0xf: {  	[smem:$0x3FB3] =	sst s7  }
0x10: {  	[smem:$0x3FB4] =	sst s8  }
0x11: {  	[smem:$0x3FB5] =	sst s9;
	s0 =	simm.s32 @!p0 $0x0  }
0x12: {  	s1 =	sld [smem:$0x3F9B];
	s0 =	simm.s32 @p0 $0x1  }
0x13: {  	[smem:$0x3FB6] =	sst s0;
	s0 =	simm.s32 @!p1 $0x0  }
0x14: {  	s2 =	sld [smem:$0x3F9A];
	s0 =	simm.s32 @p1 $0x1  }
0x15: {  	[smem:$0x3FB7] =	sst s0;
	s0 =	simm.s32 @!p2 $0x0  }
0x16: {  	s3 =	sld [smem:$0x3FDB];
	s0 =	simm.s32 @p2 $0x1  }
0x17: {  	s4 =	simm.s32 $0x1BF5;
	[smem:$0x3FB9] =	sst s0  }
0x18: {  	s0 =	sld [smem:$0x3F9C];
	_ =	swait.ge [sflag:s4], $0x0  }
0x19: {  	s7 =	sld [smem:$0x3F9D]  }
0x1a: {  	s8 =	sadd.s32 $0xFFFFE003, lr  }
0x1b: {  	s9 =	sadd.s32 $0xFFFFFEF7, lr;
	s5 =	simm.s32 $0xFFFFFFFF;
	p2 =	slt.u32 s8, $0xFFFFF086  }
0x1c: {  	p1 =	slt.u32 s9, $0xF7A;
	s5 =	simm.s32 @!p2 $0x0  }
0x1d: {  	s5 =	simm.s32 @p1 $0x1;
	p0 =	seq.s32 s7, s2  }
0x1e: {  	s7 =	smul.u32 @!p0 $0xF7A, s2;
	p2 =	seq.s32 @!p0 s5, $0x0  }
0x1f: {  	s9 =	smul.u32 $0xF7A, s1;
	s8 =	simm.s32 @!p0 $0x1BF5;
	p2 =	por !p2, p0  }
0x20: {  	[sflag:s8] =	ssyncset.s32 @!p0 $0xFFFFF086;
	s6 =	sadd.s32 @!p0 s3, s7;
	s7 =	simm.s32 @!p0 $0x108  }
0x21: {  	s3 =	sadd.s32 s3, s9;
	s6 =	sadd.s32 @!p0 $0x88, s6;
	s7 =	simm.s32 @p2 $0x1082  }
0x22: {  	[simem:s7], [sflag:s8] =	dma.local @!p0 [hbm:s6], $0xF7A  }
0x23: {  	s9 =	sor.u32 $0xD0000000, s2;
	s6 =	simm.s32 $0x108;
	_ =	swait.ge @!p0 [sflag:s8], $0x0  }
0x24: {  	s3 =	sadd.s32 $0x88, s3;
	s6 =	simm.s32 @!p1 $0x1082;
	[sflag:s4] =	ssyncset.s32 $0xFFFFF086  }
0x25: {  	[simem:s6], [sflag:s4] =	dma.local [hbm:s3], $0xF7A  }
0x26: {  	[smem:$0x3F9D] =	sst s1;
	(tag) =	ssettag s2;
	_ =	strace s9  }
0x27: {  	s1 =	sld [smem:$0x3FAD]  }
0x28: {  	s2 =	sld [smem:$0x3FAE]  }
0x29: {  	s4 =	sld [smem:$0x3FB0]  }
0x2a: {  	p0 =	seq.s32 s5, $0x0;
	s5 =	sld [smem:$0x3FB1]  }
0x2b: {  	s6 =	sld [smem:$0x3FB2]  }
0x2c: {  	s7 =	sld [smem:$0x3FB3]  }
0x2d: {  	s3 =	simm.s32 $0x108;
	s8 =	sld [smem:$0x3FB4]  }
0x2e: {  	s3 =	simm.s32 @!p0 $0x1082;
	s9 =	sld [smem:$0x3FB5]  }
0x2f: {  	lr =	sadd.s32 s0, s3;
	s0 =	sld [smem:$0x3FAC]  }
0x30: {  	s3 =	sld [smem:$0x3FAF]  }
0x31: {  	[smem:$0x3FB8] =	sst s10  }
0x32: {  	s10 =	sld [smem:$0x3FB6];
	_ =	sdelay $0x3  }
0x33: {  	p0 =	seq.s32 s10, $0x1;
	s10 =	sld [smem:$0x3FB8];
	_ =	sdelay $0x3  }
0x34: {  	[smem:$0x3FB8] =	sst s10  }
0x35: {  	s10 =	sld [smem:$0x3FB7];
	_ =	sdelay $0x3  }
0x36: {  	p1 =	seq.s32 s10, $0x1;
	s10 =	sld [smem:$0x3FB8];
	_ =	sdelay $0x3  }
0x37: {  	[smem:$0x3FB8] =	sst s10  }
0x38: {  	s10 =	sld [smem:$0x3FB9]  }
0x39: {  	_ = 	snop;
	(pc) =	sbr.ind lr, $3  }
0x3a: {  	_ = 	snop  }
0x3b: {  	_ = 	snop  }
0x3c: {  	p2 =	seq.s32 s10, $0x1;
	s10 =	sld [smem:$0x3FB8]  }
0x3d: {  	_ =	shalt  }
0x3e: {  	_ =	shalt  }
0x3f: {  	_ =	shalt  }
0x40: {  	_ =	shalt  }
0x41: {  	_ =	shalt  }
0x42: {  	_ =	shalt  }
0x43: {  	_ =	shalt  }
0x44: {  	_ =	shalt  }
0x45: {  	_ =	shalt  }
0x46: {  	_ =	shalt  }
0x47: {  	_ =	shalt  }
0x48: {  	_ =	shalt  }
0x49: {  	_ =	shalt  }
0x4a: {  	_ =	shalt  }
0x4b: {  	_ =	shalt  }
0x4c: {  	_ =	shalt  }
0x4d: {  	_ =	shalt  }
0x4e: {  	_ =	shalt  }
0x4f: {  	_ =	shalt  }
0x50: {  	_ =	shalt  }
0x51: {  	_ =	shalt  }
0x52: {  	_ =	shalt  }
0x53: {  	_ =	shalt  }
0x54: {  	_ =	shalt  }
0x55: {  	_ =	shalt  }
0x56: {  	_ =	shalt  }
0x57: {  	_ =	shalt  }
0x58: {  	_ =	shalt  }
0x59: {  	_ =	shalt  }
0x5a: {  	_ =	shalt  }
0x5b: {  	_ =	shalt  }
0x5c: {  	_ =	shalt  }
0x5d: {  	_ =	shalt  }
0x5e: {  	_ =	shalt  }
0x5f: {  	_ =	shalt  }
0x60: {  	_ =	shalt  }
0x61: {  	_ =	shalt  }
0x62: {  	_ =	shalt  }
0x63: {  	_ =	shalt  }
0x64: {  	_ =	shalt  }
0x65: {  	_ =	shalt  }
0x66: {  	_ =	shalt  }
0x67: {  	_ =	shalt  }
0x68: {  	_ =	shalt  }
0x69: {  	_ =	shalt  }
0x6a: {  	_ =	shalt  }
0x6b: {  	_ =	shalt  }
0x6c: {  	_ =	shalt  }
0x6d: {  	_ =	shalt  }
0x6e: {  	_ =	shalt  }
0x6f: {  	_ =	shalt  }
0x70: {  	_ =	shalt  }
0x71: {  	_ =	shalt  }
0x72: {  	_ =	shalt  }
0x73: {  	_ =	shalt  }
0x74: {  	_ =	shalt  }
0x75: {  	_ =	shalt  }
0x76: {  	_ =	shalt  }
0x77: {  	_ =	shalt  }
0x78: {  	_ =	shalt  }
0x79: {  	_ =	shalt  }
0x7a: {  	_ =	shalt  }
0x7b: {  	_ =	shalt  }
0x7c: {  	_ =	shalt  }
0x7d: {  	_ =	shalt  }
0x7e: {  	_ =	shalt  }
0x7f: {  	_ =	shalt  }
0x80: {  	_ =	shalt  }
0x81: {  	_ =	shalt  }
0x82: {  	_ =	shalt  }
0x83: {  	_ =	shalt  }
0x84: {  	_ =	shalt  }
0x85: {  	_ =	shalt  }
0x86: {  	_ =	shalt  }
0x87: {  	_ =	shalt  }
.Lfunc_end0:
.L_simem_size_0:
called_computation_lowered:
.L_overlay_start_0:
0x88: {  	s2 =	sld [smem:$0x3FD9]  }
0x89: {  	s3 =	sld [smem:$0x3FFE];
	_ =	sdelay $0x1  }
0x8a: {  	s1 =	srdreg.scid  }
0x8b: {  	s0 =	sand.u32 $0x1, s1  }
0x8c: {  	s17 =	sshll.u32 s0, $0xA;
	s2 =	sadd.s32 s3, s2  }
0x8d: {  	s2 =	sadd.s32 s2, s17  }
0x8e: {  	[smem:$0x3FC4] =	sst s2  }
0x8f: {  	_ = 	snop  }
0x90: {  	s2 =	sld [smem:$0x3FD0];
	(tm) =	ssettm $0x1  }
0x91: {  	s18 =	sld [smem:$0x3FFB];
	_ =	sdelay $0x3  }
0x92: {  	_ =	strace s18  }
0x93: {  	s3 =	sld [smem:$0x3FFC];
	_ =	sdelay $0x3  }
0x94: {  	_ =	strace s3  }
0x95: {  	s3 =	sld [smem:$0x3FFD];
	_ =	sdelay $0x3  }
0x96: {  	_ =	strace s3  }
0x97: {  	_ =	strace $0x8FFFFFFF  }
0x98: {  	s19 =	sld [smem:$0x3FDB];
	_ =	sdelay $0x1  }
0x99: {  	s4 =	simm.s32 $_scs_section_size  }
0x9a: {  	s5 =	simm.s32 $_size__tile_overlayer_lowered;
	s6 =	simm.s32 $_tile_overlayer_lowered  }
0x9b: {  	s22 =	simm.s32 $0x1BFF;
	s21 =	sshll.u32 s6, $0x1;
	s3 =	sadd.s32 s4, s19  }
0x9c: {  	s7 =	simm.s32 $0x0;
	s20 =	sshll.u32 s5, $0x1;
	s5 =	sadd.s32 s21, s3  }
0x9d: {  	[timem:s7], [sflag:s22] =	dma.local [hbm:s5], s20  }
0x9e: {  	_ =	swait.ge [sflag:s22], s20  }
0x9f: {  	s4 =	ssub.s32 $0x0, s20;
	[sflag:s22] =	ssyncset.done $0x0  }
0xa0: {  	[sflag:s22] =	ssyncadd.s32 s4;
	_ =	sdelay $0x1  }
0xa1: {  	s23 =	simm.s32 $0x1B8B  }
0xa2: {  	_ =	swait.ge [sflag:s23], $0x1  }
0xa3: {  	[sflag:s23] =	ssyncset.done $0x0  }
0xa4: {  	s25 =	simm.s32 $0x1B8E;
	s24 =	sld [smem:$0x3FFE];
	[sflag:s23] =	ssyncadd.s32 $0xFFFFFFFF  }
0xa5: {  	s26 =	simm.s32 $execute0_lowered;
	[smem:$0x3FD2] =	sst s25  }
0xa6: {  	s5 =	sshll.u32 s26, $0x1;
	_ =	strace $0x80000046;
	[dreg:$0x1] =	wrdreg $0xFFFFFFFF  }
0xa7: {  	s28 =	simm.s32 $_size_execute0_lowered;
	s3 =	sadd.s32 s3, s5;
	[dreg:$0x0] =	wrdreg $0x0  }
0xa8: {  	s5 =	sshll.u32 s28, $0x1;
	[dreg:$0x2] =	wrdreg s3  }
0xa9: {  	[dreg:$0x3] =	wrdreg s5  }
0xaa: {  	[dreg:$0x4] =	wrdreg $0xC0  }
0xab: {  	_ =	task [dreg:s7], $0x5FFFF  }
0xac: {  	[dreg:$0x1] =	wrdreg $0xFFFFFFFF  }
0xad: {  	[dreg:$0x0] =	wrdreg $0x60  }
0xae: {  	[dreg:$0x2] =	wrdreg s2  }
0xaf: {  	[dreg:$0x3] =	wrdreg s24  }
0xb0: {  	[dreg:$0x4] =	wrdreg $0x0  }
0xb1: {  	[dreg:$0x5] =	wrdreg $0x1C4000  }
0xb2: {  	[dreg:$0x6] =	wrdreg $0x1C6800  }
0xb3: {  	[dreg:$0x7] =	wrdreg $0xA0000  }
0xb4: {  	[dreg:$0x8] =	wrdreg $0x9  }
0xb5: {  	_ =	task.clear_ibuf [dreg:s7], $0x9FFFF;
	_ =	strace $0x90000046  }
0xb6: {  	s29 =	simm.s32 $0x9;
	_ =	strace $0x80000048  }
0xb7: {  	_ =	swait.ge [sflag:s29], $0x1  }
0xb8: {  	[sflag:s29] =	ssyncadd.s32 $0xFFFFFFFF  }
0xb9: {  	_ =	strace $0x90000048  }
0xba: {  	_ =	sfence  }
0xbb: {  	s30 =	sld [smem:$0x0];
	_ =	sdelay $0x2  }
0xbc: {  	s31 =	sshll.u32 s1, $0xD;
	s1 =	sshrl.u32 s1, $0x2  }
0xbd: {  	s3 =	sand.u32 $0x4000, s31;
	s1 =	sadd.s32 s1, s30  }
0xbe: {  	s0 =	sor.u32 s3, s0;
	s1 =	sshll.u32 s1, $0x11  }
0xbf: {  	s0 =	sor.u32 s1, s0  }
0xc0: {  	s0 =	sadd.s32 $0x8F2B, s0  }
0xc1: {  	[sflag:s0] =	ssyncadd.remote.s32 $0x1  }
0xc2: {  	_ =	sfence.sel $0xFFFF  }
0xc3: {  	[dreg:$0x0] =	wrdreg $0xFFFFFFFF;
	(pc) =	sbr.abs _section_cstart, $3  }
0xc4: {  	[dreg:$0x1] =	wrdreg $0xFFFFFFFF  }
0xc5: {  	_ =	task.clear_ibuf [dreg:s7], $0x2FFFF;
	_ =	strace $0x9FFFFFFF  }
0xc6: {  	(tm) =	ssettm $0x7FFFFFFF  }
0xc7: {  	_ =	shalt  }
tec
execute0_lowered:
.L_overlay_start_1:
0x0: {  	(tag) =	ssettag $0x1  }
0x1: {  	s0 =	rddreg [dreg:$0x0]  }
0x2: {  	s4 =	rddreg [dreg:$0x1]  }
0x3: {  	s1 =	rddreg [dreg:$0x2]  }
0x4: {  	s2 =	rddreg [dreg:$0x3]  }
0x5: {  	s3 =	rddreg [dreg:$0x4]  }
0x6: {  	s15 =	rddreg [dreg:$0x5]  }
0x7: {  	s16 =	simm.s32 $0x0;
	s13 =	stileid.u32;
	s5 =	srdreg.scid  }
0x8: {  	[smem:$0x7FF] =	sst s16;
	s7 =	sadd.s32 $0x15C00, s4;
	s14 =	smul.u32 $0x280, s13  }
0x9: {  	s6 =	sadd.s32 $0x2200, s4;
	s5 =	sand.u32 $0x1, s5;
	s10 =	smul.u32 $0x28000, s13  }
0xa: {  	s8 =	sadd.s32 $0x2A200, s4;
	s17 =	sadd.s32 $0x3E200, s4;
	s23 =	smul.u32 $0xA000, s13  }
0xb: {  	s25 =	sshll.u32 s13, $0x4;
	_ =	strace $0x80000047;
	s9 =	ssub.s32 $0x2, s5  }
0xc: {  	p2 =	seq.s32 s5, $0x0;
	s11 =	sshrl.u32 s14, $0x3;
	s12 =	sshrl.u32 s9, $0x1  }
0xd: {  	s10 =	sshrl.u32 s10, $0x2;
	s22 =	sadd.s32 s14, s2;
	[dreg:$0x8] =	wrdreg s14  }
0xe: {  	s24 =	sadd.s32 s14, s3;
	s7 =	smov.u32 @p2 s0;
	[dreg:$0xb] =	wrdreg s22  }
0xf: {  	s17 =	smov.u32 @p2 s8;
	s4 =	sadd.s32 s11, s4;
	[dreg:$0xc] =	wrdreg s24  }
0x10: {  	s9 =	ssub.s32 s9, s12;
	s18 =	sadd.s32 s10, s1;
	[dreg:$0x9] =	wrdreg s17  }
0x11: {  	s12 =	sadd.s32 s23, s15;
	s10 =	sshrl.u32 s23, $0x3;
	[dreg:$0x19] =	wrdreg s7  }
0x12: {  	s11 =	sadd.s32 s25, s6;
	s23 =	sshll.u32 s13, $0x6;
	[dreg:$0xa] =	wrdreg s18  }
0x13: {  	s26 =	sadd.s32 $0x9C00, s11;
	[dreg:$0x14] =	wrdreg s23  }
0x14: {  	s28 =	simm.s32 $0x1C980;
	s11 =	sadd.s32 $0x13840, s11;
	[dreg:$0xd] =	wrdreg s26  }
0x15: {  	s30 =	simm.s32 $0x14000;
	s4 =	sadd.s32 $0x29C00, s4;
	[dreg:$0xe] =	wrdreg s11  }
0x16: {  	s29 =	simm.s32 $0x16400;
	s19 =	smax.u32 s9, $0x1;
	[dreg:$0xf] =	wrdreg s4  }
0x17: {  	s31 =	simm.s32 $0x14280;
	s20 =	sadd.s32 $0x2000, s18;
	[dreg:$0x10] =	wrdreg s19  }
0x18: {  	p1 =	sgt.u32 s13, $0x3;
	s21 =	sadd.s32 $0x4000, s18;
	[dreg:$0x11] =	wrdreg s20  }
0x19: {  	p0 =	sne.s32 s5, $0x0;
	s22 =	sadd.s32 $0x6000, s18;
	[dreg:$0x12] =	wrdreg s21  }
0x1a: {  	s17 =	simm.s32 $0x14400;
	s24 =	sadd.s32 $0x8000, s18;
	[dreg:$0x13] =	wrdreg s22  }
0x1b: {  	s0 =	sadd.s32 s23, s6;
	s25 =	sadd.s32 s7, s10;
	[dreg:$0x15] =	wrdreg s24  }
0x1c: {  	s18 =	simm.s32 $0x1C900;
	s6 =	simm.s32 $0x0;
	[dreg:$0x16] =	wrdreg s25  }
0x1d: {  	s23 =	simm.s32 $0x6;
	[dreg:$0x7] =	wrdreg s0;
	s26 =	sshrl.u32 s12, $0x3  }
0x1e: {  	s0 =	simm.s32 $0xD;
	s19 =	simm.s32 $0x14000;
	s21 =	simm.s32 $0x14200  }
0x1f: {  	s20 =	simm.s32 $0x1;
	s25 =	simm.s32 $0xA;
	s4 =	simm.s32 $0xB  }
0x20: {  	s24 =	simm.s32 $0x14200;
	[dreg:$0x17] =	wrdreg s26;
	s0 =	simm.s32 @!p2 $0xC  }
0x21: {  	v0 =	vimm.f32 $0.0e+00;
	v1 =	vimm.f32 $1.000000000e+00;
	s26 =	simm.s32 $0x3;
	[dreg:$0x18] =	wrdreg s0;
	s0 =	simm.s32 $0x80  }
.LBB2_1:
0x22: {  	s5 =	sand.u32 $0x7F00, s16  }
0x23: {  	[dreg:$0x1a] =	wrdreg s6;
	s22 =	sand.u32 $0x30, s16;
	s13 =	sshrl.u32 s5, $0x2  }
0x24: {  	s6 =	simm.s32 $0x0;
	s5 =	simm.s32 $0x40;
	s13 =	sor.u32 s22, s13  }
.LBB2_2:
0x25: {  	p2 =	sne.s32 s5, $0x7FC0  }
0x26: {  	[tilespmem:s13+$0x14400] =	vst v0;
	s6 =	sadd.s32 $0x10, s6;
	s13 =	smov.u32 s5;
	s5 =	sadd.s32 $0x40, s5  }
.Ltmp0:
0x27: {  	(pc) =	sbr.rel @p2 .LBB2_2-.Ltmp0, $4  }
0x28: {  	_ = 	snop  }
0x29: {  	s13 =	sand.u32 $0x7F00, s13  }
0x2a: {  	s14 =	sand.u32 $0x30, s6;
	s13 =	sshrl.u32 s13, $0x2  }
0x2b: {  	s13 =	sor.u32 s14, s13  }
0x2c: {  	[tilespmem:s13+$0x14400] =	vst v0;
	s5 =	rddreg [dreg:$0xa];
	s14 =	simm.s32 $0xC  }
0x2d: {  	[spmem:s5] =	stream.linear.scatter [tilespmem:s17], [sflag:$0xC], $0x2000, $0x38;
	[tilespmem:$0x1CC00] =	vst v63  }
0x2e: {  	_ =	swait.ge [sflag:s14], $0x2000  }
0x2f: {  	[sflag:s14] =	ssyncset.done $0x0  }
0x30: {  	s13 =	rddreg [dreg:$0x11];
	[sflag:s14] =	ssyncadd.s32 $0xFFFFE000  }
0x31: {  	[spmem:s13] =	stream.linear.scatter [tilespmem:s17], [sflag:$0xC], $0x2000, $0x38;
	[tilespmem:$0x1CC00] =	vst v63  }
0x32: {  	_ =	swait.ge [sflag:s14], $0x2000  }
0x33: {  	[sflag:s14] =	ssyncset.done $0x0  }
0x34: {  	s22 =	rddreg [dreg:$0x12];
	[sflag:s14] =	ssyncadd.s32 $0xFFFFE000  }
0x35: {  	[spmem:s22] =	stream.linear.scatter [tilespmem:s17], [sflag:$0xC], $0x2000, $0x38;
	[tilespmem:$0x1CC00] =	vst v63  }
0x36: {  	_ =	swait.ge [sflag:s14], $0x2000  }
0x37: {  	[sflag:s14] =	ssyncset.done $0x0  }
0x38: {  	s6 =	rddreg [dreg:$0x13];
	[sflag:s14] =	ssyncadd.s32 $0xFFFFE000  }
0x39: {  	[spmem:s6] =	stream.linear.scatter [tilespmem:s17], [sflag:$0xC], $0x2000, $0x38;
	[tilespmem:$0x1CC00] =	vst v63  }
0x3a: {  	_ =	swait.ge [sflag:s14], $0x2000  }
0x3b: {  	[sflag:s14] =	ssyncset.done $0x0  }
0x3c: {  	s8 =	rddreg [dreg:$0x15];
	[sflag:s14] =	ssyncadd.s32 $0xFFFFE000  }
0x3d: {  	[spmem:s8] =	stream.linear.scatter [tilespmem:s17], [sflag:$0xC], $0x2000, $0x38;
	[tilespmem:$0x1CC00] =	vst v63  }
0x3e: {  	_ =	swait.ge [sflag:s14], $0x2000  }
0x3f: {  	[sflag:s14] =	ssyncset.done $0x0  }
0x40: {  	[sflag:s14] =	ssyncadd.s32 $0xFFFFE000  }
0x41: {  	[tilespmem:$0x1C900] =	vst v1  }
0x42: {  	[tilespmem:$0x1C910] =	vst v1  }
0x43: {  	[tilespmem:$0x1C920] =	vst v1  }
0x44: {  	[tilespmem:$0x1C930] =	vst v1  }
0x45: {  	[tilespmem:$0x1C940] =	vst v1  }
0x46: {  	[tilespmem:$0x1C950] =	vst v1  }
0x47: {  	[tilespmem:$0x1C960] =	vst v1  }
0x48: {  	[tilespmem:$0x1C970] =	vst v1  }
0x49: {  	[tilespmem:$0x1C980] =	vst v0  }
0x4a: {  	[tilespmem:$0x1C990] =	vst v0  }
0x4b: {  	[tilespmem:$0x1C9A0] =	vst v0  }
0x4c: {  	[tilespmem:$0x1C9B0] =	vst v0  }
0x4d: {  	[tilespmem:$0x1C9C0] =	vst v0  }
0x4e: {  	[tilespmem:$0x1C9D0] =	vst v0  }
0x4f: {  	[tilespmem:$0x1C9E0] =	vst v0  }
0x50: {  	[tilespmem:$0x1C9F0] =	vst v0  }
0x51: {  	[tilespmem:$0x1CA00] =	vst v0  }
0x52: {  	[tilespmem:$0x1CA10] =	vst v0  }
0x53: {  	[tilespmem:$0x1CA20] =	vst v0  }
0x54: {  	[tilespmem:$0x1CA30] =	vst v0  }
0x55: {  	[tilespmem:$0x1CA40] =	vst v0  }
0x56: {  	[tilespmem:$0x1CA50] =	vst v0  }
0x57: {  	[tilespmem:$0x1CA60] =	vst v0  }
0x58: {  	[tilespmem:$0x1CA70] =	vst v0  }
0x59: {  	[tilespmem:$0x1CA80] =	vst v0  }
0x5a: {  	[tilespmem:$0x1CA90] =	vst v0  }
0x5b: {  	[tilespmem:$0x1CAA0] =	vst v0  }
0x5c: {  	[tilespmem:$0x1CAB0] =	vst v0  }
0x5d: {  	[tilespmem:$0x1CAC0] =	vst v0  }
0x5e: {  	[tilespmem:$0x1CAD0] =	vst v0  }
0x5f: {  	[tilespmem:$0x1CAE0] =	vst v0  }
0x60: {  	[tilespmem:$0x1CAF0] =	vst v0  }
0x61: {  	[tilespmem:$0x1CB00] =	vst v0  }
0x62: {  	[tilespmem:$0x1CB10] =	vst v0  }
0x63: {  	[tilespmem:$0x1CB20] =	vst v0  }
0x64: {  	[tilespmem:$0x1CB30] =	vst v0  }
0x65: {  	[tilespmem:$0x1CB40] =	vst v0  }
0x66: {  	[tilespmem:$0x1CB50] =	vst v0  }
0x67: {  	[tilespmem:$0x1CB60] =	vst v0  }
0x68: {  	[tilespmem:$0x1CB70] =	vst v0  }
0x69: {  	[tilespmem:$0x1CB80] =	vst v0  }
0x6a: {  	[tilespmem:$0x1CB90] =	vst v0  }
0x6b: {  	[tilespmem:$0x1CBA0] =	vst v0  }
0x6c: {  	[tilespmem:$0x1CBB0] =	vst v0  }
0x6d: {  	[tilespmem:$0x1CBC0] =	vst v0  }
0x6e: {  	[tilespmem:$0x1CBD0] =	vst v0  }
0x6f: {  	[tilespmem:$0x1CBE0] =	vst v0  }
0x70: {  	s9 =	rddreg [dreg:$0xb];
	[tilespmem:$0x1CBF0] =	vst v0  }
0x71: {  	[spmem:s9] =	stream.linear.scatter [tilespmem:s28], [sflag:$0xC], $0x280, $0x38;
	[tilespmem:$0x1CC00] =	vst v63  }
0x72: {  	_ =	swait.ge [sflag:s14], $0x280  }
0x73: {  	[sflag:s14] =	ssyncset.done $0x0  }
0x74: {  	s10 =	rddreg [dreg:$0xc];
	[sflag:s14] =	ssyncadd.s32 $0xFFFFFD80  }
0x75: {  	[spmem:s10] =	stream.linear.scatter [tilespmem:s28], [sflag:$0xC], $0x280, $0x38;
	[tilespmem:$0x1CC00] =	vst v63  }
0x76: {  	_ =	swait.ge [sflag:s14], $0x280  }
0x77: {  	s11 =	rddreg [dreg:$0x14]  }
0x78: {  	[sflag:s14] =	ssyncset.done $0x0;
	s6 =	rddreg [dreg:$0x16]  }
0x79: {  	s12 =	rddreg [dreg:$0x17];
	[sflag:s14] =	ssyncadd.s32 $0xFFFFFD80;
	s5 =	sor.u32 $0x1C0C, s11  }
0x7a: {  	[spmem:s12], [sflag:s5] =	dma.local [hbm:s6], $0x1400  }
0x7b: {  	_ =	swait.ge [sflag:s14], $0x1400  }
0x7c: {  	[sflag:s14] =	ssyncset.done $0x0  }
0x7d: {  	[sflag:s14] =	ssyncadd.s32 $0xFFFFEC00  }
0x7e: {  	[bflag:$0x0] =	sbarrier.arrive $0xFFFF  }
0x7f: {  	s14 =	rddreg [dreg:$0x7]  }
0x80: {  	s5 =	sadd.s32 $0x0, s14  }
0x81: {  	[tilespmem:s19], [sflag:$0x1] =	stream.linear.gather [hbm4b:s5+s16], $0x200, $0x38;
	[tilespmem:$0x1CC00] =	vst v63  }
0x82: {  	s5 =	sadd.s32 $0x9C40, s5  }
0x83: {  	[tilespmem:s21], [sflag:$0x1] =	stream.linear.gather [hbm4b:s5+s16], $0x200, $0x38;
	[tilespmem:$0x1CC00] =	vst v63  }
0x84: {  	_ =	swait.ge [sflag:s20], $0x200  }
0x85: {  	[sflag:s20] =	ssyncset.done $0x0  }
0x86: {  	[sflag:s20] =	ssyncadd.s32 $0xFFFFFE00  }
0x87: {  	_ =	swait.ge [sflag:s20], $0x200  }
0x88: {  	[sflag:s20] =	ssyncset.done $0x0  }
0x89: {  	[sflag:s20] =	ssyncadd.s32 $0xFFFFFE00  }
0x8a: {  	[tilespmem:s17], [sflag:$0x2] =	stream.indirect.gather [spmem:s15], $0x40, s19, s0, $0xb8;
	[tilespmem:$0x1CC00] =	vst v63  }
0x8b: {  	s8 =	simm.s32 $0x16400;
	s16 =	simm.s32 $0x14080  }
0x8c: {  	[tilespmem:s8], [sflag:$0x3] =	stream.indirect.gather [hbm4b:s7+s0], $0x40, s16, s0, $0xb8;
	[tilespmem:$0x1CC00] =	vst v63  }
0x8d: {  	s9 =	simm.s32 $0x18400;
	s10 =	simm.s32 $0x14100  }
0x8e: {  	[tilespmem:s9], [sflag:$0x4] =	stream.indirect.gather [spmem:s15], $0x40, s10, s0, $0xb8;
	[tilespmem:$0x1CC00] =	vst v63  }
0x8f: {  	s12 =	simm.s32 $0x14180;
	s17 =	simm.s32 $0x1A400  }
0x90: {  	[tilespmem:s17], [sflag:$0x5] =	stream.indirect.gather [hbm4b:s7+s0], $0x40, s12, s0, $0xb8;
	[tilespmem:$0x1CC00] =	vst v63  }
0x91: {  	_ = 	snop  }
0x92: {  	[spmem:s2] =	stream.indirect.scatter.add.f32 [tilespmem:s18], [sflag:$0xA], $0x1, s30, s0, $0xb8;
	[tilespmem:$0x1CC00] =	vst v63  }
0x93: {  	_ = 	snop  }
0x94: {  	[spmem:s3] =	stream.indirect.scatter.add.f32 [tilespmem:s18], [sflag:$0xB], $0x1, s24, s0, $0xb8;
	[tilespmem:$0x1CC00] =	vst v63  }
0x95: {  	_ = 	snop  }
0x96: {  	[spmem:s2] =	stream.indirect.scatter.add.f32 [tilespmem:s18], [sflag:$0xA], $0x1, s16, s0, $0xb8;
	[tilespmem:$0x1CC00] =	vst v63  }
0x97: {  	s19 =	simm.s32 $0x14280  }
0x98: {  	[spmem:s3] =	stream.indirect.scatter.add.f32 [tilespmem:s18], [sflag:$0xB], $0x1, s19, s0, $0xb8;
	[tilespmem:$0x1CC00] =	vst v63  }
0x99: {  	_ = 	snop  }
0x9a: {  	[spmem:s2] =	stream.indirect.scatter.add.f32 [tilespmem:s18], [sflag:$0xA], $0x1, s10, s0, $0xb8;
	[tilespmem:$0x1CC00] =	vst v63  }
0x9b: {  	s21 =	simm.s32 $0x14300  }
0x9c: {  	[spmem:s3] =	stream.indirect.scatter.add.f32 [tilespmem:s18], [sflag:$0xB], $0x1, s21, s0, $0xb8;
	[tilespmem:$0x1CC00] =	vst v63  }
0x9d: {  	_ = 	snop  }
0x9e: {  	[spmem:s2] =	stream.indirect.scatter.add.f32 [tilespmem:s18], [sflag:$0xA], $0x1, s12, s0, $0xb8;
	[tilespmem:$0x1CC00] =	vst v63  }
0x9f: {  	s22 =	simm.s32 $0x14380;
	s12 =	simm.s32 $0x2  }
0xa0: {  	[spmem:s3] =	stream.indirect.scatter.add.f32 [tilespmem:s18], [sflag:$0xB], $0x1, s22, s0, $0xb8;
	[tilespmem:$0x1CC00] =	vst v63  }
0xa1: {  	_ =	swait.ge [sflag:s12], $0x2000  }
0xa2: {  	[sflag:s12] =	ssyncset.done $0x0  }
0xa3: {  	s11 =	simm.s32 $0x14400;
	[sflag:s12] =	ssyncadd.s32 $0xFFFFE000  }
0xa4: {  	[spmem:s1] =	stream.indirect.scatter.add.f32 [tilespmem:s11], [sflag:$0x6], $0x40, s24, s0, $0xb8;
	[tilespmem:$0x1CC00] =	vst v63  }
0xa5: {  	_ =	swait.ge [sflag:s26], $0x2000  }
0xa6: {  	[sflag:s26] =	ssyncset.done $0x0  }
0xa7: {  	[sflag:s26] =	ssyncadd.s32 $0xFFFFE000  }
0xa8: {  	[spmem:s1] =	stream.indirect.scatter.add.f32 [tilespmem:s8], [sflag:$0x7], $0x40, s19, s0, $0xb8;
	[tilespmem:$0x1CC00] =	vst v63  }
0xa9: {  	s8 =	simm.s32 $0x4  }
0xaa: {  	_ =	swait.ge [sflag:s8], $0x2000  }
0xab: {  	[sflag:s8] =	ssyncset.done $0x0  }
0xac: {  	[sflag:s8] =	ssyncadd.s32 $0xFFFFE000  }
0xad: {  	[spmem:s1] =	stream.indirect.scatter.add.f32 [tilespmem:s9], [sflag:$0x8], $0x40, s21, s0, $0xb8;
	[tilespmem:$0x1CC00] =	vst v63  }
0xae: {  	s9 =	simm.s32 $0x5  }
0xaf: {  	_ =	swait.ge [sflag:s9], $0x2000  }
0xb0: {  	[sflag:s9] =	ssyncset.done $0x0  }
0xb1: {  	[sflag:s9] =	ssyncadd.s32 $0xFFFFE000  }
0xb2: {  	[spmem:s1] =	stream.indirect.scatter.add.f32 [tilespmem:s17], [sflag:$0x9], $0x40, s22, s0, $0xb8;
	[tilespmem:$0x1CC00] =	vst v63  }
0xb3: {  	_ =	swait.ge [sflag:s23], $0x2000  }
0xb4: {  	[sflag:s23] =	ssyncset.done $0x0  }
0xb5: {  	s16 =	simm.s32 $0x7;
	[sflag:s23] =	ssyncadd.s32 $0xFFFFE000  }
0xb6: {  	_ =	swait.ge [sflag:s16], $0x2000  }
0xb7: {  	[sflag:s16] =	ssyncset.done $0x0  }
0xb8: {  	s21 =	simm.s32 $0x8;
	[sflag:s16] =	ssyncadd.s32 $0xFFFFE000  }
0xb9: {  	_ =	swait.ge [sflag:s21], $0x2000  }
0xba: {  	[sflag:s21] =	ssyncset.done $0x0  }
0xbb: {  	s17 =	simm.s32 $0x9;
	[sflag:s21] =	ssyncadd.s32 $0xFFFFE000  }
0xbc: {  	_ =	swait.ge [sflag:s17], $0x2000  }
0xbd: {  	[sflag:s17] =	ssyncset.done $0x0  }
0xbe: {  	[sflag:s17] =	ssyncadd.s32 $0xFFFFE000  }
0xbf: {  	_ =	swait.ge [sflag:s25], $0x80  }
0xc0: {  	[sflag:s25] =	ssyncset.done $0x0  }
0xc1: {  	[sflag:s25] =	ssyncadd.s32 $0xFFFFFF80  }
0xc2: {  	_ =	swait.ge [sflag:s4], $0x80  }
0xc3: {  	[sflag:s4] =	ssyncset.done $0x0  }
0xc4: {  	[sflag:s4] =	ssyncadd.s32 $0xFFFFFF80  }
0xc5: {  	_ =	swait.ge [sflag:s25], $0x80  }
0xc6: {  	[sflag:s25] =	ssyncset.done $0x0  }
0xc7: {  	[sflag:s25] =	ssyncadd.s32 $0xFFFFFF80  }
0xc8: {  	_ =	swait.ge [sflag:s4], $0x80  }
0xc9: {  	[sflag:s4] =	ssyncset.done $0x0  }
0xca: {  	[sflag:s4] =	ssyncadd.s32 $0xFFFFFF80  }
0xcb: {  	_ =	swait.ge [sflag:s25], $0x80  }
0xcc: {  	[sflag:s25] =	ssyncset.done $0x0  }
0xcd: {  	[sflag:s25] =	ssyncadd.s32 $0xFFFFFF80  }
0xce: {  	_ =	swait.ge [sflag:s4], $0x80  }
0xcf: {  	[sflag:s4] =	ssyncset.done $0x0  }
0xd0: {  	[sflag:s4] =	ssyncadd.s32 $0xFFFFFF80  }
0xd1: {  	_ =	swait.ge [sflag:s25], $0x80  }
0xd2: {  	[sflag:s25] =	ssyncset.done $0x0  }
0xd3: {  	[sflag:s25] =	ssyncadd.s32 $0xFFFFFF80  }
0xd4: {  	s6 =	simm.s32 $0x400;
	s5 =	simm.s32 $0x800;
	_ =	swait.ge [sflag:s4], $0x80  }
0xd5: {  	s11 =	simm.s32 $0x0;
	s13 =	rddreg [dreg:$0x7];
	[sflag:s4] =	ssyncset.done $0x0  }
.LBB2_4:
0xd6: {  	[sflag:s4] =	ssyncadd.s32 $0xFFFFFF80;
	s13 =	sadd.s32 s6, s13  }
0xd7: {  	[tilespmem:s30], [sflag:$0x1] =	stream.linear.gather [hbm4b:s13+s11], $0x200, $0x38;
	[tilespmem:$0x1CC00] =	vst v63  }
0xd8: {  	s13 =	sadd.s32 $0x9C40, s13  }
0xd9: {  	[tilespmem:s24], [sflag:$0x1] =	stream.linear.gather [hbm4b:s13+s11], $0x200, $0x38;
	[tilespmem:$0x1CC00] =	vst v63  }
0xda: {  	_ =	swait.ge [sflag:s20], $0x200  }
0xdb: {  	[sflag:s20] =	ssyncset.done $0x0  }
0xdc: {  	[sflag:s20] =	ssyncadd.s32 $0xFFFFFE00  }
0xdd: {  	_ =	swait.ge [sflag:s20], $0x200  }
0xde: {  	[sflag:s20] =	ssyncset.done $0x0  }
0xdf: {  	s14 =	smov.u32 s5;
	s19 =	simm.s32 $0x14400;
	[sflag:s20] =	ssyncadd.s32 $0xFFFFFE00  }
0xe0: {  	[tilespmem:s19], [sflag:$0x2] =	stream.indirect.gather [spmem:s15], $0x40, s30, s0, $0xb8;
	[tilespmem:$0x1CC00] =	vst v63  }
0xe1: {  	s6 =	smov.u32 s14;
	s14 =	simm.s32 $0x14080  }
0xe2: {  	[tilespmem:s29], [sflag:$0x3] =	stream.indirect.gather [hbm4b:s7+s0], $0x40, s14, s0, $0xb8;
	[tilespmem:$0x1CC00] =	vst v63  }
0xe3: {  	s10 =	simm.s32 $0x18400;
	s22 =	simm.s32 $0x14100  }
0xe4: {  	[tilespmem:s10], [sflag:$0x4] =	stream.indirect.gather [spmem:s15], $0x40, s22, s0, $0xb8;
	[tilespmem:$0x1CC00] =	vst v63  }
0xe5: {  	s13 =	simm.s32 $0x1A400;
	s20 =	simm.s32 $0x14180  }
0xe6: {  	[tilespmem:s13], [sflag:$0x5] =	stream.indirect.gather [hbm4b:s7+s0], $0x40, s20, s0, $0xb8;
	[tilespmem:$0x1CC00] =	vst v63  }
0xe7: {  	_ = 	snop  }
0xe8: {  	[spmem:s2] =	stream.indirect.scatter.add.f32 [tilespmem:s18], [sflag:$0xA], $0x1, s30, s0, $0xb8;
	[tilespmem:$0x1CC00] =	vst v63  }
0xe9: {  	_ = 	snop  }
0xea: {  	[spmem:s3] =	stream.indirect.scatter.add.f32 [tilespmem:s18], [sflag:$0xB], $0x1, s24, s0, $0xb8;
	[tilespmem:$0x1CC00] =	vst v63  }
0xeb: {  	_ = 	snop  }
0xec: {  	[spmem:s2] =	stream.indirect.scatter.add.f32 [tilespmem:s18], [sflag:$0xA], $0x1, s14, s0, $0xb8;
	[tilespmem:$0x1CC00] =	vst v63  }
0xed: {  	_ = 	snop  }
0xee: {  	[spmem:s3] =	stream.indirect.scatter.add.f32 [tilespmem:s18], [sflag:$0xB], $0x1, s31, s0, $0xb8;
	[tilespmem:$0x1CC00] =	vst v63  }
0xef: {  	_ = 	snop  }
0xf0: {  	[spmem:s2] =	stream.indirect.scatter.add.f32 [tilespmem:s18], [sflag:$0xA], $0x1, s22, s0, $0xb8;
	[tilespmem:$0x1CC00] =	vst v63  }
0xf1: {  	s22 =	simm.s32 $0x14300  }
0xf2: {  	[spmem:s3] =	stream.indirect.scatter.add.f32 [tilespmem:s18], [sflag:$0xB], $0x1, s22, s0, $0xb8;
	[tilespmem:$0x1CC00] =	vst v63  }
0xf3: {  	_ = 	snop  }
0xf4: {  	[spmem:s2] =	stream.indirect.scatter.add.f32 [tilespmem:s18], [sflag:$0xA], $0x1, s20, s0, $0xb8;
	[tilespmem:$0x1CC00] =	vst v63  }
0xf5: {  	s20 =	simm.s32 $0x14380  }
0xf6: {  	[spmem:s3] =	stream.indirect.scatter.add.f32 [tilespmem:s18], [sflag:$0xB], $0x1, s20, s0, $0xb8;
	[tilespmem:$0x1CC00] =	vst v63  }
0xf7: {  	_ =	swait.ge [sflag:s12], $0x2000  }
0xf8: {  	[sflag:s12] =	ssyncset.done $0x0  }
0xf9: {  	[sflag:s12] =	ssyncadd.s32 $0xFFFFE000  }
0xfa: {  	[spmem:s1] =	stream.indirect.scatter.add.f32 [tilespmem:s19], [sflag:$0x6], $0x40, s24, s0, $0xb8;
	[tilespmem:$0x1CC00] =	vst v63  }
0xfb: {  	_ =	swait.ge [sflag:s26], $0x2000  }
0xfc: {  	[sflag:s26] =	ssyncset.done $0x0  }
0xfd: {  	[sflag:s26] =	ssyncadd.s32 $0xFFFFE000  }
0xfe: {  	[spmem:s1] =	stream.indirect.scatter.add.f32 [tilespmem:s29], [sflag:$0x7], $0x40, s31, s0, $0xb8;
	[tilespmem:$0x1CC00] =	vst v63  }
0xff: {  	_ =	swait.ge [sflag:s8], $0x2000  }
0x100: {  	[sflag:s8] =	ssyncset.done $0x0  }
0x101: {  	[sflag:s8] =	ssyncadd.s32 $0xFFFFE000  }
0x102: {  	[spmem:s1] =	stream.indirect.scatter.add.f32 [tilespmem:s10], [sflag:$0x8], $0x40, s22, s0, $0xb8;
	[tilespmem:$0x1CC00] =	vst v63  }
0x103: {  	_ =	swait.ge [sflag:s9], $0x2000  }
0x104: {  	[sflag:s9] =	ssyncset.done $0x0  }
0x105: {  	[sflag:s9] =	ssyncadd.s32 $0xFFFFE000  }
0x106: {  	[spmem:s1] =	stream.indirect.scatter.add.f32 [tilespmem:s13], [sflag:$0x9], $0x40, s20, s0, $0xb8;
	[tilespmem:$0x1CC00] =	vst v63  }
0x107: {  	_ =	swait.ge [sflag:s23], $0x2000  }
0x108: {  	[sflag:s23] =	ssyncset.done $0x0  }
0x109: {  	[sflag:s23] =	ssyncadd.s32 $0xFFFFE000  }
0x10a: {  	_ =	swait.ge [sflag:s16], $0x2000  }
0x10b: {  	[sflag:s16] =	ssyncset.done $0x0  }
0x10c: {  	[sflag:s16] =	ssyncadd.s32 $0xFFFFE000  }
0x10d: {  	_ =	swait.ge [sflag:s21], $0x2000  }
0x10e: {  	[sflag:s21] =	ssyncset.done $0x0  }
0x10f: {  	[sflag:s21] =	ssyncadd.s32 $0xFFFFE000  }
0x110: {  	_ =	swait.ge [sflag:s17], $0x2000  }
0x111: {  	[sflag:s17] =	ssyncset.done $0x0  }
0x112: {  	[sflag:s17] =	ssyncadd.s32 $0xFFFFE000  }
0x113: {  	_ =	swait.ge [sflag:s25], $0x80  }
0x114: {  	[sflag:s25] =	ssyncset.done $0x0  }
0x115: {  	[sflag:s25] =	ssyncadd.s32 $0xFFFFFF80  }
0x116: {  	_ =	swait.ge [sflag:s4], $0x80  }
0x117: {  	[sflag:s4] =	ssyncset.done $0x0  }
0x118: {  	[sflag:s4] =	ssyncadd.s32 $0xFFFFFF80  }
0x119: {  	_ =	swait.ge [sflag:s25], $0x80  }
0x11a: {  	[sflag:s25] =	ssyncset.done $0x0  }
0x11b: {  	[sflag:s25] =	ssyncadd.s32 $0xFFFFFF80  }
0x11c: {  	_ =	swait.ge [sflag:s4], $0x80  }
0x11d: {  	[sflag:s4] =	ssyncset.done $0x0  }
0x11e: {  	[sflag:s4] =	ssyncadd.s32 $0xFFFFFF80  }
0x11f: {  	_ =	swait.ge [sflag:s25], $0x80  }
0x120: {  	[sflag:s25] =	ssyncset.done $0x0  }
0x121: {  	[sflag:s25] =	ssyncadd.s32 $0xFFFFFF80  }
0x122: {  	_ =	swait.ge [sflag:s4], $0x80  }
0x123: {  	[sflag:s4] =	ssyncset.done $0x0  }
0x124: {  	p2 =	sne.s32 s5, $0x9800;
	[sflag:s4] =	ssyncadd.s32 $0xFFFFFF80  }
.Ltmp1:
0x125: {  	_ =	swait.ge [sflag:s25], $0x80;
	(pc) =	sbr.rel @p2 .LBB2_4-.Ltmp1, $4  }
0x126: {  	[sflag:s25] =	ssyncset.done $0x0  }
0x127: {  	[sflag:s25] =	ssyncadd.s32 $0xFFFFFF80  }
0x128: {  	s5 =	sadd.s32 $0x400, s5;
	_ =	swait.ge [sflag:s4], $0x80  }
0x129: {  	s20 =	simm.s32 $0x1;
	s13 =	rddreg [dreg:$0x7];
	[sflag:s4] =	ssyncset.done $0x0  }
0x12a: {  	[sflag:s4] =	ssyncadd.s32 $0xFFFFFF80;
	s5 =	sadd.s32 s6, s13  }
0x12b: {  	[tilespmem:s30], [sflag:$0x1] =	stream.linear.gather [hbm4b:s5+s11], $0x200, $0x38;
	[tilespmem:$0x1CC00] =	vst v63  }
0x12c: {  	s5 =	sadd.s32 $0x9C40, s5  }
0x12d: {  	[tilespmem:s24], [sflag:$0x1] =	stream.linear.gather [hbm4b:s5+s11], $0x200, $0x38;
	[tilespmem:$0x1CC00] =	vst v63  }
0x12e: {  	_ =	swait.ge [sflag:s20], $0x200  }
0x12f: {  	[sflag:s20] =	ssyncset.done $0x0  }
0x130: {  	[sflag:s20] =	ssyncadd.s32 $0xFFFFFE00  }
0x131: {  	_ =	swait.ge [sflag:s20], $0x200  }
0x132: {  	[sflag:s20] =	ssyncset.done $0x0  }
0x133: {  	s13 =	simm.s32 $0x14400;
	[sflag:s20] =	ssyncadd.s32 $0xFFFFFE00  }
0x134: {  	[tilespmem:s13], [sflag:$0x2] =	stream.indirect.gather [spmem:s15], $0x40, s30, s0, $0xb8;
	[tilespmem:$0x1CC00] =	vst v63  }
0x135: {  	s10 =	simm.s32 $0x16400  }
0x136: {  	[tilespmem:s10], [sflag:$0x3] =	stream.indirect.gather [hbm4b:s7+s0], $0x40, s14, s0, $0xb8;
	[tilespmem:$0x1CC00] =	vst v63  }
0x137: {  	s6 =	simm.s32 $0x18400;
	s22 =	simm.s32 $0x14100  }
0x138: {  	[tilespmem:s6], [sflag:$0x4] =	stream.indirect.gather [spmem:s15], $0x40, s22, s0, $0xb8;
	[tilespmem:$0x1CC00] =	vst v63  }
0x139: {  	s19 =	simm.s32 $0x14180;
	s5 =	simm.s32 $0x1A400  }
0x13a: {  	[tilespmem:s5], [sflag:$0x5] =	stream.indirect.gather [hbm4b:s7+s0], $0x40, s19, s0, $0xb8;
	[tilespmem:$0x1CC00] =	vst v63  }
0x13b: {  	_ = 	snop  }
0x13c: {  	[spmem:s2] =	stream.indirect.scatter.add.f32 [tilespmem:s18], [sflag:$0xA], $0x1, s30, s0, $0xb8;
	[tilespmem:$0x1CC00] =	vst v63  }
0x13d: {  	_ = 	snop  }
0x13e: {  	[spmem:s3] =	stream.indirect.scatter.add.f32 [tilespmem:s18], [sflag:$0xB], $0x1, s24, s0, $0xb8;
	[tilespmem:$0x1CC00] =	vst v63  }
0x13f: {  	_ = 	snop  }
0x140: {  	[spmem:s2] =	stream.indirect.scatter.add.f32 [tilespmem:s18], [sflag:$0xA], $0x1, s14, s0, $0xb8;
	[tilespmem:$0x1CC00] =	vst v63  }
0x141: {  	s14 =	simm.s32 $0x14280  }
0x142: {  	[spmem:s3] =	stream.indirect.scatter.add.f32 [tilespmem:s18], [sflag:$0xB], $0x1, s14, s0, $0xb8;
	[tilespmem:$0x1CC00] =	vst v63  }
0x143: {  	_ = 	snop  }
0x144: {  	[spmem:s2] =	stream.indirect.scatter.add.f32 [tilespmem:s18], [sflag:$0xA], $0x1, s22, s0, $0xb8;
	[tilespmem:$0x1CC00] =	vst v63  }
0x145: {  	s7 =	simm.s32 $0x14300  }
0x146: {  	[spmem:s3] =	stream.indirect.scatter.add.f32 [tilespmem:s18], [sflag:$0xB], $0x1, s7, s0, $0xb8;
	[tilespmem:$0x1CC00] =	vst v63  }
0x147: {  	_ = 	snop  }
0x148: {  	[spmem:s2] =	stream.indirect.scatter.add.f32 [tilespmem:s18], [sflag:$0xA], $0x1, s19, s0, $0xb8;
	[tilespmem:$0x1CC00] =	vst v63  }
0x149: {  	s22 =	simm.s32 $0x14380  }
0x14a: {  	[spmem:s3] =	stream.indirect.scatter.add.f32 [tilespmem:s18], [sflag:$0xB], $0x1, s22, s0, $0xb8;
	[tilespmem:$0x1CC00] =	vst v63  }
0x14b: {  	_ =	swait.ge [sflag:s12], $0x2000  }
0x14c: {  	[sflag:s12] =	ssyncset.done $0x0  }
0x14d: {  	[sflag:s12] =	ssyncadd.s32 $0xFFFFE000  }
0x14e: {  	[spmem:s1] =	stream.indirect.scatter.add.f32 [tilespmem:s13], [sflag:$0x6], $0x40, s24, s0, $0xb8;
	[tilespmem:$0x1CC00] =	vst v63  }
0x14f: {  	_ =	swait.ge [sflag:s26], $0x2000  }
0x150: {  	[sflag:s26] =	ssyncset.done $0x0  }
0x151: {  	[sflag:s26] =	ssyncadd.s32 $0xFFFFE000  }
0x152: {  	[spmem:s1] =	stream.indirect.scatter.add.f32 [tilespmem:s10], [sflag:$0x7], $0x40, s14, s0, $0xb8;
	[tilespmem:$0x1CC00] =	vst v63  }
0x153: {  	_ =	swait.ge [sflag:s8], $0x2000  }
0x154: {  	[sflag:s8] =	ssyncset.done $0x0  }
0x155: {  	[sflag:s8] =	ssyncadd.s32 $0xFFFFE000  }
0x156: {  	[spmem:s1] =	stream.indirect.scatter.add.f32 [tilespmem:s6], [sflag:$0x8], $0x40, s7, s0, $0xb8;
	[tilespmem:$0x1CC00] =	vst v63  }
0x157: {  	_ =	swait.ge [sflag:s9], $0x2000  }
0x158: {  	[sflag:s9] =	ssyncset.done $0x0  }
0x159: {  	[sflag:s9] =	ssyncadd.s32 $0xFFFFE000  }
0x15a: {  	[spmem:s1] =	stream.indirect.scatter.add.f32 [tilespmem:s5], [sflag:$0x9], $0x40, s22, s0, $0xb8;
	[tilespmem:$0x1CC00] =	vst v63  }
0x15b: {  	_ =	swait.ge [sflag:s23], $0x2000  }
0x15c: {  	[sflag:s23] =	ssyncset.done $0x0  }
0x15d: {  	[sflag:s23] =	ssyncadd.s32 $0xFFFFE000  }
0x15e: {  	_ =	swait.ge [sflag:s16], $0x2000  }
0x15f: {  	[sflag:s16] =	ssyncset.done $0x0  }
0x160: {  	[sflag:s16] =	ssyncadd.s32 $0xFFFFE000  }
0x161: {  	_ =	swait.ge [sflag:s21], $0x2000  }
0x162: {  	[sflag:s21] =	ssyncset.done $0x0  }
0x163: {  	[sflag:s21] =	ssyncadd.s32 $0xFFFFE000  }
0x164: {  	_ =	swait.ge [sflag:s17], $0x2000  }
0x165: {  	[sflag:s17] =	ssyncset.done $0x0  }
0x166: {  	[sflag:s17] =	ssyncadd.s32 $0xFFFFE000  }
0x167: {  	_ =	swait.ge [sflag:s25], $0x80  }
0x168: {  	[sflag:s25] =	ssyncset.done $0x0  }
0x169: {  	[sflag:s25] =	ssyncadd.s32 $0xFFFFFF80  }
0x16a: {  	_ =	swait.ge [sflag:s4], $0x80  }
0x16b: {  	[sflag:s4] =	ssyncset.done $0x0  }
0x16c: {  	[sflag:s4] =	ssyncadd.s32 $0xFFFFFF80  }
0x16d: {  	_ =	swait.ge [sflag:s25], $0x80  }
0x16e: {  	[sflag:s25] =	ssyncset.done $0x0  }
0x16f: {  	[sflag:s25] =	ssyncadd.s32 $0xFFFFFF80  }
0x170: {  	_ =	swait.ge [sflag:s4], $0x80  }
0x171: {  	[sflag:s4] =	ssyncset.done $0x0  }
0x172: {  	[sflag:s4] =	ssyncadd.s32 $0xFFFFFF80  }
0x173: {  	_ =	swait.ge [sflag:s25], $0x80  }
0x174: {  	[sflag:s25] =	ssyncset.done $0x0  }
0x175: {  	[sflag:s25] =	ssyncadd.s32 $0xFFFFFF80  }
0x176: {  	_ =	swait.ge [sflag:s4], $0x80  }
0x177: {  	[sflag:s4] =	ssyncset.done $0x0  }
0x178: {  	[sflag:s4] =	ssyncadd.s32 $0xFFFFFF80  }
0x179: {  	_ =	swait.ge [sflag:s25], $0x80  }
0x17a: {  	[sflag:s25] =	ssyncset.done $0x0  }
0x17b: {  	[sflag:s25] =	ssyncadd.s32 $0xFFFFFF80  }
0x17c: {  	_ =	swait.ge [sflag:s4], $0x80  }
0x17d: {  	s6 =	simm.s32 @!p1 $0x14000;
	[sflag:s4] =	ssyncset.done $0x0  }
0x17e: {  	s5 =	simm.s32 @!p1 $0x0;
	s13 =	rddreg [dreg:$0xd];
	[sflag:s4] =	ssyncadd.s32 $0xFFFFFF80  }
0x17f: {  	[tilespmem:s6], [sflag:$0x1] =	stream.linear.gather @!p1 [hbm4b:s13+s5], $0x80, $0x38;
	[tilespmem:$0x1CC00] =	vst v63  }
0x180: {  	s14 =	rddreg [dreg:$0xe];
	s13 =	simm.s32 @!p1 $0x14200  }
0x181: {  	[tilespmem:s13], [sflag:$0x1] =	stream.linear.gather @!p1 [hbm4b:s14+s5], $0x80, $0x38;
	[tilespmem:$0x1CC00] =	vst v63  }
0x182: {  	s5 =	simm.s32 @!p1 $0x1  }
0x183: {  	_ =	swait.ge @!p1 [sflag:s5], $0x80  }
0x184: {  	[sflag:s5] =	ssyncset.done @!p1 $0x0  }
0x185: {  	[sflag:s5] =	ssyncadd.s32 @!p1 $0xFFFFFF80  }
0x186: {  	_ =	swait.ge @!p1 [sflag:s5], $0x80  }
0x187: {  	[sflag:s5] =	ssyncset.done @!p1 $0x0  }
0x188: {  	s14 =	simm.s32 @!p1 $0x14400;
	[sflag:s5] =	ssyncadd.s32 @!p1 $0xFFFFFF80;
	s5 =	simm.s32 @!p1 $0x80  }
0x189: {  	[tilespmem:s14], [sflag:$0x2] =	stream.indirect.gather @!p1 [spmem:s15], $0x40, s6, s5, $0xb8;
	[tilespmem:$0x1CC00] =	vst v63  }
0x18a: {  	s15 =	simm.s32 @!p1 $0x1C900  }
0x18b: {  	[spmem:s2] =	stream.indirect.scatter.add.f32 @!p1 [tilespmem:s15], [sflag:$0xA], $0x1, s6, s5, $0xb8;
	[tilespmem:$0x1CC00] =	vst v63  }
0x18c: {  	s6 =	simm.s32 @!p1 $0x2  }
0x18d: {  	[spmem:s3] =	stream.indirect.scatter.add.f32 @!p1 [tilespmem:s15], [sflag:$0xB], $0x1, s13, s5, $0xb8;
	[tilespmem:$0x1CC00] =	vst v63  }
0x18e: {  	_ =	swait.ge @!p1 [sflag:s6], $0x2000  }
0x18f: {  	[sflag:s6] =	ssyncset.done @!p1 $0x0  }
0x190: {  	[sflag:s6] =	ssyncadd.s32 @!p1 $0xFFFFE000  }
0x191: {  	[spmem:s1] =	stream.indirect.scatter.add.f32 @!p1 [tilespmem:s14], [sflag:$0x6], $0x40, s13, s5, $0xb8;
	[tilespmem:$0x1CC00] =	vst v63  }
0x192: {  	s5 =	simm.s32 @!p1 $0x6  }
0x193: {  	_ =	swait.ge @!p1 [sflag:s5], $0x2000  }
0x194: {  	[sflag:s5] =	ssyncset.done @!p1 $0x0  }
0x195: {  	[sflag:s5] =	ssyncadd.s32 @!p1 $0xFFFFE000;
	s5 =	simm.s32 @!p1 $0xA  }
0x196: {  	_ =	swait.ge @!p1 [sflag:s5], $0x80  }
0x197: {  	[sflag:s5] =	ssyncset.done @!p1 $0x0  }
0x198: {  	[sflag:s5] =	ssyncadd.s32 @!p1 $0xFFFFFF80;
	s5 =	simm.s32 @!p1 $0xB  }
.Ltmp2:
0x199: {  	_ =	swait.ge @!p1 [sflag:s5], $0x80;
	(pc) =	sbr.rel @p0 .LBB2_9-.Ltmp2, $4  }
0x19a: {  	[sflag:s5] =	ssyncset.done @!p1 $0x0  }
0x19b: {  	[sflag:s5] =	ssyncadd.s32 @!p1 $0xFFFFFF80  }
0x19c: {  	[bflag:$0x0] =	sbarrier.arrive $0xFFFF  }
0x19d: {  	s8 =	simm.s32 $0xD;
	s21 =	simm.s32 $0x14200;
	s17 =	simm.s32 $0x14400  }
0x19e: {  	s5 =	rddreg [dreg:$0xb];
	s22 =	simm.s32 $0xC  }
0x19f: {  	[tilespmem:s28], [sflag:$0xC] =	stream.linear.gather [spmem:s5], $0x280, $0x38;
	[tilespmem:$0x1CC00] =	vst v63  }
0x1a0: {  	_ =	swait.ge [sflag:s22], $0x280  }
0x1a1: {  	[sflag:s22] =	ssyncset.done $0x0  }
0x1a2: {  	s6 =	simm.s32 $0x40;
	s5 =	simm.s32 $0x0;
	[sflag:s22] =	ssyncadd.s32 $0xFFFFFD80  }
.LBB2_7:
0x1a3: {  	p2 =	sne.s32 s6, $0x9C0;
	v2 =	vld [tilespmem:s5+$0x1C980];
	_ =	sdelay $0x4  }
0x1a4: {  	(erf) = vrcp.f32 v2;
	_ =	sdelay $0x6  }
.Ltmp3:
0x1a5: {  	(pc) =	sbr.rel @p2 .LBB2_7-.Ltmp3, $4  }
0x1a6: {  	_ = 	snop  }
0x1a7: {  	vm0 =	vgt.f32 v2, $0.0e+00;
	v2 =	vpop (erf)  }
0x1a8: {  	v2 =	vnsel vm0, $0x0, v2  }
0x1a9: {  	[tilespmem:s5+$0x1C980] =	vst v2;
	s5 =	sshra.s32 s6, $0x2;
	s6 =	sadd.s32 $0x40, s6  }
0x1aa: {  	v2 =	vld [tilespmem:s5+$0x1C980];
	_ =	sdelay $0x4  }
0x1ab: {  	(erf) = vrcp.f32 v2;
	_ =	sdelay $0x8  }
0x1ac: {  	vm0 =	vgt.f32 v2, $0.0e+00;
	v2 =	vpop (erf)  }
0x1ad: {  	v2 =	vnsel vm0, $0x0, v2  }
0x1ae: {  	s19 =	rddreg [dreg:$0xf];
	s6 =	simm.s32 $0x0;
	s22 =	simm.s32 $0xC;
	[tilespmem:s5+$0x1C980] =	vst v2  }
0x1af: {  	[hbm4b:s19+s6] =	stream.linear.scatter [tilespmem:s28], [sflag:$0xC], $0x280, $0x38;
	[tilespmem:$0x1CC00] =	vst v63  }
0x1b0: {  	_ =	swait.ge [sflag:s22], $0x280  }
0x1b1: {  	[sflag:s22] =	ssyncset.done $0x0  }
0x1b2: {  	[sflag:s22] =	ssyncadd.s32 $0xFFFFFD80  }
.LBB2_9:
0x1b3: {  	s5 =	rddreg [dreg:$0xc];
	s22 =	simm.s32 $0xC  }
0x1b4: {  	[tilespmem:s28], [sflag:$0xC] =	stream.linear.gather [spmem:s5], $0x280, $0x38;
	[tilespmem:$0x1CC00] =	vst v63  }
0x1b5: {  	_ =	swait.ge [sflag:s22], $0x280  }
0x1b6: {  	s6 =	simm.s32 $0x40;
	s19 =	simm.s32 $0x14000;
	[sflag:s22] =	ssyncset.done $0x0  }
0x1b7: {  	s5 =	simm.s32 $0x0;
	s7 =	rddreg [dreg:$0x19];
	[sflag:s22] =	ssyncadd.s32 $0xFFFFFD80  }
.LBB2_10:
0x1b8: {  	p2 =	seq.s32 s6, $0x9C0;
	v2 =	vld [tilespmem:s5+$0x1C980];
	_ =	sdelay $0x4  }
0x1b9: {  	(erf) = vrcp.f32 v2;
	_ =	sdelay $0x6  }
.Ltmp4:
0x1ba: {  	(pc) =	sbr.rel @!p2 .LBB2_10-.Ltmp4, $4  }
0x1bb: {  	_ = 	snop  }
0x1bc: {  	vm0 =	vgt.f32 v2, $0.0e+00;
	v2 =	vpop (erf)  }
0x1bd: {  	v2 =	vnsel vm0, $0x0, v2  }
0x1be: {  	[tilespmem:s5+$0x1C980] =	vst v2;
	s5 =	sshra.s32 s6, $0x2;
	s6 =	sadd.s32 $0x40, s6  }
0x1bf: {  	v2 =	vld [tilespmem:s5+$0x1C980];
	_ =	sdelay $0x4  }
0x1c0: {  	(erf) = vrcp.f32 v2;
	_ =	sdelay $0x8  }
0x1c1: {  	vm0 =	vgt.f32 v2, $0.0e+00;
	v2 =	vpop (erf)  }
0x1c2: {  	v2 =	vnsel vm0, $0x0, v2  }
0x1c3: {  	s6 =	simm.s32 $0x0;
	[tilespmem:s5+$0x1C980] =	vst v2;
	s5 =	simm.s32 $0x0  }
.LBB2_12:
0x1c4: {  	s13 =	sshll.u32 s6, $0x7;
	s14 =	rddreg [dreg:$0x8]  }
0x1c5: {  	s9 =	sadd.s32 s14, s13  }
0x1c6: {  	s13 =	sshll.u32 s9, $0x6  }
0x1c7: {  	s13 =	sand.u32 $0x3FFFFFC0, s13  }
0x1c8: {  	s16 =	sadd.s32 $0x0, s5;
	s13 =	sadd.s32 s13, s1  }
0x1c9: {  	[tilespmem:s17], [sflag:$0xD] =	stream.linear.gather [spmem:s13], $0x2000, $0x38;
	[tilespmem:$0x1CC00] =	vst v63  }
0x1ca: {  	v2 =	vmov s16;
	_ =	swait.ge [sflag:s8], $0x2000  }
0x1cb: {  	[sflag:s8] =	ssyncset.done $0x0  }
0x1cc: {  	s15 =	simm.s32 $0x14420;
	[sflag:s8] =	ssyncadd.s32 $0xFFFFE000  }
0x1cd: {  	v4 =	vld [tilespmem:s15+$0xFFFFFFF0]  }
0x1ce: {  	v5 =	vld [tilespmem:s15+$0x10]  }
0x1cf: {  	v7 =	vld.idx.msk [tilespmem:v2+s28+$0x0], $0xffff  }
0x1d0: {  	v2 =	vld [tilespmem:s15+$0xFFFFFFE0]  }
0x1d1: {  	v8 =	vld [tilespmem:s15+$0x0];
	_ =	sdelay $0x3  }
0x1d2: {  	s22 =	sadd.s32 $0x1, s5;
	v3 =	vmul.f32 v2, v7;
	v6 =	vmul.f32 v5, v7  }
0x1d3: {  	s14 =	simm.s32 $0x14420;
	s13 =	simm.s32 $0x2;
	v2 =	vmov s22;
	v5 =	vmul.f32 v4, v7;
	v4 =	vmul.f32 v8, v7  }
.LBB2_13:
0x1d4: {  	p2 =	sne.s32 s13, $0x7F  }
0x1d5: {  	[tilespmem:s15+$0x10] =	vst v6;
	s14 =	sadd.s32 $0x40, s14;
	s16 =	smov.u32 s13;
	s13 =	sadd.s32 $0x1, s13  }
0x1d6: {  	[tilespmem:s15+$0xFFFFFFE0] =	vst v3  }
0x1d7: {  	v7 =	vld [tilespmem:s14+$0xFFFFFFF0];
	[tilespmem:s15+$0xFFFFFFF0] =	vst v5  }
0x1d8: {  	v5 =	vld [tilespmem:s14+$0x10];
	[tilespmem:s15+$0x0] =	vst v4;
	s15 =	smov.u32 s14  }
0x1d9: {  	v4 =	vld.idx.msk [tilespmem:v2+s28+$0x0], $0xffff  }
0x1da: {  	v2 =	vld [tilespmem:s14+$0xFFFFFFE0]  }
0x1db: {  	v8 =	vld [tilespmem:s14+$0x0]  }
.Ltmp5:
0x1dc: {  	(pc) =	sbr.rel @p2 .LBB2_13-.Ltmp5, $3  }
0x1dd: {  	_ =	sdelay $0x1  }
0x1de: {  	s16 =	sadd.s32 s16, s5;
	v6 =	vmul.f32 v5, v4;
	v3 =	vmul.f32 v2, v4  }
0x1df: {  	v5 =	vmul.f32 v7, v4;
	v2 =	vmov s16;
	v4 =	vmul.f32 v8, v4  }
0x1e0: {  	[tilespmem:s15+$0x10] =	vst v6  }
0x1e1: {  	s13 =	sadd.s32 $0x40, s14;
	[tilespmem:s15+$0xFFFFFFE0] =	vst v3  }
0x1e2: {  	v3 =	vld [tilespmem:s13+$0xFFFFFFF0];
	[tilespmem:s15+$0xFFFFFFF0] =	vst v5  }
0x1e3: {  	v5 =	vld [tilespmem:s13+$0x10];
	[tilespmem:s15+$0x0] =	vst v4  }
0x1e4: {  	v2 =	vld.idx.msk [tilespmem:v2+s28+$0x0], $0xffff  }
0x1e5: {  	v4 =	vld [tilespmem:s13+$0xFFFFFFE0];
	_ =	sdelay $0x1  }
0x1e6: {  	v6 =	vld [tilespmem:s13+$0x0];
	_ =	sdelay $0x1  }
0x1e7: {  	v5 =	vmul.f32 v5, v2  }
0x1e8: {  	v4 =	vmul.f32 v4, v2  }
0x1e9: {  	v3 =	vmul.f32 v3, v2;
	[tilespmem:s13+$0x10] =	vst v5  }
0x1ea: {  	s16 =	rddreg [dreg:$0x9];
	s6 =	sadd.s32 $0x1, s6;
	v2 =	vmul.f32 v6, v2;
	[tilespmem:s13+$0xFFFFFFE0] =	vst v4  }
0x1eb: {  	s22 =	rddreg [dreg:$0x18];
	p2 =	sne.s32 s6, $0x5;
	s15 =	sshll.u32 s9, $0x3;
	[tilespmem:s13+$0xFFFFFFF0] =	vst v3  }
.Ltmp6:
0x1ec: {  	[tilespmem:s13+$0x0] =	vst v2;
	s13 =	sadd.s32 s16, s15;
	s16 =	simm.s32 $0x0;
	(pc) =	sbr.rel @p2 .LBB2_12-.Ltmp6, $4  }
0x1ed: {  	[hbm4b:s13+s16] =	stream.linear.scatter [tilespmem:s17], [sflag:s22], $0x2000, $0x38;
	[tilespmem:$0x1CC00] =	vst v63  }
0x1ee: {  	_ =	swait.ge [sflag:s22], $0x2000  }
0x1ef: {  	[sflag:s22] =	ssyncset.done $0x0  }
0x1f0: {  	s5 =	sadd.s32 $0x80, s5;
	[sflag:s22] =	ssyncadd.s32 $0xFFFFE000  }
0x1f1: {  	s6 =	rddreg [dreg:$0x1a]  }
0x1f2: {  	s5 =	rddreg [dreg:$0x10];
	s6 =	sadd.s32 $0x1, s6  }
0x1f3: {  	p2 =	sne.s32 s6, s5  }
.Ltmp7:
0x1f4: {  	_ = 	snop;
	(pc) =	sbr.rel @p2 .LBB2_1-.Ltmp7, $2  }
0x1f5: {  	_ =	sdelay $0x2  }
0x1f6: {  	s15 =	rddreg [dreg:$0x5]  }
0x1f7: {  	_ =	sfence.sel $0x180000  }
0x1f8: {  	[bflag:$0x0] =	sbarrier.arrive $0xFFFF  }
0x1f9: {  	_ =	strace $0x90000047  }
0x1fa: {  	s0 =	stileid.u32;
	[bflag:$0x2] =	sbarrier.arrive $0xFFFF  }
0x1fb: {  	p0 =	sne.s32 s0, $0x0;
	s0 =	rddreg [dreg:$0x6]  }
0x1fc: {  	s0 =	sadd.s32 @!p0 $0x100000, s0  }
0x1fd: {  	[sflag:s0] =	ssyncadd.tile.s32 @!p0 $0x1;
	_ =	shalt  }
.Lfunc_end2:
_tile_overlayer_lowered:
.L_overlay_start_2:
0x1fe: {  	(tag) =	ssettag $0x2  }
0x1ff: {  	s0 =	rddreg [dreg:$0x0];
	s2 =	stileid.u32  }
0x200: {  	s1 =	rddreg [dreg:$0x1];
	p0 =	sne.s32 s2, $0x0  }
0x201: {  	s3 =	rddreg [dreg:$0x2];
	[bflag:$0x3] =	sbarrier.arrive $0xFFFF;
	s2 =	simm.s32 @!p0 $0x1C0C  }
0x202: {  	[timem:s3], [sflag:s2] =	dma.local @!p0 [hbm:s0], s1  }
0x203: {  	s0 =	simm.s32 @!p0 $0xC  }
0x204: {  	_ =	swait.ge @!p0 [sflag:s0], s1  }
0x205: {  	s1 =	ssub.s32 @!p0 $0x0, s1;
	[sflag:s0] =	ssyncset.done @!p0 $0x0  }
0x206: {  	[sflag:s0] =	ssyncadd.s32 @!p0 s1  }
0x207: {  	[bflag:$0x3] =	sbarrier.arrive $0xFFFF  }
0x208: {  	_ =	shalt  }

// kernel: kernel.9.cloned.1.call-start
scs
__scs_entry_jumppad:
0x0: {  	(pc) =	sbr.rel $0x88, $3  }
0x1: {  	(tag) =	ssettag $0x0;
	lr =	simm.s32 $0x1  }
0x2: {  	[smem:$0x3F9D] =	sst lr;
	_ =	strace $0xD0000000  }
0x3: {  	_ = 	snop  }
0x4: {  	_ = 	snop  }
0x5: {  	_ = 	snop  }
0x6: {  	_ = 	snop  }
0x7: {  	_ = 	snop  }
__scs_overlays_trampoline_lowered:
0x8: {  	[smem:$0x3FAC] =	sst s0  }
0x9: {  	[smem:$0x3FAD] =	sst s1  }
0xa: {  	[smem:$0x3FAE] =	sst s2  }
0xb: {  	[smem:$0x3FAF] =	sst s3  }
0xc: {  	[smem:$0x3FB0] =	sst s4  }
0xd: {  	[smem:$0x3FB1] =	sst s5  }
0xe: {  	[smem:$0x3FB2] =	sst s6  }
0xf: {  	[smem:$0x3FB3] =	sst s7  }
0x10: {  	[smem:$0x3FB4] =	sst s8  }
0x11: {  	[smem:$0x3FB5] =	sst s9;
	s0 =	simm.s32 @!p0 $0x0  }
0x12: {  	s1 =	sld [smem:$0x3F9B];
	s0 =	simm.s32 @p0 $0x1  }
0x13: {  	[smem:$0x3FB6] =	sst s0;
	s0 =	simm.s32 @!p1 $0x0  }
0x14: {  	s2 =	sld [smem:$0x3F9A];
	s0 =	simm.s32 @p1 $0x1  }
0x15: {  	[smem:$0x3FB7] =	sst s0;
	s0 =	simm.s32 @!p2 $0x0  }
0x16: {  	s3 =	sld [smem:$0x3FDB];
	s0 =	simm.s32 @p2 $0x1  }
0x17: {  	s4 =	simm.s32 $0x1BF5;
	[smem:$0x3FB9] =	sst s0  }
0x18: {  	s0 =	sld [smem:$0x3F9C];
	_ =	swait.ge [sflag:s4], $0x0  }
0x19: {  	s7 =	sld [smem:$0x3F9D]  }
0x1a: {  	s8 =	sadd.s32 $0xFFFFE003, lr  }
0x1b: {  	s9 =	sadd.s32 $0xFFFFFEF7, lr;
	s5 =	simm.s32 $0xFFFFFFFF;
	p2 =	slt.u32 s8, $0xFFFFF086  }
0x1c: {  	p1 =	slt.u32 s9, $0xF7A;
	s5 =	simm.s32 @!p2 $0x0  }
0x1d: {  	s5 =	simm.s32 @p1 $0x1;
	p0 =	seq.s32 s7, s2  }
0x1e: {  	s7 =	smul.u32 @!p0 $0xF7A, s2;
	p2 =	seq.s32 @!p0 s5, $0x0  }
0x1f: {  	s9 =	smul.u32 $0xF7A, s1;
	s8 =	simm.s32 @!p0 $0x1BF5;
	p2 =	por !p2, p0  }
0x20: {  	[sflag:s8] =	ssyncset.s32 @!p0 $0xFFFFF086;
	s6 =	sadd.s32 @!p0 s3, s7;
	s7 =	simm.s32 @!p0 $0x108  }
0x21: {  	s3 =	sadd.s32 s3, s9;
	s6 =	sadd.s32 @!p0 $0x88, s6;
	s7 =	simm.s32 @p2 $0x1082  }
0x22: {  	[simem:s7], [sflag:s8] =	dma.local @!p0 [hbm:s6], $0xF7A  }
0x23: {  	s9 =	sor.u32 $0xD0000000, s2;
	s6 =	simm.s32 $0x108;
	_ =	swait.ge @!p0 [sflag:s8], $0x0  }
0x24: {  	s3 =	sadd.s32 $0x88, s3;
	s6 =	simm.s32 @!p1 $0x1082;
	[sflag:s4] =	ssyncset.s32 $0xFFFFF086  }
0x25: {  	[simem:s6], [sflag:s4] =	dma.local [hbm:s3], $0xF7A  }
0x26: {  	[smem:$0x3F9D] =	sst s1;
	(tag) =	ssettag s2;
	_ =	strace s9  }
0x27: {  	s1 =	sld [smem:$0x3FAD]  }
0x28: {  	s2 =	sld [smem:$0x3FAE]  }
0x29: {  	s4 =	sld [smem:$0x3FB0]  }
0x2a: {  	p0 =	seq.s32 s5, $0x0;
	s5 =	sld [smem:$0x3FB1]  }
0x2b: {  	s6 =	sld [smem:$0x3FB2]  }
0x2c: {  	s7 =	sld [smem:$0x3FB3]  }
0x2d: {  	s3 =	simm.s32 $0x108;
	s8 =	sld [smem:$0x3FB4]  }
0x2e: {  	s3 =	simm.s32 @!p0 $0x1082;
	s9 =	sld [smem:$0x3FB5]  }
0x2f: {  	lr =	sadd.s32 s0, s3;
	s0 =	sld [smem:$0x3FAC]  }
0x30: {  	s3 =	sld [smem:$0x3FAF]  }
0x31: {  	[smem:$0x3FB8] =	sst s10  }
0x32: {  	s10 =	sld [smem:$0x3FB6];
	_ =	sdelay $0x3  }
0x33: {  	p0 =	seq.s32 s10, $0x1;
	s10 =	sld [smem:$0x3FB8];
	_ =	sdelay $0x3  }
0x34: {  	[smem:$0x3FB8] =	sst s10  }
0x35: {  	s10 =	sld [smem:$0x3FB7];
	_ =	sdelay $0x3  }
0x36: {  	p1 =	seq.s32 s10, $0x1;
	s10 =	sld [smem:$0x3FB8];
	_ =	sdelay $0x3  }
0x37: {  	[smem:$0x3FB8] =	sst s10  }
0x38: {  	s10 =	sld [smem:$0x3FB9]  }
0x39: {  	_ = 	snop;
	(pc) =	sbr.ind lr, $3  }
0x3a: {  	_ = 	snop  }
0x3b: {  	_ = 	snop  }
0x3c: {  	p2 =	seq.s32 s10, $0x1;
	s10 =	sld [smem:$0x3FB8]  }
0x3d: {  	_ =	shalt  }
0x3e: {  	_ =	shalt  }
0x3f: {  	_ =	shalt  }
0x40: {  	_ =	shalt  }
0x41: {  	_ =	shalt  }
0x42: {  	_ =	shalt  }
0x43: {  	_ =	shalt  }
0x44: {  	_ =	shalt  }
0x45: {  	_ =	shalt  }
0x46: {  	_ =	shalt  }
0x47: {  	_ =	shalt  }
0x48: {  	_ =	shalt  }
0x49: {  	_ =	shalt  }
0x4a: {  	_ =	shalt  }
0x4b: {  	_ =	shalt  }
0x4c: {  	_ =	shalt  }
0x4d: {  	_ =	shalt  }
0x4e: {  	_ =	shalt  }
0x4f: {  	_ =	shalt  }
0x50: {  	_ =	shalt  }
0x51: {  	_ =	shalt  }
0x52: {  	_ =	shalt  }
0x53: {  	_ =	shalt  }
0x54: {  	_ =	shalt  }
0x55: {  	_ =	shalt  }
0x56: {  	_ =	shalt  }
0x57: {  	_ =	shalt  }
0x58: {  	_ =	shalt  }
0x59: {  	_ =	shalt  }
0x5a: {  	_ =	shalt  }
0x5b: {  	_ =	shalt  }
0x5c: {  	_ =	shalt  }
0x5d: {  	_ =	shalt  }
0x5e: {  	_ =	shalt  }
0x5f: {  	_ =	shalt  }
0x60: {  	_ =	shalt  }
0x61: {  	_ =	shalt  }
0x62: {  	_ =	shalt  }
0x63: {  	_ =	shalt  }
0x64: {  	_ =	shalt  }
0x65: {  	_ =	shalt  }
0x66: {  	_ =	shalt  }
0x67: {  	_ =	shalt  }
0x68: {  	_ =	shalt  }
0x69: {  	_ =	shalt  }
0x6a: {  	_ =	shalt  }
0x6b: {  	_ =	shalt  }
0x6c: {  	_ =	shalt  }
0x6d: {  	_ =	shalt  }
0x6e: {  	_ =	shalt  }
0x6f: {  	_ =	shalt  }
0x70: {  	_ =	shalt  }
0x71: {  	_ =	shalt  }
0x72: {  	_ =	shalt  }
0x73: {  	_ =	shalt  }
0x74: {  	_ =	shalt  }
0x75: {  	_ =	shalt  }
0x76: {  	_ =	shalt  }
0x77: {  	_ =	shalt  }
0x78: {  	_ =	shalt  }
0x79: {  	_ =	shalt  }
0x7a: {  	_ =	shalt  }
0x7b: {  	_ =	shalt  }
0x7c: {  	_ =	shalt  }
0x7d: {  	_ =	shalt  }
0x7e: {  	_ =	shalt  }
0x7f: {  	_ =	shalt  }
0x80: {  	_ =	shalt  }
0x81: {  	_ =	shalt  }
0x82: {  	_ =	shalt  }
0x83: {  	_ =	shalt  }
0x84: {  	_ =	shalt  }
0x85: {  	_ =	shalt  }
0x86: {  	_ =	shalt  }
0x87: {  	_ =	shalt  }
.Lfunc_end0:
.L_simem_size_0:
called_computation.1_lowered:
.L_overlay_start_0:
0x88: {  	s2 =	sld [smem:$0x3FD9]  }
0x89: {  	s3 =	sld [smem:$0x3FFE];
	_ =	sdelay $0x1  }
0x8a: {  	s1 =	srdreg.scid  }
0x8b: {  	s0 =	sand.u32 $0x1, s1  }
0x8c: {  	s17 =	sshll.u32 s0, $0xA;
	s2 =	sadd.s32 s3, s2  }
0x8d: {  	s2 =	sadd.s32 s2, s17  }
0x8e: {  	[smem:$0x3FC4] =	sst s2  }
0x8f: {  	_ = 	snop  }
0x90: {  	s2 =	sld [smem:$0x3FD0];
	(tm) =	ssettm $0x1  }
0x91: {  	s18 =	sld [smem:$0x3FFB];
	_ =	sdelay $0x3  }
0x92: {  	_ =	strace s18  }
0x93: {  	s3 =	sld [smem:$0x3FFC];
	_ =	sdelay $0x3  }
0x94: {  	_ =	strace s3  }
0x95: {  	s3 =	sld [smem:$0x3FFD];
	_ =	sdelay $0x3  }
0x96: {  	_ =	strace s3  }
0x97: {  	_ =	strace $0x8FFFFFFF  }
0x98: {  	s19 =	sld [smem:$0x3FDB];
	_ =	sdelay $0x1  }
0x99: {  	s4 =	simm.s32 $_scs_section_size  }
0x9a: {  	s5 =	simm.s32 $_size__tile_overlayer_lowered;
	s6 =	simm.s32 $_tile_overlayer_lowered  }
0x9b: {  	s22 =	simm.s32 $0x1BFF;
	s21 =	sshll.u32 s6, $0x1;
	s3 =	sadd.s32 s4, s19  }
0x9c: {  	s7 =	simm.s32 $0x0;
	s20 =	sshll.u32 s5, $0x1;
	s5 =	sadd.s32 s21, s3  }
0x9d: {  	[timem:s7], [sflag:s22] =	dma.local [hbm:s5], s20  }
0x9e: {  	_ =	swait.ge [sflag:s22], s20  }
0x9f: {  	s4 =	ssub.s32 $0x0, s20;
	[sflag:s22] =	ssyncset.done $0x0  }
0xa0: {  	[sflag:s22] =	ssyncadd.s32 s4;
	_ =	sdelay $0x1  }
0xa1: {  	s23 =	simm.s32 $0x1B8B  }
0xa2: {  	_ =	swait.ge [sflag:s23], $0x1  }
0xa3: {  	[sflag:s23] =	ssyncset.done $0x0  }
0xa4: {  	s25 =	simm.s32 $0x1B8E;
	s24 =	sld [smem:$0x3FFE];
	[sflag:s23] =	ssyncadd.s32 $0xFFFFFFFF  }
0xa5: {  	s26 =	simm.s32 $execute0_lowered;
	[smem:$0x3FD2] =	sst s25  }
0xa6: {  	s5 =	sshll.u32 s26, $0x1;
	_ =	strace $0x80000049;
	[dreg:$0x1] =	wrdreg $0xFFFFFFFF  }
0xa7: {  	s28 =	simm.s32 $_size_execute0_lowered;
	s3 =	sadd.s32 s3, s5;
	[dreg:$0x0] =	wrdreg $0x0  }
0xa8: {  	s5 =	sshll.u32 s28, $0x1;
	[dreg:$0x2] =	wrdreg s3  }
0xa9: {  	[dreg:$0x3] =	wrdreg s5  }
0xaa: {  	[dreg:$0x4] =	wrdreg $0xC0  }
0xab: {  	_ =	task [dreg:s7], $0x5FFFF  }
0xac: {  	[dreg:$0x1] =	wrdreg $0xFFFFFFFF  }
0xad: {  	[dreg:$0x0] =	wrdreg $0x60  }
0xae: {  	[dreg:$0x2] =	wrdreg s24  }
0xaf: {  	[dreg:$0x3] =	wrdreg s2  }
0xb0: {  	[dreg:$0x4] =	wrdreg $0x0  }
0xb1: {  	[dreg:$0x5] =	wrdreg $0xA0000  }
0xb2: {  	[dreg:$0x6] =	wrdreg $0x9  }
0xb3: {  	_ =	task.clear_ibuf [dreg:s7], $0x7FFFF;
	_ =	strace $0x90000049  }
0xb4: {  	s29 =	simm.s32 $0x9;
	_ =	strace $0x8000004B  }
0xb5: {  	_ =	swait.ge [sflag:s29], $0x1  }
0xb6: {  	[sflag:s29] =	ssyncadd.s32 $0xFFFFFFFF  }
0xb7: {  	_ =	strace $0x9000004B  }
0xb8: {  	_ =	sfence  }
0xb9: {  	s30 =	sld [smem:$0x0];
	_ =	sdelay $0x2  }
0xba: {  	s31 =	sshll.u32 s1, $0xD;
	s1 =	sshrl.u32 s1, $0x2  }
0xbb: {  	s3 =	sand.u32 $0x4000, s31;
	s1 =	sadd.s32 s1, s30  }
0xbc: {  	s0 =	sor.u32 s3, s0;
	s1 =	sshll.u32 s1, $0x11  }
0xbd: {  	s0 =	sor.u32 s1, s0  }
0xbe: {  	s0 =	sadd.s32 $0x8F2B, s0  }
0xbf: {  	[sflag:s0] =	ssyncadd.remote.s32 $0x1  }
0xc0: {  	_ =	sfence.sel $0xFFFF  }
0xc1: {  	[dreg:$0x0] =	wrdreg $0xFFFFFFFF;
	(pc) =	sbr.abs _section_cstart, $3  }
0xc2: {  	[dreg:$0x1] =	wrdreg $0xFFFFFFFF  }
0xc3: {  	_ =	task.clear_ibuf [dreg:s7], $0x2FFFF;
	_ =	strace $0x9FFFFFFF  }
0xc4: {  	(tm) =	ssettm $0x7FFFFFFF  }
0xc5: {  	_ =	shalt  }
tec
execute0_lowered:
.L_overlay_start_1:
0x0: {  	(tag) =	ssettag $0x1  }
0x1: {  	s0 =	rddreg [dreg:$0x0]  }
0x2: {  	s4 =	rddreg [dreg:$0x1]  }
0x3: {  	s1 =	rddreg [dreg:$0x2]  }
0x4: {  	s2 =	rddreg [dreg:$0x3];
	s3 =	simm.s32 $0x0;
	s5 =	srdreg.scid  }
0x5: {  	s13 =	stileid.u32;
	s17 =	simm.s32 $0x14400;
	s18 =	simm.s32 $0xA  }
0x6: {  	s28 =	simm.s32 $0x14300;
	s29 =	simm.s32 $0x18400;
	s30 =	simm.s32 $0x14380  }
0x7: {  	s31 =	simm.s32 $0x1A400;
	[smem:$0x7FF] =	sst s3;
	s6 =	sadd.s32 $0x2A200, s0  }
0x8: {  	s7 =	sand.u32 $0x1, s5;
	s5 =	sadd.s32 $0x3E200, s0;
	s9 =	smul.u32 $0x28000, s13  }
0x9: {  	s10 =	sadd.s32 $0x2200, s0;
	s0 =	sadd.s32 $0x15C00, s0;
	s24 =	smul.u32 $0xA000, s13  }
0xa: {  	s25 =	sshll.u32 s13, $0x4;
	s23 =	sshll.u32 s13, $0x6;
	_ =	strace $0x8000004A  }
0xb: {  	s8 =	ssub.s32 $0x2, s7;
	p0 =	seq.s32 s7, $0x0;
	s7 =	sadd.s32 s25, s10  }
0xc: {  	[dreg:$0xe] =	wrdreg s23;
	s11 =	sshrl.u32 s8, $0x1;
	s9 =	sshrl.u32 s9, $0x2  }
0xd: {  	s26 =	sadd.s32 s24, s2;
	s12 =	sshrl.u32 s24, $0x3;
	s15 =	sadd.s32 $0x9C00, s7  }
0xe: {  	s7 =	sadd.s32 $0x13840, s7;
	s16 =	sadd.s32 s24, s1;
	s5 =	smov.u32 @p0 s6  }
0xf: {  	s0 =	smov.u32 @p0 s4;
	s24 =	sadd.s32 s23, s10;
	s23 =	simm.s32 $0x80  }
0x10: {  	p0 =	sgt.u32 s13, $0x3;
	s4 =	simm.s32 $0x3;
	[dreg:$0x7] =	wrdreg s15  }
0x11: {  	s10 =	simm.s32 $0x5;
	s13 =	simm.s32 $0x7;
	[dreg:$0x8] =	wrdreg s7  }
0x12: {  	s8 =	ssub.s32 s8, s11;
	s14 =	sadd.s32 s9, s1;
	[dreg:$0x5] =	wrdreg s24  }
0x13: {  	s6 =	sadd.s32 s5, s12;
	s0 =	sadd.s32 s0, s12;
	[dreg:$0x6] =	wrdreg s14  }
0x14: {  	s25 =	sshrl.u32 s26, $0x3;
	s24 =	simm.s32 $0x14280;
	[dreg:$0xf] =	wrdreg s6  }
0x15: {  	s26 =	sshrl.u32 s16, $0x3;
	s7 =	simm.s32 $0x14080;
	[dreg:$0x10] =	wrdreg s0  }
0x16: {  	s9 =	simm.s32 $0x14100;
	s11 =	simm.s32 $0x14180;
	[dreg:$0x11] =	wrdreg s25  }
0x17: {  	s12 =	simm.s32 $0x6;
	s8 =	smax.u32 s8, $0x1;
	[dreg:$0x12] =	wrdreg s26  }
0x18: {  	s15 =	simm.s32 $0x8;
	s19 =	sadd.s32 $0x2000, s14;
	[dreg:$0x9] =	wrdreg s8  }
0x19: {  	s16 =	simm.s32 $0x9;
	s20 =	sadd.s32 $0x4000, s14;
	[dreg:$0xa] =	wrdreg s19  }
0x1a: {  	s21 =	sadd.s32 $0x6000, s14;
	s22 =	sadd.s32 $0x8000, s14;
	[dreg:$0xb] =	wrdreg s20  }
0x1b: {  	s26 =	simm.s32 $0x16400;
	s0 =	simm.s32 $0x2;
	[dreg:$0xc] =	wrdreg s21  }
0x1c: {  	s14 =	simm.s32 $0x0;
	[dreg:$0xd] =	wrdreg s22;
	s20 =	simm.s32 $0x14000  }
0x1d: {  	v0 =	vimm.f32 $0.0e+00;
	s21 =	simm.s32 $0x14200;
	s22 =	simm.s32 $0x1;
	s8 =	simm.s32 $0x4  }
.LBB2_1:
0x1e: {  	s6 =	sand.u32 $0x7F00, s3  }
0x1f: {  	[dreg:$0x13] =	wrdreg s14;
	s19 =	sand.u32 $0x30, s3;
	s25 =	sshrl.u32 s6, $0x2  }
0x20: {  	s14 =	simm.s32 $0x0;
	s6 =	simm.s32 $0x40;
	s25 =	sor.u32 s19, s25  }
.LBB2_2:
0x21: {  	p1 =	sne.s32 s6, $0x7FC0  }
0x22: {  	[tilespmem:s25+$0x14400] =	vst v0;
	s14 =	sadd.s32 $0x10, s14;
	s25 =	smov.u32 s6;
	s6 =	sadd.s32 $0x40, s6  }
.Ltmp0:
0x23: {  	(pc) =	sbr.rel @p1 .LBB2_2-.Ltmp0, $4  }
0x24: {  	_ = 	snop  }
0x25: {  	s25 =	sand.u32 $0x7F00, s25  }
0x26: {  	s19 =	sand.u32 $0x30, s14;
	s25 =	sshrl.u32 s25, $0x2  }
0x27: {  	s25 =	sor.u32 s19, s25  }
0x28: {  	[tilespmem:s25+$0x14400] =	vst v0;
	s6 =	rddreg [dreg:$0x6]  }
0x29: {  	[spmem:s6] =	stream.linear.scatter [tilespmem:s17], [sflag:$0xA], $0x2000, $0x38;
	[tilespmem:$0x1C400] =	vst v63  }
0x2a: {  	_ =	swait.ge [sflag:s18], $0x2000  }
0x2b: {  	[sflag:s18] =	ssyncset.done $0x0  }
0x2c: {  	s14 =	rddreg [dreg:$0xa];
	[sflag:s18] =	ssyncadd.s32 $0xFFFFE000  }
0x2d: {  	[spmem:s14] =	stream.linear.scatter [tilespmem:s17], [sflag:$0xA], $0x2000, $0x38;
	[tilespmem:$0x1C400] =	vst v63  }
0x2e: {  	_ =	swait.ge [sflag:s18], $0x2000  }
0x2f: {  	[sflag:s18] =	ssyncset.done $0x0  }
0x30: {  	s19 =	rddreg [dreg:$0xb];
	[sflag:s18] =	ssyncadd.s32 $0xFFFFE000  }
0x31: {  	[spmem:s19] =	stream.linear.scatter [tilespmem:s17], [sflag:$0xA], $0x2000, $0x38;
	[tilespmem:$0x1C400] =	vst v63  }
0x32: {  	_ =	swait.ge [sflag:s18], $0x2000  }
0x33: {  	[sflag:s18] =	ssyncset.done $0x0  }
0x34: {  	s25 =	rddreg [dreg:$0xc];
	[sflag:s18] =	ssyncadd.s32 $0xFFFFE000  }
0x35: {  	[spmem:s25] =	stream.linear.scatter [tilespmem:s17], [sflag:$0xA], $0x2000, $0x38;
	[tilespmem:$0x1C400] =	vst v63  }
0x36: {  	_ =	swait.ge [sflag:s18], $0x2000  }
0x37: {  	[sflag:s18] =	ssyncset.done $0x0  }
0x38: {  	s14 =	rddreg [dreg:$0xd];
	[sflag:s18] =	ssyncadd.s32 $0xFFFFE000  }
0x39: {  	[spmem:s14] =	stream.linear.scatter [tilespmem:s17], [sflag:$0xA], $0x2000, $0x38;
	[tilespmem:$0x1C400] =	vst v63  }
0x3a: {  	_ =	swait.ge [sflag:s18], $0x2000  }
0x3b: {  	s19 =	rddreg [dreg:$0xe]  }
0x3c: {  	s25 =	rddreg [dreg:$0xf]  }
0x3d: {  	[sflag:s18] =	ssyncset.done $0x0;
	s14 =	rddreg [dreg:$0x11];
	s19 =	sor.u32 $0x1C0A, s19  }
0x3e: {  	[sflag:s18] =	ssyncadd.s32 $0xFFFFE000;
	[dreg:$0x14] =	wrdreg s19  }
0x3f: {  	[spmem:s14], [sflag:s19] =	dma.local [hbm:s25], $0x1400  }
0x40: {  	_ =	swait.ge [sflag:s18], $0x1400  }
0x41: {  	[sflag:s18] =	ssyncset.done $0x0  }
0x42: {  	[sflag:s18] =	ssyncadd.s32 $0xFFFFEC00  }
0x43: {  	[bflag:$0x0] =	sbarrier.arrive $0xFFFF  }
0x44: {  	s25 =	rddreg [dreg:$0x5]  }
0x45: {  	s6 =	sadd.s32 $0x0, s25  }
0x46: {  	[tilespmem:s20], [sflag:$0x1] =	stream.linear.gather [hbm4b:s6+s3], $0x200, $0x38;
	[tilespmem:$0x1C400] =	vst v63  }
0x47: {  	s6 =	sadd.s32 $0x9C40, s6  }
0x48: {  	[tilespmem:s21], [sflag:$0x1] =	stream.linear.gather [hbm4b:s6+s3], $0x200, $0x38;
	[tilespmem:$0x1C400] =	vst v63  }
0x49: {  	_ =	swait.ge [sflag:s22], $0x200  }
0x4a: {  	[sflag:s22] =	ssyncset.done $0x0  }
0x4b: {  	[sflag:s22] =	ssyncadd.s32 $0xFFFFFE00  }
0x4c: {  	_ =	swait.ge [sflag:s22], $0x200  }
0x4d: {  	[sflag:s22] =	ssyncset.done $0x0  }
0x4e: {  	[sflag:s22] =	ssyncadd.s32 $0xFFFFFE00  }
0x4f: {  	[tilespmem:s17], [sflag:$0x2] =	stream.indirect.gather [spmem:s2], $0x40, s21, s23, $0xb8;
	[tilespmem:$0x1C400] =	vst v63  }
0x50: {  	_ = 	snop  }
0x51: {  	[tilespmem:s26], [sflag:$0x3] =	stream.indirect.gather [hbm4b:s5+s23], $0x40, s24, s23, $0xb8;
	[tilespmem:$0x1C400] =	vst v63  }
0x52: {  	_ = 	snop  }
0x53: {  	[tilespmem:s29], [sflag:$0x4] =	stream.indirect.gather [spmem:s2], $0x40, s28, s23, $0xb8;
	[tilespmem:$0x1C400] =	vst v63  }
0x54: {  	_ = 	snop  }
0x55: {  	[tilespmem:s31], [sflag:$0x5] =	stream.indirect.gather [hbm4b:s5+s23], $0x40, s30, s23, $0xb8;
	[tilespmem:$0x1C400] =	vst v63  }
0x56: {  	_ =	swait.ge [sflag:s0], $0x2000  }
0x57: {  	[sflag:s0] =	ssyncset.done $0x0  }
0x58: {  	[sflag:s0] =	ssyncadd.s32 $0xFFFFE000  }
0x59: {  	[spmem:s1] =	stream.indirect.scatter.add.f32 [tilespmem:s17], [sflag:$0x6], $0x40, s20, s23, $0xb8;
	[tilespmem:$0x1C400] =	vst v63  }
0x5a: {  	_ =	swait.ge [sflag:s4], $0x2000  }
0x5b: {  	[sflag:s4] =	ssyncset.done $0x0  }
0x5c: {  	[sflag:s4] =	ssyncadd.s32 $0xFFFFE000  }
0x5d: {  	[spmem:s1] =	stream.indirect.scatter.add.f32 [tilespmem:s26], [sflag:$0x7], $0x40, s7, s23, $0xb8;
	[tilespmem:$0x1C400] =	vst v63  }
0x5e: {  	_ =	swait.ge [sflag:s8], $0x2000  }
0x5f: {  	[sflag:s8] =	ssyncset.done $0x0  }
0x60: {  	[sflag:s8] =	ssyncadd.s32 $0xFFFFE000  }
0x61: {  	[spmem:s1] =	stream.indirect.scatter.add.f32 [tilespmem:s29], [sflag:$0x8], $0x40, s9, s23, $0xb8;
	[tilespmem:$0x1C400] =	vst v63  }
0x62: {  	_ =	swait.ge [sflag:s10], $0x2000  }
0x63: {  	[sflag:s10] =	ssyncset.done $0x0  }
0x64: {  	[sflag:s10] =	ssyncadd.s32 $0xFFFFE000  }
0x65: {  	[spmem:s1] =	stream.indirect.scatter.add.f32 [tilespmem:s31], [sflag:$0x9], $0x40, s11, s23, $0xb8;
	[tilespmem:$0x1C400] =	vst v63  }
0x66: {  	_ =	swait.ge [sflag:s12], $0x2000  }
0x67: {  	[sflag:s12] =	ssyncset.done $0x0  }
0x68: {  	[sflag:s12] =	ssyncadd.s32 $0xFFFFE000  }
0x69: {  	_ =	swait.ge [sflag:s13], $0x2000  }
0x6a: {  	[sflag:s13] =	ssyncset.done $0x0  }
0x6b: {  	[sflag:s13] =	ssyncadd.s32 $0xFFFFE000  }
0x6c: {  	_ =	swait.ge [sflag:s15], $0x2000  }
0x6d: {  	[sflag:s15] =	ssyncset.done $0x0  }
0x6e: {  	[sflag:s15] =	ssyncadd.s32 $0xFFFFE000  }
0x6f: {  	s25 =	simm.s32 $0x400;
	_ =	swait.ge [sflag:s16], $0x2000  }
0x70: {  	s6 =	simm.s32 $0x800;
	s14 =	rddreg [dreg:$0x5];
	[sflag:s16] =	ssyncset.done $0x0  }
.LBB2_4:
0x71: {  	[sflag:s16] =	ssyncadd.s32 $0xFFFFE000;
	s14 =	sadd.s32 s25, s14  }
0x72: {  	[tilespmem:s20], [sflag:$0x1] =	stream.linear.gather [hbm4b:s14+s3], $0x200, $0x38;
	[tilespmem:$0x1C400] =	vst v63  }
0x73: {  	s14 =	sadd.s32 $0x9C40, s14  }
0x74: {  	[tilespmem:s21], [sflag:$0x1] =	stream.linear.gather [hbm4b:s14+s3], $0x200, $0x38;
	[tilespmem:$0x1C400] =	vst v63  }
0x75: {  	_ =	swait.ge [sflag:s22], $0x200  }
0x76: {  	[sflag:s22] =	ssyncset.done $0x0  }
0x77: {  	[sflag:s22] =	ssyncadd.s32 $0xFFFFFE00  }
0x78: {  	_ =	swait.ge [sflag:s22], $0x200  }
0x79: {  	[sflag:s22] =	ssyncset.done $0x0  }
0x7a: {  	[sflag:s22] =	ssyncadd.s32 $0xFFFFFE00  }
0x7b: {  	[tilespmem:s17], [sflag:$0x2] =	stream.indirect.gather [spmem:s2], $0x40, s21, s23, $0xb8;
	[tilespmem:$0x1C400] =	vst v63  }
0x7c: {  	_ = 	snop  }
0x7d: {  	[tilespmem:s26], [sflag:$0x3] =	stream.indirect.gather [hbm4b:s5+s23], $0x40, s24, s23, $0xb8;
	[tilespmem:$0x1C400] =	vst v63  }
0x7e: {  	_ = 	snop  }
0x7f: {  	[tilespmem:s29], [sflag:$0x4] =	stream.indirect.gather [spmem:s2], $0x40, s28, s23, $0xb8;
	[tilespmem:$0x1C400] =	vst v63  }
0x80: {  	_ = 	snop  }
0x81: {  	[tilespmem:s31], [sflag:$0x5] =	stream.indirect.gather [hbm4b:s5+s23], $0x40, s30, s23, $0xb8;
	[tilespmem:$0x1C400] =	vst v63  }
0x82: {  	_ =	swait.ge [sflag:s0], $0x2000  }
0x83: {  	[sflag:s0] =	ssyncset.done $0x0  }
0x84: {  	[sflag:s0] =	ssyncadd.s32 $0xFFFFE000  }
0x85: {  	[spmem:s1] =	stream.indirect.scatter.add.f32 [tilespmem:s17], [sflag:$0x6], $0x40, s20, s23, $0xb8;
	[tilespmem:$0x1C400] =	vst v63  }
0x86: {  	_ =	swait.ge [sflag:s4], $0x2000  }
0x87: {  	[sflag:s4] =	ssyncset.done $0x0  }
0x88: {  	[sflag:s4] =	ssyncadd.s32 $0xFFFFE000  }
0x89: {  	[spmem:s1] =	stream.indirect.scatter.add.f32 [tilespmem:s26], [sflag:$0x7], $0x40, s7, s23, $0xb8;
	[tilespmem:$0x1C400] =	vst v63  }
0x8a: {  	_ =	swait.ge [sflag:s8], $0x2000  }
0x8b: {  	[sflag:s8] =	ssyncset.done $0x0  }
0x8c: {  	[sflag:s8] =	ssyncadd.s32 $0xFFFFE000  }
0x8d: {  	[spmem:s1] =	stream.indirect.scatter.add.f32 [tilespmem:s29], [sflag:$0x8], $0x40, s9, s23, $0xb8;
	[tilespmem:$0x1C400] =	vst v63  }
0x8e: {  	_ =	swait.ge [sflag:s10], $0x2000  }
0x8f: {  	[sflag:s10] =	ssyncset.done $0x0  }
0x90: {  	[sflag:s10] =	ssyncadd.s32 $0xFFFFE000  }
0x91: {  	[spmem:s1] =	stream.indirect.scatter.add.f32 [tilespmem:s31], [sflag:$0x9], $0x40, s11, s23, $0xb8;
	[tilespmem:$0x1C400] =	vst v63  }
0x92: {  	_ =	swait.ge [sflag:s12], $0x2000  }
0x93: {  	[sflag:s12] =	ssyncset.done $0x0  }
0x94: {  	[sflag:s12] =	ssyncadd.s32 $0xFFFFE000  }
0x95: {  	_ =	swait.ge [sflag:s13], $0x2000  }
0x96: {  	[sflag:s13] =	ssyncset.done $0x0  }
0x97: {  	p1 =	sne.s32 s6, $0x9800;
	[sflag:s13] =	ssyncadd.s32 $0xFFFFE000  }
.Ltmp1:
0x98: {  	_ =	swait.ge [sflag:s15], $0x2000;
	(pc) =	sbr.rel @p1 .LBB2_4-.Ltmp1, $4  }
0x99: {  	[sflag:s15] =	ssyncset.done $0x0  }
0x9a: {  	[sflag:s15] =	ssyncadd.s32 $0xFFFFE000  }
0x9b: {  	s19 =	smov.u32 s6;
	s6 =	sadd.s32 $0x400, s6;
	_ =	swait.ge [sflag:s16], $0x2000  }
0x9c: {  	s25 =	smov.u32 s19;
	s14 =	rddreg [dreg:$0x5];
	[sflag:s16] =	ssyncset.done $0x0  }
0x9d: {  	[sflag:s16] =	ssyncadd.s32 $0xFFFFE000;
	s6 =	sadd.s32 s25, s14  }
0x9e: {  	[tilespmem:s20], [sflag:$0x1] =	stream.linear.gather [hbm4b:s6+s3], $0x200, $0x38;
	[tilespmem:$0x1C400] =	vst v63  }
0x9f: {  	s6 =	sadd.s32 $0x9C40, s6  }
0xa0: {  	[tilespmem:s21], [sflag:$0x1] =	stream.linear.gather [hbm4b:s6+s3], $0x200, $0x38;
	[tilespmem:$0x1C400] =	vst v63  }
0xa1: {  	_ =	swait.ge [sflag:s22], $0x200  }
0xa2: {  	[sflag:s22] =	ssyncset.done $0x0  }
0xa3: {  	[sflag:s22] =	ssyncadd.s32 $0xFFFFFE00  }
0xa4: {  	_ =	swait.ge [sflag:s22], $0x200  }
0xa5: {  	[sflag:s22] =	ssyncset.done $0x0  }
0xa6: {  	[sflag:s22] =	ssyncadd.s32 $0xFFFFFE00  }
0xa7: {  	[tilespmem:s17], [sflag:$0x2] =	stream.indirect.gather [spmem:s2], $0x40, s21, s23, $0xb8;
	[tilespmem:$0x1C400] =	vst v63  }
0xa8: {  	_ = 	snop  }
0xa9: {  	[tilespmem:s26], [sflag:$0x3] =	stream.indirect.gather [hbm4b:s5+s23], $0x40, s24, s23, $0xb8;
	[tilespmem:$0x1C400] =	vst v63  }
0xaa: {  	_ = 	snop  }
0xab: {  	[tilespmem:s29], [sflag:$0x4] =	stream.indirect.gather [spmem:s2], $0x40, s28, s23, $0xb8;
	[tilespmem:$0x1C400] =	vst v63  }
0xac: {  	_ = 	snop  }
0xad: {  	[tilespmem:s31], [sflag:$0x5] =	stream.indirect.gather [hbm4b:s5+s23], $0x40, s30, s23, $0xb8;
	[tilespmem:$0x1C400] =	vst v63  }
0xae: {  	_ =	swait.ge [sflag:s0], $0x2000  }
0xaf: {  	[sflag:s0] =	ssyncset.done $0x0  }
0xb0: {  	[sflag:s0] =	ssyncadd.s32 $0xFFFFE000  }
0xb1: {  	[spmem:s1] =	stream.indirect.scatter.add.f32 [tilespmem:s17], [sflag:$0x6], $0x40, s20, s23, $0xb8;
	[tilespmem:$0x1C400] =	vst v63  }
0xb2: {  	_ =	swait.ge [sflag:s4], $0x2000  }
0xb3: {  	[sflag:s4] =	ssyncset.done $0x0  }
0xb4: {  	[sflag:s4] =	ssyncadd.s32 $0xFFFFE000  }
0xb5: {  	[spmem:s1] =	stream.indirect.scatter.add.f32 [tilespmem:s26], [sflag:$0x7], $0x40, s7, s23, $0xb8;
	[tilespmem:$0x1C400] =	vst v63  }
0xb6: {  	_ =	swait.ge [sflag:s8], $0x2000  }
0xb7: {  	[sflag:s8] =	ssyncset.done $0x0  }
0xb8: {  	[sflag:s8] =	ssyncadd.s32 $0xFFFFE000  }
0xb9: {  	[spmem:s1] =	stream.indirect.scatter.add.f32 [tilespmem:s29], [sflag:$0x8], $0x40, s9, s23, $0xb8;
	[tilespmem:$0x1C400] =	vst v63  }
0xba: {  	_ =	swait.ge [sflag:s10], $0x2000  }
0xbb: {  	[sflag:s10] =	ssyncset.done $0x0  }
0xbc: {  	[sflag:s10] =	ssyncadd.s32 $0xFFFFE000  }
0xbd: {  	[spmem:s1] =	stream.indirect.scatter.add.f32 [tilespmem:s31], [sflag:$0x9], $0x40, s11, s23, $0xb8;
	[tilespmem:$0x1C400] =	vst v63  }
0xbe: {  	_ =	swait.ge [sflag:s12], $0x2000  }
0xbf: {  	[sflag:s12] =	ssyncset.done $0x0  }
0xc0: {  	[sflag:s12] =	ssyncadd.s32 $0xFFFFE000  }
0xc1: {  	_ =	swait.ge [sflag:s13], $0x2000  }
0xc2: {  	[sflag:s13] =	ssyncset.done $0x0  }
0xc3: {  	[sflag:s13] =	ssyncadd.s32 $0xFFFFE000  }
0xc4: {  	_ =	swait.ge [sflag:s15], $0x2000  }
0xc5: {  	[sflag:s15] =	ssyncset.done $0x0  }
0xc6: {  	[sflag:s15] =	ssyncadd.s32 $0xFFFFE000  }
0xc7: {  	_ =	swait.ge [sflag:s16], $0x2000  }
0xc8: {  	s14 =	simm.s32 @!p0 $0x14000;
	[sflag:s16] =	ssyncset.done $0x0  }
0xc9: {  	s6 =	simm.s32 @!p0 $0x0;
	s19 =	rddreg [dreg:$0x7];
	[sflag:s16] =	ssyncadd.s32 $0xFFFFE000  }
0xca: {  	[tilespmem:s14], [sflag:$0x1] =	stream.linear.gather @!p0 [hbm4b:s19+s6], $0x80, $0x38;
	[tilespmem:$0x1C400] =	vst v63  }
0xcb: {  	s25 =	rddreg [dreg:$0x8];
	s19 =	simm.s32 @!p0 $0x14200  }
0xcc: {  	[tilespmem:s19], [sflag:$0x1] =	stream.linear.gather @!p0 [hbm4b:s25+s6], $0x80, $0x38;
	[tilespmem:$0x1C400] =	vst v63  }
0xcd: {  	s6 =	simm.s32 @!p0 $0x1  }
0xce: {  	_ =	swait.ge @!p0 [sflag:s6], $0x80  }
0xcf: {  	[sflag:s6] =	ssyncset.done @!p0 $0x0  }
0xd0: {  	[sflag:s6] =	ssyncadd.s32 @!p0 $0xFFFFFF80  }
0xd1: {  	_ =	swait.ge @!p0 [sflag:s6], $0x80  }
0xd2: {  	[sflag:s6] =	ssyncset.done @!p0 $0x0  }
0xd3: {  	s25 =	simm.s32 @!p0 $0x14400;
	[sflag:s6] =	ssyncadd.s32 @!p0 $0xFFFFFF80;
	s6 =	simm.s32 @!p0 $0x80  }
0xd4: {  	[tilespmem:s25], [sflag:$0x2] =	stream.indirect.gather @!p0 [spmem:s2], $0x40, s19, s6, $0xb8;
	[tilespmem:$0x1C400] =	vst v63  }
0xd5: {  	s19 =	simm.s32 @!p0 $0x2  }
0xd6: {  	_ =	swait.ge @!p0 [sflag:s19], $0x2000  }
0xd7: {  	[sflag:s19] =	ssyncset.done @!p0 $0x0  }
0xd8: {  	[sflag:s19] =	ssyncadd.s32 @!p0 $0xFFFFE000  }
0xd9: {  	[spmem:s1] =	stream.indirect.scatter.add.f32 @!p0 [tilespmem:s25], [sflag:$0x6], $0x40, s14, s6, $0xb8;
	[tilespmem:$0x1C400] =	vst v63  }
0xda: {  	s6 =	simm.s32 @!p0 $0x6  }
0xdb: {  	_ =	swait.ge @!p0 [sflag:s6], $0x2000  }
0xdc: {  	[sflag:s6] =	ssyncset.done @!p0 $0x0  }
0xdd: {  	[sflag:s6] =	ssyncadd.s32 @!p0 $0xFFFFE000  }
0xde: {  	[bflag:$0x0] =	sbarrier.arrive $0xFFFF  }
0xdf: {  	s14 =	rddreg [dreg:$0x10]  }
0xe0: {  	s19 =	rddreg [dreg:$0x12]  }
0xe1: {  	s25 =	rddreg [dreg:$0x14]  }
0xe2: {  	[hbm:s14], [sflag:s25] =	dma.local [spmem:s19], $0x1400  }
0xe3: {  	_ =	swait.ge [sflag:s18], $0x1400  }
0xe4: {  	s19 =	rddreg [dreg:$0x13]  }
0xe5: {  	s25 =	rddreg [dreg:$0x9];
	s14 =	sadd.s32 $0x1, s19  }
0xe6: {  	p1 =	sne.s32 s14, s25  }
.Ltmp2:
0xe7: {  	_ = 	snop;
	(pc) =	sbr.rel @p1 .LBB2_1-.Ltmp2, $3  }
0xe8: {  	_ =	sdelay $0x1  }
0xe9: {  	[sflag:s18] =	ssyncset.done $0x0  }
0xea: {  	[sflag:s18] =	ssyncadd.s32 $0xFFFFEC00  }
0xeb: {  	_ =	sfence.sel $0x180000  }
0xec: {  	[bflag:$0x0] =	sbarrier.arrive $0xFFFF  }
0xed: {  	_ =	strace $0x9000004A  }
0xee: {  	s0 =	stileid.u32;
	[bflag:$0x2] =	sbarrier.arrive $0xFFFF  }
0xef: {  	p0 =	sne.s32 s0, $0x0;
	s0 =	rddreg [dreg:$0x4]  }
0xf0: {  	s0 =	sadd.s32 @!p0 $0x100000, s0  }
0xf1: {  	[sflag:s0] =	ssyncadd.tile.s32 @!p0 $0x1;
	_ =	shalt  }
.Lfunc_end2:
_tile_overlayer_lowered:
.L_overlay_start_2:
0xf2: {  	(tag) =	ssettag $0x2  }
0xf3: {  	s0 =	rddreg [dreg:$0x0];
	s2 =	stileid.u32  }
0xf4: {  	s1 =	rddreg [dreg:$0x1];
	p0 =	sne.s32 s2, $0x0  }
0xf5: {  	s3 =	rddreg [dreg:$0x2];
	[bflag:$0x3] =	sbarrier.arrive $0xFFFF;
	s2 =	simm.s32 @!p0 $0x1C0A  }
0xf6: {  	[timem:s3], [sflag:s2] =	dma.local @!p0 [hbm:s0], s1  }
0xf7: {  	s0 =	simm.s32 @!p0 $0xA  }
0xf8: {  	_ =	swait.ge @!p0 [sflag:s0], s1  }
0xf9: {  	s1 =	ssub.s32 @!p0 $0x0, s1;
	[sflag:s0] =	ssyncset.done @!p0 $0x0  }
0xfa: {  	[sflag:s0] =	ssyncadd.s32 @!p0 s1  }
0xfb: {  	[bflag:$0x3] =	sbarrier.arrive $0xFFFF  }
0xfc: {  	_ =	shalt  }

</sc_bundles>
